<compile_context>
chip_gen: v7x
topology: tpu7x:2x2x1
jax: 0.10.2.dev20260603
libtpu: 0.0.44.dev20260713+nightly
codegen_flags: <defaults>
</compile_context>

<pallas_src>
import functools

import jax
import jax.numpy as jnp
from jax import lax
from jax.experimental import pallas as pl
from jax.experimental.pallas import tpu as pltpu
from jax.experimental.pallas import tpu_sc as plsc

N_NODES = 10000
N_EDGES = 320000
D_FEAT = 128

NC = 2
NS = 16
L = 16
NW = NC * NS
EPW = N_EDGES // NW
CHUNK = 400
NCHUNK = EPW // CHUNK
NG = CHUNK // L

_mesh = plsc.VectorSubcoreMesh(core_axis_name="c", subcore_axis_name="s")


@functools.partial(
    pl.kernel,
    out_type=jax.ShapeDtypeStruct((N_EDGES,), jnp.float32),
    mesh=_mesh,
    scratch_types=[
        pltpu.VMEM((CHUNK,), jnp.int32),
        pltpu.VMEM((CHUNK,), jnp.int32),
        pltpu.VMEM((CHUNK, D_FEAT), jnp.float32),
        pltpu.VMEM((CHUNK, D_FEAT), jnp.float32),
        pltpu.VMEM((CHUNK,), jnp.float32),
        pltpu.SemaphoreType.DMA,
        pltpu.SemaphoreType.DMA,
    ],
    compiler_params=pltpu.CompilerParams(needs_layout_passes=False),
)
def _edge_dot(h_hbm, src_hbm, dst_hbm, out_hbm,
              sidx, didx, srows, drows, outv, sem_s, sem_d):
    wid = lax.axis_index("s") * NC + lax.axis_index("c")
    base = wid * EPW

    @pl.loop(0, NCHUNK)
    def _chunk(ci):
        off = base + ci * CHUNK
        pltpu.sync_copy(src_hbm.at[pl.ds(off, CHUNK)], sidx)
        pltpu.sync_copy(dst_hbm.at[pl.ds(off, CHUNK)], didx)
        cp_s = pltpu.async_copy(h_hbm.at[sidx], srows, sem_s)
        cp_d = pltpu.async_copy(h_hbm.at[didx], drows, sem_d)
        cp_s.wait()
        cp_d.wait()

        @pl.loop(0, NG)
        def _group(g):
            rows = lax.iota(jnp.int32, L) + g * L
            acc = jnp.zeros((L,), jnp.float32)
            for f in range(D_FEAT):
                fv = jnp.full((L,), f, jnp.int32)
                sv = plsc.load_gather(srows, [rows, fv])
                dv = plsc.load_gather(drows, [rows, fv])
                acc = acc + sv * dv
            outv[pl.ds(g * L, L)] = acc

        pltpu.sync_copy(outv, out_hbm.at[pl.ds(off, CHUNK)])


def kernel(h, edge_index):
    src = edge_index[0]
    dst = edge_index[1]
    return _edge_dot(h, src, dst)

# --- scband reference (transcript-rebuilt; emitter-appended) ---
"""Pipeline reference for scband-dot-predictor-18159121728020 (READ-ONLY COPY).

The authoritative reference and input builder live on the scoring server;
editing this copy changes nothing except your own understanding.
"""

import jax, jax.numpy as jnp
import numpy as np

N_NODES = 10000
N_EDGES = 320000
D_FEAT = 128

def setup_inputs(seed: int = 0) -> dict:
    key = jax.random.key(seed)
    k1, k2 = jax.random.split(key)
    h = jax.random.normal(k1, (N_NODES, D_FEAT), dtype=jnp.float32)
    edge_index = jax.random.randint(k2, (2, N_EDGES), 0, N_NODES, dtype=jnp.int64 if jax.config.jax_enable_x64 else jnp.int32).astype(jnp.int32)
    return {"h": h, "edge_index": edge_index}

def reference(h, edge_index):
    # DGL u_dot_v('h','h','score'): per-edge dot product of src and dst node features.
    src = edge_index[0]
    dst = edge_index[1]
    h_src = jnp.take(h, src, axis=0)  # gather [E, d]
    h_dst = jnp.take(h, dst, axis=0)  # gather [E, d]
    score = jnp.sum(h_src * h_dst, axis=1)  # [E]  (== g.edata['score'][:, 0])
    return score

if __name__ == "__main__":
    import jax
    _d = setup_inputs()
    print(jax.jit(kernel)(*tuple(_d.values())))

</pallas_src>

<mosaic_0001>
#map = affine_map<(d0, d1) -> (0, 0)>
#map1 = affine_map<(d0, d1) -> (0)>
module attributes {stable_mosaic.version = 14 : i64} {
  func.func @_edge_dot(%arg0: i32, %arg1: i32, %arg2: memref<10000x128xf32, #tpu.memory_space<hbm>>, %arg3: memref<320000xi32, #tpu.memory_space<hbm>>, %arg4: memref<320000xi32, #tpu.memory_space<hbm>>, %arg5: memref<320000xf32, #tpu.memory_space<hbm>>, %arg6: memref<400xi32, #tpu.memory_space<vmem>>, %arg7: memref<400xi32, #tpu.memory_space<vmem>>, %arg8: memref<400x128xf32, #tpu.memory_space<vmem>>, %arg9: memref<400x128xf32, #tpu.memory_space<vmem>>, %arg10: memref<400xf32, #tpu.memory_space<vmem>>, %arg11: memref<!tpu.dma_semaphore, #tpu.memory_space<semaphore_mem>>, %arg12: memref<!tpu.dma_semaphore, #tpu.memory_space<semaphore_mem>>) attributes {dimension_semantics = [#tpu.dimension_semantics<core_parallel>, #tpu.dimension_semantics<subcore_parallel>], iteration_bounds = array<i64: 2, 16>, scalar_prefetch = 0 : i64, scratch_operands = 7 : i64, tpu.core_type = #tpu.core_type<sc_vector_subcore>, window_params = [{transform_indices = #map}, {transform_indices = #map1}, {transform_indices = #map1}, {transform_indices = #map1}]} {
    %mul3A = arith.constant 2 : i32
    %mul3A_0 = arith.muli %arg1, %mul3A : i32
    %add3A = arith.addi %mul3A_0, %arg0 : i32
    %mul3A_1 = arith.constant 10000 : i32
    %mul3A_2 = arith.muli %add3A, %mul3A_1 : i32
    %scan3A = arith.constant 0 : i32
    %scan3A_3 = arith.constant 25 : i32
    %scan3A_4 = arith.addi %scan3A, %scan3A_3 : i32
    %scan3A_5 = arith.constant 1 : i32
    scf.for %scan3A_7 = %scan3A to %scan3A_4 step %scan3A_5  : i32 {
      %mul3A_8 = arith.constant 1 : i32
      %mul3A_9 = arith.muli %scan3A_7, %mul3A_8 : i32
      %add3A_10 = arith.constant 0 : i32
      %add3A_11 = arith.addi %add3A_10, %mul3A_9 : i32
      %mul3A_12 = arith.constant 400 : i32
      %mul3A_13 = arith.muli %add3A_11, %mul3A_12 : i32
      %add3A_14 = arith.addi %mul3A_2, %mul3A_13 : i32
      "tpu.region"() ({
        %run_scoped3A = tpu.sem_alloc : memref<!tpu.dma_semaphore, #tpu.memory_space<semaphore_mem>>
        %dma_start3A_30 = tpu.memref_slice %arg3[%add3A_14] : memref<320000xi32, #tpu.memory_space<hbm>> -> memref<400xi32, #tpu.memory_space<hbm>>
        %dma_start3A_31 = tpu.memref_slice %arg3[%add3A_14] : memref<320000xi32, #tpu.memory_space<hbm>> -> memref<400xi32, #tpu.memory_space<hbm>>
        tpu.enqueue_dma source(%dma_start3A_31 : memref<400xi32, #tpu.memory_space<hbm>>) target(%arg6 : memref<400xi32, #tpu.memory_space<vmem>>) target_semaphore(%run_scoped3A : memref<!tpu.dma_semaphore, #tpu.memory_space<semaphore_mem>>)
        %dma_wait3A_32 = tpu.memref_slice %arg3[%add3A_14] : memref<320000xi32, #tpu.memory_space<hbm>> -> memref<400xi32, #tpu.memory_space<hbm>>
        %dma_wait3A_33 = tpu.memref_slice %arg3[%add3A_14] : memref<320000xi32, #tpu.memory_space<hbm>> -> memref<400xi32, #tpu.memory_space<hbm>>
        tpu.wait_dma2 semaphore(%run_scoped3A : memref<!tpu.dma_semaphore, #tpu.memory_space<semaphore_mem>>) src(%dma_wait3A_33 : memref<400xi32, #tpu.memory_space<hbm>>) dst(%arg6 : memref<400xi32, #tpu.memory_space<vmem>>)
        tpu.yield
      }) : () -> ()
      "tpu.region"() ({
        %run_scoped3A = tpu.sem_alloc : memref<!tpu.dma_semaphore, #tpu.memory_space<semaphore_mem>>
        %dma_start3A_30 = tpu.memref_slice %arg4[%add3A_14] : memref<320000xi32, #tpu.memory_space<hbm>> -> memref<400xi32, #tpu.memory_space<hbm>>
        %dma_start3A_31 = tpu.memref_slice %arg4[%add3A_14] : memref<320000xi32, #tpu.memory_space<hbm>> -> memref<400xi32, #tpu.memory_space<hbm>>
        tpu.enqueue_dma source(%dma_start3A_31 : memref<400xi32, #tpu.memory_space<hbm>>) target(%arg7 : memref<400xi32, #tpu.memory_space<vmem>>) target_semaphore(%run_scoped3A : memref<!tpu.dma_semaphore, #tpu.memory_space<semaphore_mem>>)
        %dma_wait3A_32 = tpu.memref_slice %arg4[%add3A_14] : memref<320000xi32, #tpu.memory_space<hbm>> -> memref<400xi32, #tpu.memory_space<hbm>>
        %dma_wait3A_33 = tpu.memref_slice %arg4[%add3A_14] : memref<320000xi32, #tpu.memory_space<hbm>> -> memref<400xi32, #tpu.memory_space<hbm>>
        tpu.wait_dma2 semaphore(%run_scoped3A : memref<!tpu.dma_semaphore, #tpu.memory_space<semaphore_mem>>) src(%dma_wait3A_33 : memref<400xi32, #tpu.memory_space<hbm>>) dst(%arg7 : memref<400xi32, #tpu.memory_space<vmem>>)
        tpu.yield
      }) : () -> ()
      %dma_start3A = arith.constant 0 : i32
      %dma_start3A_15 = arith.constant 0 : i32
      %dma_start3A_16 = tpu.memref_slice %arg2[%dma_start3A, %dma_start3A_15] : memref<10000x128xf32, #tpu.memory_space<hbm>> -> memref<10000x128xf32, #tpu.memory_space<hbm>>
      tpu.enqueue_indirect_dma source(%dma_start3A_16 : memref<10000x128xf32, #tpu.memory_space<hbm>>) target(%arg8 : memref<400x128xf32, #tpu.memory_space<vmem>>) offsets(%arg6 : memref<400xi32, #tpu.memory_space<vmem>>) semaphore(%arg11 : memref<!tpu.dma_semaphore, #tpu.memory_space<semaphore_mem>>)
      %dma_start3A_17 = arith.constant 0 : i32
      %dma_start3A_18 = arith.constant 0 : i32
      %dma_start3A_19 = tpu.memref_slice %arg2[%dma_start3A_17, %dma_start3A_18] : memref<10000x128xf32, #tpu.memory_space<hbm>> -> memref<10000x128xf32, #tpu.memory_space<hbm>>
      tpu.enqueue_indirect_dma source(%dma_start3A_19 : memref<10000x128xf32, #tpu.memory_space<hbm>>) target(%arg9 : memref<400x128xf32, #tpu.memory_space<vmem>>) offsets(%arg7 : memref<400xi32, #tpu.memory_space<vmem>>) semaphore(%arg12 : memref<!tpu.dma_semaphore, #tpu.memory_space<semaphore_mem>>)
      %dma_wait3A = arith.constant 0 : i32
      %dma_wait3A_20 = arith.constant 0 : i32
      %dma_wait3A_21 = tpu.memref_slice %arg2[%dma_wait3A, %dma_wait3A_20] : memref<10000x128xf32, #tpu.memory_space<hbm>> -> memref<10000x128xf32, #tpu.memory_space<hbm>>
      tpu.wait_indirect_dma semaphore(%arg11 : memref<!tpu.dma_semaphore, #tpu.memory_space<semaphore_mem>>) src(%dma_wait3A_21 : memref<10000x128xf32, #tpu.memory_space<hbm>>) dst(%arg8 : memref<400x128xf32, #tpu.memory_space<vmem>>)
      %dma_wait3A_22 = arith.constant 0 : i32
      %dma_wait3A_23 = arith.constant 0 : i32
      %dma_wait3A_24 = tpu.memref_slice %arg2[%dma_wait3A_22, %dma_wait3A_23] : memref<10000x128xf32, #tpu.memory_space<hbm>> -> memref<10000x128xf32, #tpu.memory_space<hbm>>
      tpu.wait_indirect_dma semaphore(%arg12 : memref<!tpu.dma_semaphore, #tpu.memory_space<semaphore_mem>>) src(%dma_wait3A_24 : memref<10000x128xf32, #tpu.memory_space<hbm>>) dst(%arg9 : memref<400x128xf32, #tpu.memory_space<vmem>>)
      %scan3A_25 = arith.constant 0 : i32
      %scan3A_26 = arith.constant 25 : i32
      %scan3A_27 = arith.addi %scan3A_25, %scan3A_26 : i32
      %scan3A_28 = arith.constant 1 : i32
      scf.for %scan3A_30 = %scan3A_25 to %scan3A_27 step %scan3A_28  : i32 {
        %mul3A_31 = arith.constant 1 : i32
        %mul3A_32 = arith.muli %scan3A_30, %mul3A_31 : i32
        %add3A_33 = arith.constant 0 : i32
        %add3A_34 = arith.addi %add3A_33, %mul3A_32 : i32
        %iota3A = tpu.iota {dimensions = array<i32: 0>} : vector<16xi32>
        %mul3A_35 = arith.constant 16 : i32
        %mul3A_36 = arith.muli %add3A_34, %mul3A_35 : i32
        %add3A_37 = vector.broadcast %mul3A_36 : i32 to vector<16xi32>
        %add3A_38 = arith.addi %iota3A, %add3A_37 : vector<16xi32>
        %broadcast_in_dim3A = arith.constant 0.000000e+00 : f32
        %broadcast_in_dim3A_39 = vector.broadcast %broadcast_in_dim3A : f32 to vector<16xf32>
        %broadcast_in_dim3A_40 = arith.constant 0 : i32
        %broadcast_in_dim3A_41 = vector.broadcast %broadcast_in_dim3A_40 : i32 to vector<16xi32>
        %gather3A = tpu.vector_load_idx %arg8[%add3A_38, %broadcast_in_dim3A_41] : memref<400x128xf32, #tpu.memory_space<vmem>>[vector<16xi32>, vector<16xi32>], vector<16xf32>,
        %gather3A_42 = tpu.vector_load_idx %arg9[%add3A_38, %broadcast_in_dim3A_41] : memref<400x128xf32, #tpu.memory_space<vmem>>[vector<16xi32>, vector<16xi32>], vector<16xf32>,
        %mul3A_43 = arith.mulf %gather3A, %gather3A_42 : vector<16xf32>
        %add3A_44 = arith.addf %broadcast_in_dim3A_39, %mul3A_43 : vector<16xf32>
        %broadcast_in_dim3A_45 = arith.constant 1 : i32
        %broadcast_in_dim3A_46 = vector.broadcast %broadcast_in_dim3A_45 : i32 to vector<16xi32>
        %gather3A_47 = tpu.vector_load_idx %arg8[%add3A_38, %broadcast_in_dim3A_46] : memref<400x128xf32, #tpu.memory_space<vmem>>[vector<16xi32>, vector<16xi32>], vector<16xf32>,
        %gather3A_48 = tpu.vector_load_idx %arg9[%add3A_38, %broadcast_in_dim3A_46] : memref<400x128xf32, #tpu.memory_space<vmem>>[vector<16xi32>, vector<16xi32>], vector<16xf32>,
        %mul3A_49 = arith.mulf %gather3A_47, %gather3A_48 : vector<16xf32>
        %add3A_50 = arith.addf %add3A_44, %mul3A_49 : vector<16xf32>
        %broadcast_in_dim3A_51 = arith.constant 2 : i32
        %broadcast_in_dim3A_52 = vector.broadcast %broadcast_in_dim3A_51 : i32 to vector<16xi32>
        %gather3A_53 = tpu.vector_load_idx %arg8[%add3A_38, %broadcast_in_dim3A_52] : memref<400x128xf32, #tpu.memory_space<vmem>>[vector<16xi32>, vector<16xi32>], vector<16xf32>,
        %gather3A_54 = tpu.vector_load_idx %arg9[%add3A_38, %broadcast_in_dim3A_52] : memref<400x128xf32, #tpu.memory_space<vmem>>[vector<16xi32>, vector<16xi32>], vector<16xf32>,
        %mul3A_55 = arith.mulf %gather3A_53, %gather3A_54 : vector<16xf32>
        %add3A_56 = arith.addf %add3A_50, %mul3A_55 : vector<16xf32>
        %broadcast_in_dim3A_57 = arith.constant 3 : i32
        %broadcast_in_dim3A_58 = vector.broadcast %broadcast_in_dim3A_57 : i32 to vector<16xi32>
        %gather3A_59 = tpu.vector_load_idx %arg8[%add3A_38, %broadcast_in_dim3A_58] : memref<400x128xf32, #tpu.memory_space<vmem>>[vector<16xi32>, vector<16xi32>], vector<16xf32>,
        %gather3A_60 = tpu.vector_load_idx %arg9[%add3A_38, %broadcast_in_dim3A_58] : memref<400x128xf32, #tpu.memory_space<vmem>>[vector<16xi32>, vector<16xi32>], vector<16xf32>,
        %mul3A_61 = arith.mulf %gather3A_59, %gather3A_60 : vector<16xf32>
        %add3A_62 = arith.addf %add3A_56, %mul3A_61 : vector<16xf32>
        %broadcast_in_dim3A_63 = arith.constant 4 : i32
        %broadcast_in_dim3A_64 = vector.broadcast %broadcast_in_dim3A_63 : i32 to vector<16xi32>
        %gather3A_65 = tpu.vector_load_idx %arg8[%add3A_38, %broadcast_in_dim3A_64] : memref<400x128xf32, #tpu.memory_space<vmem>>[vector<16xi32>, vector<16xi32>], vector<16xf32>,
        %gather3A_66 = tpu.vector_load_idx %arg9[%add3A_38, %broadcast_in_dim3A_64] : memref<400x128xf32, #tpu.memory_space<vmem>>[vector<16xi32>, vector<16xi32>], vector<16xf32>,
        %mul3A_67 = arith.mulf %gather3A_65, %gather3A_66 : vector<16xf32>
        %add3A_68 = arith.addf %add3A_62, %mul3A_67 : vector<16xf32>
        %broadcast_in_dim3A_69 = arith.constant 5 : i32
        %broadcast_in_dim3A_70 = vector.broadcast %broadcast_in_dim3A_69 : i32 to vector<16xi32>
        %gather3A_71 = tpu.vector_load_idx %arg8[%add3A_38, %broadcast_in_dim3A_70] : memref<400x128xf32, #tpu.memory_space<vmem>>[vector<16xi32>, vector<16xi32>], vector<16xf32>,
        %gather3A_72 = tpu.vector_load_idx %arg9[%add3A_38, %broadcast_in_dim3A_70] : memref<400x128xf32, #tpu.memory_space<vmem>>[vector<16xi32>, vector<16xi32>], vector<16xf32>,
        %mul3A_73 = arith.mulf %gather3A_71, %gather3A_72 : vector<16xf32>
        %add3A_74 = arith.addf %add3A_68, %mul3A_73 : vector<16xf32>
        %broadcast_in_dim3A_75 = arith.constant 6 : i32
        %broadcast_in_dim3A_76 = vector.broadcast %broadcast_in_dim3A_75 : i32 to vector<16xi32>
        %gather3A_77 = tpu.vector_load_idx %arg8[%add3A_38, %broadcast_in_dim3A_76] : memref<400x128xf32, #tpu.memory_space<vmem>>[vector<16xi32>, vector<16xi32>], vector<16xf32>,
        %gather3A_78 = tpu.vector_load_idx %arg9[%add3A_38, %broadcast_in_dim3A_76] : memref<400x128xf32, #tpu.memory_space<vmem>>[vector<16xi32>, vector<16xi32>], vector<16xf32>,
        %mul3A_79 = arith.mulf %gather3A_77, %gather3A_78 : vector<16xf32>
        %add3A_80 = arith.addf %add3A_74, %mul3A_79 : vector<16xf32>
        %broadcast_in_dim3A_81 = arith.constant 7 : i32
        %broadcast_in_dim3A_82 = vector.broadcast %broadcast_in_dim3A_81 : i32 to vector<16xi32>
        %gather3A_83 = tpu.vector_load_idx %arg8[%add3A_38, %broadcast_in_dim3A_82] : memref<400x128xf32, #tpu.memory_space<vmem>>[vector<16xi32>, vector<16xi32>], vector<16xf32>,
        %gather3A_84 = tpu.vector_load_idx %arg9[%add3A_38, %broadcast_in_dim3A_82] : memref<400x128xf32, #tpu.memory_space<vmem>>[vector<16xi32>, vector<16xi32>], vector<16xf32>,
        %mul3A_85 = arith.mulf %gather3A_83, %gather3A_84 : vector<16xf32>
        %add3A_86 = arith.addf %add3A_80, %mul3A_85 : vector<16xf32>
        %broadcast_in_dim3A_87 = arith.constant 8 : i32
        %broadcast_in_dim3A_88 = vector.broadcast %broadcast_in_dim3A_87 : i32 to vector<16xi32>
        %gather3A_89 = tpu.vector_load_idx %arg8[%add3A_38, %broadcast_in_dim3A_88] : memref<400x128xf32, #tpu.memory_space<vmem>>[vector<16xi32>, vector<16xi32>], vector<16xf32>,
        %gather3A_90 = tpu.vector_load_idx %arg9[%add3A_38, %broadcast_in_dim3A_88] : memref<400x128xf32, #tpu.memory_space<vmem>>[vector<16xi32>, vector<16xi32>], vector<16xf32>,
        %mul3A_91 = arith.mulf %gather3A_89, %gather3A_90 : vector<16xf32>
        %add3A_92 = arith.addf %add3A_86, %mul3A_91 : vector<16xf32>
        %broadcast_in_dim3A_93 = arith.constant 9 : i32
        %broadcast_in_dim3A_94 = vector.broadcast %broadcast_in_dim3A_93 : i32 to vector<16xi32>
        %gather3A_95 = tpu.vector_load_idx %arg8[%add3A_38, %broadcast_in_dim3A_94] : memref<400x128xf32, #tpu.memory_space<vmem>>[vector<16xi32>, vector<16xi32>], vector<16xf32>,
        %gather3A_96 = tpu.vector_load_idx %arg9[%add3A_38, %broadcast_in_dim3A_94] : memref<400x128xf32, #tpu.memory_space<vmem>>[vector<16xi32>, vector<16xi32>], vector<16xf32>,
        %mul3A_97 = arith.mulf %gather3A_95, %gather3A_96 : vector<16xf32>
        %add3A_98 = arith.addf %add3A_92, %mul3A_97 : vector<16xf32>
        %broadcast_in_dim3A_99 = arith.constant 10 : i32
        %broadcast_in_dim3A_100 = vector.broadcast %broadcast_in_dim3A_99 : i32 to vector<16xi32>
        %gather3A_101 = tpu.vector_load_idx %arg8[%add3A_38, %broadcast_in_dim3A_100] : memref<400x128xf32, #tpu.memory_space<vmem>>[vector<16xi32>, vector<16xi32>], vector<16xf32>,
        %gather3A_102 = tpu.vector_load_idx %arg9[%add3A_38, %broadcast_in_dim3A_100] : memref<400x128xf32, #tpu.memory_space<vmem>>[vector<16xi32>, vector<16xi32>], vector<16xf32>,
        %mul3A_103 = arith.mulf %gather3A_101, %gather3A_102 : vector<16xf32>
        %add3A_104 = arith.addf %add3A_98, %mul3A_103 : vector<16xf32>
        %broadcast_in_dim3A_105 = arith.constant 11 : i32
        %broadcast_in_dim3A_106 = vector.broadcast %broadcast_in_dim3A_105 : i32 to vector<16xi32>
        %gather3A_107 = tpu.vector_load_idx %arg8[%add3A_38, %broadcast_in_dim3A_106] : memref<400x128xf32, #tpu.memory_space<vmem>>[vector<16xi32>, vector<16xi32>], vector<16xf32>,
        %gather3A_108 = tpu.vector_load_idx %arg9[%add3A_38, %broadcast_in_dim3A_106] : memref<400x128xf32, #tpu.memory_space<vmem>>[vector<16xi32>, vector<16xi32>], vector<16xf32>,
        %mul3A_109 = arith.mulf %gather3A_107, %gather3A_108 : vector<16xf32>
        %add3A_110 = arith.addf %add3A_104, %mul3A_109 : vector<16xf32>
        %broadcast_in_dim3A_111 = arith.constant 12 : i32
        %broadcast_in_dim3A_112 = vector.broadcast %broadcast_in_dim3A_111 : i32 to vector<16xi32>
        %gather3A_113 = tpu.vector_load_idx %arg8[%add3A_38, %broadcast_in_dim3A_112] : memref<400x128xf32, #tpu.memory_space<vmem>>[vector<16xi32>, vector<16xi32>], vector<16xf32>,
        %gather3A_114 = tpu.vector_load_idx %arg9[%add3A_38, %broadcast_in_dim3A_112] : memref<400x128xf32, #tpu.memory_space<vmem>>[vector<16xi32>, vector<16xi32>], vector<16xf32>,
        %mul3A_115 = arith.mulf %gather3A_113, %gather3A_114 : vector<16xf32>
        %add3A_116 = arith.addf %add3A_110, %mul3A_115 : vector<16xf32>
        %broadcast_in_dim3A_117 = arith.constant 13 : i32
        %broadcast_in_dim3A_118 = vector.broadcast %broadcast_in_dim3A_117 : i32 to vector<16xi32>
        %gather3A_119 = tpu.vector_load_idx %arg8[%add3A_38, %broadcast_in_dim3A_118] : memref<400x128xf32, #tpu.memory_space<vmem>>[vector<16xi32>, vector<16xi32>], vector<16xf32>,
        %gather3A_120 = tpu.vector_load_idx %arg9[%add3A_38, %broadcast_in_dim3A_118] : memref<400x128xf32, #tpu.memory_space<vmem>>[vector<16xi32>, vector<16xi32>], vector<16xf32>,
        %mul3A_121 = arith.mulf %gather3A_119, %gather3A_120 : vector<16xf32>
        %add3A_122 = arith.addf %add3A_116, %mul3A_121 : vector<16xf32>
        %broadcast_in_dim3A_123 = arith.constant 14 : i32
        %broadcast_in_dim3A_124 = vector.broadcast %broadcast_in_dim3A_123 : i32 to vector<16xi32>
        %gather3A_125 = tpu.vector_load_idx %arg8[%add3A_38, %broadcast_in_dim3A_124] : memref<400x128xf32, #tpu.memory_space<vmem>>[vector<16xi32>, vector<16xi32>], vector<16xf32>,
        %gather3A_126 = tpu.vector_load_idx %arg9[%add3A_38, %broadcast_in_dim3A_124] : memref<400x128xf32, #tpu.memory_space<vmem>>[vector<16xi32>, vector<16xi32>], vector<16xf32>,
        %mul3A_127 = arith.mulf %gather3A_125, %gather3A_126 : vector<16xf32>
        %add3A_128 = arith.addf %add3A_122, %mul3A_127 : vector<16xf32>
        %broadcast_in_dim3A_129 = arith.constant 15 : i32
        %broadcast_in_dim3A_130 = vector.broadcast %broadcast_in_dim3A_129 : i32 to vector<16xi32>
        %gather3A_131 = tpu.vector_load_idx %arg8[%add3A_38, %broadcast_in_dim3A_130] : memref<400x128xf32, #tpu.memory_space<vmem>>[vector<16xi32>, vector<16xi32>], vector<16xf32>,
        %gather3A_132 = tpu.vector_load_idx %arg9[%add3A_38, %broadcast_in_dim3A_130] : memref<400x128xf32, #tpu.memory_space<vmem>>[vector<16xi32>, vector<16xi32>], vector<16xf32>,
        %mul3A_133 = arith.mulf %gather3A_131, %gather3A_132 : vector<16xf32>
        %add3A_134 = arith.addf %add3A_128, %mul3A_133 : vector<16xf32>
        %broadcast_in_dim3A_135 = arith.constant 16 : i32
        %broadcast_in_dim3A_136 = vector.broadcast %broadcast_in_dim3A_135 : i32 to vector<16xi32>
        %gather3A_137 = tpu.vector_load_idx %arg8[%add3A_38, %broadcast_in_dim3A_136] : memref<400x128xf32, #tpu.memory_space<vmem>>[vector<16xi32>, vector<16xi32>], vector<16xf32>,
        %gather3A_138 = tpu.vector_load_idx %arg9[%add3A_38, %broadcast_in_dim3A_136] : memref<400x128xf32, #tpu.memory_space<vmem>>[vector<16xi32>, vector<16xi32>], vector<16xf32>,
        %mul3A_139 = arith.mulf %gather3A_137, %gather3A_138 : vector<16xf32>
        %add3A_140 = arith.addf %add3A_134, %mul3A_139 : vector<16xf32>
        %broadcast_in_dim3A_141 = arith.constant 17 : i32
        %broadcast_in_dim3A_142 = vector.broadcast %broadcast_in_dim3A_141 : i32 to vector<16xi32>
        %gather3A_143 = tpu.vector_load_idx %arg8[%add3A_38, %broadcast_in_dim3A_142] : memref<400x128xf32, #tpu.memory_space<vmem>>[vector<16xi32>, vector<16xi32>], vector<16xf32>,
        %gather3A_144 = tpu.vector_load_idx %arg9[%add3A_38, %broadcast_in_dim3A_142] : memref<400x128xf32, #tpu.memory_space<vmem>>[vector<16xi32>, vector<16xi32>], vector<16xf32>,
        %mul3A_145 = arith.mulf %gather3A_143, %gather3A_144 : vector<16xf32>
        %add3A_146 = arith.addf %add3A_140, %mul3A_145 : vector<16xf32>
        %broadcast_in_dim3A_147 = arith.constant 18 : i32
        %broadcast_in_dim3A_148 = vector.broadcast %broadcast_in_dim3A_147 : i32 to vector<16xi32>
        %gather3A_149 = tpu.vector_load_idx %arg8[%add3A_38, %broadcast_in_dim3A_148] : memref<400x128xf32, #tpu.memory_space<vmem>>[vector<16xi32>, vector<16xi32>], vector<16xf32>,
        %gather3A_150 = tpu.vector_load_idx %arg9[%add3A_38, %broadcast_in_dim3A_148] : memref<400x128xf32, #tpu.memory_space<vmem>>[vector<16xi32>, vector<16xi32>], vector<16xf32>,
        %mul3A_151 = arith.mulf %gather3A_149, %gather3A_150 : vector<16xf32>
        %add3A_152 = arith.addf %add3A_146, %mul3A_151 : vector<16xf32>
        %broadcast_in_dim3A_153 = arith.constant 19 : i32
        %broadcast_in_dim3A_154 = vector.broadcast %broadcast_in_dim3A_153 : i32 to vector<16xi32>
        %gather3A_155 = tpu.vector_load_idx %arg8[%add3A_38, %broadcast_in_dim3A_154] : memref<400x128xf32, #tpu.memory_space<vmem>>[vector<16xi32>, vector<16xi32>], vector<16xf32>,
        %gather3A_156 = tpu.vector_load_idx %arg9[%add3A_38, %broadcast_in_dim3A_154] : memref<400x128xf32, #tpu.memory_space<vmem>>[vector<16xi32>, vector<16xi32>], vector<16xf32>,
        %mul3A_157 = arith.mulf %gather3A_155, %gather3A_156 : vector<16xf32>
        %add3A_158 = arith.addf %add3A_152, %mul3A_157 : vector<16xf32>
        %broadcast_in_dim3A_159 = arith.constant 20 : i32
        %broadcast_in_dim3A_160 = vector.broadcast %broadcast_in_dim3A_159 : i32 to vector<16xi32>
        %gather3A_161 = tpu.vector_load_idx %arg8[%add3A_38, %broadcast_in_dim3A_160] : memref<400x128xf32, #tpu.memory_space<vmem>>[vector<16xi32>, vector<16xi32>], vector<16xf32>,
        %gather3A_162 = tpu.vector_load_idx %arg9[%add3A_38, %broadcast_in_dim3A_160] : memref<400x128xf32, #tpu.memory_space<vmem>>[vector<16xi32>, vector<16xi32>], vector<16xf32>,
        %mul3A_163 = arith.mulf %gather3A_161, %gather3A_162 : vector<16xf32>
        %add3A_164 = arith.addf %add3A_158, %mul3A_163 : vector<16xf32>
        %broadcast_in_dim3A_165 = arith.constant 21 : i32
        %broadcast_in_dim3A_166 = vector.broadcast %broadcast_in_dim3A_165 : i32 to vector<16xi32>
        %gather3A_167 = tpu.vector_load_idx %arg8[%add3A_38, %broadcast_in_dim3A_166] : memref<400x128xf32, #tpu.memory_space<vmem>>[vector<16xi32>, vector<16xi32>], vector<16xf32>,
        %gather3A_168 = tpu.vector_load_idx %arg9[%add3A_38, %broadcast_in_dim3A_166] : memref<400x128xf32, #tpu.memory_space<vmem>>[vector<16xi32>, vector<16xi32>], vector<16xf32>,
        %mul3A_169 = arith.mulf %gather3A_167, %gather3A_168 : vector<16xf32>
        %add3A_170 = arith.addf %add3A_164, %mul3A_169 : vector<16xf32>
        %broadcast_in_dim3A_171 = arith.constant 22 : i32
        %broadcast_in_dim3A_172 = vector.broadcast %broadcast_in_dim3A_171 : i32 to vector<16xi32>
        %gather3A_173 = tpu.vector_load_idx %arg8[%add3A_38, %broadcast_in_dim3A_172] : memref<400x128xf32, #tpu.memory_space<vmem>>[vector<16xi32>, vector<16xi32>], vector<16xf32>,
        %gather3A_174 = tpu.vector_load_idx %arg9[%add3A_38, %broadcast_in_dim3A_172] : memref<400x128xf32, #tpu.memory_space<vmem>>[vector<16xi32>, vector<16xi32>], vector<16xf32>,
        %mul3A_175 = arith.mulf %gather3A_173, %gather3A_174 : vector<16xf32>
        %add3A_176 = arith.addf %add3A_170, %mul3A_175 : vector<16xf32>
        %broadcast_in_dim3A_177 = arith.constant 23 : i32
        %broadcast_in_dim3A_178 = vector.broadcast %broadcast_in_dim3A_177 : i32 to vector<16xi32>
        %gather3A_179 = tpu.vector_load_idx %arg8[%add3A_38, %broadcast_in_dim3A_178] : memref<400x128xf32, #tpu.memory_space<vmem>>[vector<16xi32>, vector<16xi32>], vector<16xf32>,
        %gather3A_180 = tpu.vector_load_idx %arg9[%add3A_38, %broadcast_in_dim3A_178] : memref<400x128xf32, #tpu.memory_space<vmem>>[vector<16xi32>, vector<16xi32>], vector<16xf32>,
        %mul3A_181 = arith.mulf %gather3A_179, %gather3A_180 : vector<16xf32>
        %add3A_182 = arith.addf %add3A_176, %mul3A_181 : vector<16xf32>
        %broadcast_in_dim3A_183 = arith.constant 24 : i32
        %broadcast_in_dim3A_184 = vector.broadcast %broadcast_in_dim3A_183 : i32 to vector<16xi32>
        %gather3A_185 = tpu.vector_load_idx %arg8[%add3A_38, %broadcast_in_dim3A_184] : memref<400x128xf32, #tpu.memory_space<vmem>>[vector<16xi32>, vector<16xi32>], vector<16xf32>,
        %gather3A_186 = tpu.vector_load_idx %arg9[%add3A_38, %broadcast_in_dim3A_184] : memref<400x128xf32, #tpu.memory_space<vmem>>[vector<16xi32>, vector<16xi32>], vector<16xf32>,
        %mul3A_187 = arith.mulf %gather3A_185, %gather3A_186 : vector<16xf32>
        %add3A_188 = arith.addf %add3A_182, %mul3A_187 : vector<16xf32>
        %broadcast_in_dim3A_189 = arith.constant 25 : i32
        %broadcast_in_dim3A_190 = vector.broadcast %broadcast_in_dim3A_189 : i32 to vector<16xi32>
        %gather3A_191 = tpu.vector_load_idx %arg8[%add3A_38, %broadcast_in_dim3A_190] : memref<400x128xf32, #tpu.memory_space<vmem>>[vector<16xi32>, vector<16xi32>], vector<16xf32>,
        %gather3A_192 = tpu.vector_load_idx %arg9[%add3A_38, %broadcast_in_dim3A_190] : memref<400x128xf32, #tpu.memory_space<vmem>>[vector<16xi32>, vector<16xi32>], vector<16xf32>,
        %mul3A_193 = arith.mulf %gather3A_191, %gather3A_192 : vector<16xf32>
        %add3A_194 = arith.addf %add3A_188, %mul3A_193 : vector<16xf32>
        %broadcast_in_dim3A_195 = arith.constant 26 : i32
        %broadcast_in_dim3A_196 = vector.broadcast %broadcast_in_dim3A_195 : i32 to vector<16xi32>
        %gather3A_197 = tpu.vector_load_idx %arg8[%add3A_38, %broadcast_in_dim3A_196] : memref<400x128xf32, #tpu.memory_space<vmem>>[vector<16xi32>, vector<16xi32>], vector<16xf32>,
        %gather3A_198 = tpu.vector_load_idx %arg9[%add3A_38, %broadcast_in_dim3A_196] : memref<400x128xf32, #tpu.memory_space<vmem>>[vector<16xi32>, vector<16xi32>], vector<16xf32>,
        %mul3A_199 = arith.mulf %gather3A_197, %gather3A_198 : vector<16xf32>
        %add3A_200 = arith.addf %add3A_194, %mul3A_199 : vector<16xf32>
        %broadcast_in_dim3A_201 = arith.constant 27 : i32
        %broadcast_in_dim3A_202 = vector.broadcast %broadcast_in_dim3A_201 : i32 to vector<16xi32>
        %gather3A_203 = tpu.vector_load_idx %arg8[%add3A_38, %broadcast_in_dim3A_202] : memref<400x128xf32, #tpu.memory_space<vmem>>[vector<16xi32>, vector<16xi32>], vector<16xf32>,
        %gather3A_204 = tpu.vector_load_idx %arg9[%add3A_38, %broadcast_in_dim3A_202] : memref<400x128xf32, #tpu.memory_space<vmem>>[vector<16xi32>, vector<16xi32>], vector<16xf32>,
        %mul3A_205 = arith.mulf %gather3A_203, %gather3A_204 : vector<16xf32>
        %add3A_206 = arith.addf %add3A_200, %mul3A_205 : vector<16xf32>
        %broadcast_in_dim3A_207 = arith.constant 28 : i32
        %broadcast_in_dim3A_208 = vector.broadcast %broadcast_in_dim3A_207 : i32 to vector<16xi32>
        %gather3A_209 = tpu.vector_load_idx %arg8[%add3A_38, %broadcast_in_dim3A_208] : memref<400x128xf32, #tpu.memory_space<vmem>>[vector<16xi32>, vector<16xi32>], vector<16xf32>,
        %gather3A_210 = tpu.vector_load_idx %arg9[%add3A_38, %broadcast_in_dim3A_208] : memref<400x128xf32, #tpu.memory_space<vmem>>[vector<16xi32>, vector<16xi32>], vector<16xf32>,
        %mul3A_211 = arith.mulf %gather3A_209, %gather3A_210 : vector<16xf32>
        %add3A_212 = arith.addf %add3A_206, %mul3A_211 : vector<16xf32>
        %broadcast_in_dim3A_213 = arith.constant 29 : i32
        %broadcast_in_dim3A_214 = vector.broadcast %broadcast_in_dim3A_213 : i32 to vector<16xi32>
        %gather3A_215 = tpu.vector_load_idx %arg8[%add3A_38, %broadcast_in_dim3A_214] : memref<400x128xf32, #tpu.memory_space<vmem>>[vector<16xi32>, vector<16xi32>], vector<16xf32>,
        %gather3A_216 = tpu.vector_load_idx %arg9[%add3A_38, %broadcast_in_dim3A_214] : memref<400x128xf32, #tpu.memory_space<vmem>>[vector<16xi32>, vector<16xi32>], vector<16xf32>,
        %mul3A_217 = arith.mulf %gather3A_215, %gather3A_216 : vector<16xf32>
        %add3A_218 = arith.addf %add3A_212, %mul3A_217 : vector<16xf32>
        %broadcast_in_dim3A_219 = arith.constant 30 : i32
        %broadcast_in_dim3A_220 = vector.broadcast %broadcast_in_dim3A_219 : i32 to vector<16xi32>
        %gather3A_221 = tpu.vector_load_idx %arg8[%add3A_38, %broadcast_in_dim3A_220] : memref<400x128xf32, #tpu.memory_space<vmem>>[vector<16xi32>, vector<16xi32>], vector<16xf32>,
        %gather3A_222 = tpu.vector_load_idx %arg9[%add3A_38, %broadcast_in_dim3A_220] : memref<400x128xf32, #tpu.memory_space<vmem>>[vector<16xi32>, vector<16xi32>], vector<16xf32>,
        %mul3A_223 = arith.mulf %gather3A_221, %gather3A_222 : vector<16xf32>
        %add3A_224 = arith.addf %add3A_218, %mul3A_223 : vector<16xf32>
        %broadcast_in_dim3A_225 = arith.constant 31 : i32
        %broadcast_in_dim3A_226 = vector.broadcast %broadcast_in_dim3A_225 : i32 to vector<16xi32>
        %gather3A_227 = tpu.vector_load_idx %arg8[%add3A_38, %broadcast_in_dim3A_226] : memref<400x128xf32, #tpu.memory_space<vmem>>[vector<16xi32>, vector<16xi32>], vector<16xf32>,
        %gather3A_228 = tpu.vector_load_idx %arg9[%add3A_38, %broadcast_in_dim3A_226] : memref<400x128xf32, #tpu.memory_space<vmem>>[vector<16xi32>, vector<16xi32>], vector<16xf32>,
        %mul3A_229 = arith.mulf %gather3A_227, %gather3A_228 : vector<16xf32>
        %add3A_230 = arith.addf %add3A_224, %mul3A_229 : vector<16xf32>
        %broadcast_in_dim3A_231 = arith.constant 32 : i32
        %broadcast_in_dim3A_232 = vector.broadcast %broadcast_in_dim3A_231 : i32 to vector<16xi32>
        %gather3A_233 = tpu.vector_load_idx %arg8[%add3A_38, %broadcast_in_dim3A_232] : memref<400x128xf32, #tpu.memory_space<vmem>>[vector<16xi32>, vector<16xi32>], vector<16xf32>,
        %gather3A_234 = tpu.vector_load_idx %arg9[%add3A_38, %broadcast_in_dim3A_232] : memref<400x128xf32, #tpu.memory_space<vmem>>[vector<16xi32>, vector<16xi32>], vector<16xf32>,
        %mul3A_235 = arith.mulf %gather3A_233, %gather3A_234 : vector<16xf32>
        %add3A_236 = arith.addf %add3A_230, %mul3A_235 : vector<16xf32>
        %broadcast_in_dim3A_237 = arith.constant 33 : i32
        %broadcast_in_dim3A_238 = vector.broadcast %broadcast_in_dim3A_237 : i32 to vector<16xi32>
        %gather3A_239 = tpu.vector_load_idx %arg8[%add3A_38, %broadcast_in_dim3A_238] : memref<400x128xf32, #tpu.memory_space<vmem>>[vector<16xi32>, vector<16xi32>], vector<16xf32>,
        %gather3A_240 = tpu.vector_load_idx %arg9[%add3A_38, %broadcast_in_dim3A_238] : memref<400x128xf32, #tpu.memory_space<vmem>>[vector<16xi32>, vector<16xi32>], vector<16xf32>,
        %mul3A_241 = arith.mulf %gather3A_239, %gather3A_240 : vector<16xf32>
        %add3A_242 = arith.addf %add3A_236, %mul3A_241 : vector<16xf32>
        %broadcast_in_dim3A_243 = arith.constant 34 : i32
        %broadcast_in_dim3A_244 = vector.broadcast %broadcast_in_dim3A_243 : i32 to vector<16xi32>
        %gather3A_245 = tpu.vector_load_idx %arg8[%add3A_38, %broadcast_in_dim3A_244] : memref<400x128xf32, #tpu.memory_space<vmem>>[vector<16xi32>, vector<16xi32>], vector<16xf32>,
        %gather3A_246 = tpu.vector_load_idx %arg9[%add3A_38, %broadcast_in_dim3A_244] : memref<400x128xf32, #tpu.memory_space<vmem>>[vector<16xi32>, vector<16xi32>], vector<16xf32>,
        %mul3A_247 = arith.mulf %gather3A_245, %gather3A_246 : vector<16xf32>
        %add3A_248 = arith.addf %add3A_242, %mul3A_247 : vector<16xf32>
        %broadcast_in_dim3A_249 = arith.constant 35 : i32
        %broadcast_in_dim3A_250 = vector.broadcast %broadcast_in_dim3A_249 : i32 to vector<16xi32>
        %gather3A_251 = tpu.vector_load_idx %arg8[%add3A_38, %broadcast_in_dim3A_250] : memref<400x128xf32, #tpu.memory_space<vmem>>[vector<16xi32>, vector<16xi32>], vector<16xf32>,
        %gather3A_252 = tpu.vector_load_idx %arg9[%add3A_38, %broadcast_in_dim3A_250] : memref<400x128xf32, #tpu.memory_space<vmem>>[vector<16xi32>, vector<16xi32>], vector<16xf32>,
        %mul3A_253 = arith.mulf %gather3A_251, %gather3A_252 : vector<16xf32>
        %add3A_254 = arith.addf %add3A_248, %mul3A_253 : vector<16xf32>
        %broadcast_in_dim3A_255 = arith.constant 36 : i32
        %broadcast_in_dim3A_256 = vector.broadcast %broadcast_in_dim3A_255 : i32 to vector<16xi32>
        %gather3A_257 = tpu.vector_load_idx %arg8[%add3A_38, %broadcast_in_dim3A_256] : memref<400x128xf32, #tpu.memory_space<vmem>>[vector<16xi32>, vector<16xi32>], vector<16xf32>,
        %gather3A_258 = tpu.vector_load_idx %arg9[%add3A_38, %broadcast_in_dim3A_256] : memref<400x128xf32, #tpu.memory_space<vmem>>[vector<16xi32>, vector<16xi32>], vector<16xf32>,
        %mul3A_259 = arith.mulf %gather3A_257, %gather3A_258 : vector<16xf32>
        %add3A_260 = arith.addf %add3A_254, %mul3A_259 : vector<16xf32>
        %broadcast_in_dim3A_261 = arith.constant 37 : i32
        %broadcast_in_dim3A_262 = vector.broadcast %broadcast_in_dim3A_261 : i32 to vector<16xi32>
        %gather3A_263 = tpu.vector_load_idx %arg8[%add3A_38, %broadcast_in_dim3A_262] : memref<400x128xf32, #tpu.memory_space<vmem>>[vector<16xi32>, vector<16xi32>], vector<16xf32>,
        %gather3A_264 = tpu.vector_load_idx %arg9[%add3A_38, %broadcast_in_dim3A_262] : memref<400x128xf32, #tpu.memory_space<vmem>>[vector<16xi32>, vector<16xi32>], vector<16xf32>,
        %mul3A_265 = arith.mulf %gather3A_263, %gather3A_264 : vector<16xf32>
        %add3A_266 = arith.addf %add3A_260, %mul3A_265 : vector<16xf32>
        %broadcast_in_dim3A_267 = arith.constant 38 : i32
        %broadcast_in_dim3A_268 = vector.broadcast %broadcast_in_dim3A_267 : i32 to vector<16xi32>
        %gather3A_269 = tpu.vector_load_idx %arg8[%add3A_38, %broadcast_in_dim3A_268] : memref<400x128xf32, #tpu.memory_space<vmem>>[vector<16xi32>, vector<16xi32>], vector<16xf32>,
        %gather3A_270 = tpu.vector_load_idx %arg9[%add3A_38, %broadcast_in_dim3A_268] : memref<400x128xf32, #tpu.memory_space<vmem>>[vector<16xi32>, vector<16xi32>], vector<16xf32>,
        %mul3A_271 = arith.mulf %gather3A_269, %gather3A_270 : vector<16xf32>
        %add3A_272 = arith.addf %add3A_266, %mul3A_271 : vector<16xf32>
        %broadcast_in_dim3A_273 = arith.constant 39 : i32
        %broadcast_in_dim3A_274 = vector.broadcast %broadcast_in_dim3A_273 : i32 to vector<16xi32>
        %gather3A_275 = tpu.vector_load_idx %arg8[%add3A_38, %broadcast_in_dim3A_274] : memref<400x128xf32, #tpu.memory_space<vmem>>[vector<16xi32>, vector<16xi32>], vector<16xf32>,
        %gather3A_276 = tpu.vector_load_idx %arg9[%add3A_38, %broadcast_in_dim3A_274] : memref<400x128xf32, #tpu.memory_space<vmem>>[vector<16xi32>, vector<16xi32>], vector<16xf32>,
        %mul3A_277 = arith.mulf %gather3A_275, %gather3A_276 : vector<16xf32>
        %add3A_278 = arith.addf %add3A_272, %mul3A_277 : vector<16xf32>
        %broadcast_in_dim3A_279 = arith.constant 40 : i32
        %broadcast_in_dim3A_280 = vector.broadcast %broadcast_in_dim3A_279 : i32 to vector<16xi32>
        %gather3A_281 = tpu.vector_load_idx %arg8[%add3A_38, %broadcast_in_dim3A_280] : memref<400x128xf32, #tpu.memory_space<vmem>>[vector<16xi32>, vector<16xi32>], vector<16xf32>,
        %gather3A_282 = tpu.vector_load_idx %arg9[%add3A_38, %broadcast_in_dim3A_280] : memref<400x128xf32, #tpu.memory_space<vmem>>[vector<16xi32>, vector<16xi32>], vector<16xf32>,
        %mul3A_283 = arith.mulf %gather3A_281, %gather3A_282 : vector<16xf32>
        %add3A_284 = arith.addf %add3A_278, %mul3A_283 : vector<16xf32>
        %broadcast_in_dim3A_285 = arith.constant 41 : i32
        %broadcast_in_dim3A_286 = vector.broadcast %broadcast_in_dim3A_285 : i32 to vector<16xi32>
        %gather3A_287 = tpu.vector_load_idx %arg8[%add3A_38, %broadcast_in_dim3A_286] : memref<400x128xf32, #tpu.memory_space<vmem>>[vector<16xi32>, vector<16xi32>], vector<16xf32>,
        %gather3A_288 = tpu.vector_load_idx %arg9[%add3A_38, %broadcast_in_dim3A_286] : memref<400x128xf32, #tpu.memory_space<vmem>>[vector<16xi32>, vector<16xi32>], vector<16xf32>,
        %mul3A_289 = arith.mulf %gather3A_287, %gather3A_288 : vector<16xf32>
        %add3A_290 = arith.addf %add3A_284, %mul3A_289 : vector<16xf32>
        %broadcast_in_dim3A_291 = arith.constant 42 : i32
        %broadcast_in_dim3A_292 = vector.broadcast %broadcast_in_dim3A_291 : i32 to vector<16xi32>
        %gather3A_293 = tpu.vector_load_idx %arg8[%add3A_38, %broadcast_in_dim3A_292] : memref<400x128xf32, #tpu.memory_space<vmem>>[vector<16xi32>, vector<16xi32>], vector<16xf32>,
        %gather3A_294 = tpu.vector_load_idx %arg9[%add3A_38, %broadcast_in_dim3A_292] : memref<400x128xf32, #tpu.memory_space<vmem>>[vector<16xi32>, vector<16xi32>], vector<16xf32>,
        %mul3A_295 = arith.mulf %gather3A_293, %gather3A_294 : vector<16xf32>
        %add3A_296 = arith.addf %add3A_290, %mul3A_295 : vector<16xf32>
        %broadcast_in_dim3A_297 = arith.constant 43 : i32
        %broadcast_in_dim3A_298 = vector.broadcast %broadcast_in_dim3A_297 : i32 to vector<16xi32>
        %gather3A_299 = tpu.vector_load_idx %arg8[%add3A_38, %broadcast_in_dim3A_298] : memref<400x128xf32, #tpu.memory_space<vmem>>[vector<16xi32>, vector<16xi32>], vector<16xf32>,
        %gather3A_300 = tpu.vector_load_idx %arg9[%add3A_38, %broadcast_in_dim3A_298] : memref<400x128xf32, #tpu.memory_space<vmem>>[vector<16xi32>, vector<16xi32>], vector<16xf32>,
        %mul3A_301 = arith.mulf %gather3A_299, %gather3A_300 : vector<16xf32>
        %add3A_302 = arith.addf %add3A_296, %mul3A_301 : vector<16xf32>
        %broadcast_in_dim3A_303 = arith.constant 44 : i32
        %broadcast_in_dim3A_304 = vector.broadcast %broadcast_in_dim3A_303 : i32 to vector<16xi32>
        %gather3A_305 = tpu.vector_load_idx %arg8[%add3A_38, %broadcast_in_dim3A_304] : memref<400x128xf32, #tpu.memory_space<vmem>>[vector<16xi32>, vector<16xi32>], vector<16xf32>,
        %gather3A_306 = tpu.vector_load_idx %arg9[%add3A_38, %broadcast_in_dim3A_304] : memref<400x128xf32, #tpu.memory_space<vmem>>[vector<16xi32>, vector<16xi32>], vector<16xf32>,
        %mul3A_307 = arith.mulf %gather3A_305, %gather3A_306 : vector<16xf32>
        %add3A_308 = arith.addf %add3A_302, %mul3A_307 : vector<16xf32>
        %broadcast_in_dim3A_309 = arith.constant 45 : i32
        %broadcast_in_dim3A_310 = vector.broadcast %broadcast_in_dim3A_309 : i32 to vector<16xi32>
        %gather3A_311 = tpu.vector_load_idx %arg8[%add3A_38, %broadcast_in_dim3A_310] : memref<400x128xf32, #tpu.memory_space<vmem>>[vector<16xi32>, vector<16xi32>], vector<16xf32>,
        %gather3A_312 = tpu.vector_load_idx %arg9[%add3A_38, %broadcast_in_dim3A_310] : memref<400x128xf32, #tpu.memory_space<vmem>>[vector<16xi32>, vector<16xi32>], vector<16xf32>,
        %mul3A_313 = arith.mulf %gather3A_311, %gather3A_312 : vector<16xf32>
        %add3A_314 = arith.addf %add3A_308, %mul3A_313 : vector<16xf32>
        %broadcast_in_dim3A_315 = arith.constant 46 : i32
        %broadcast_in_dim3A_316 = vector.broadcast %broadcast_in_dim3A_315 : i32 to vector<16xi32>
        %gather3A_317 = tpu.vector_load_idx %arg8[%add3A_38, %broadcast_in_dim3A_316] : memref<400x128xf32, #tpu.memory_space<vmem>>[vector<16xi32>, vector<16xi32>], vector<16xf32>,
        %gather3A_318 = tpu.vector_load_idx %arg9[%add3A_38, %broadcast_in_dim3A_316] : memref<400x128xf32, #tpu.memory_space<vmem>>[vector<16xi32>, vector<16xi32>], vector<16xf32>,
        %mul3A_319 = arith.mulf %gather3A_317, %gather3A_318 : vector<16xf32>
        %add3A_320 = arith.addf %add3A_314, %mul3A_319 : vector<16xf32>
        %broadcast_in_dim3A_321 = arith.constant 47 : i32
        %broadcast_in_dim3A_322 = vector.broadcast %broadcast_in_dim3A_321 : i32 to vector<16xi32>
        %gather3A_323 = tpu.vector_load_idx %arg8[%add3A_38, %broadcast_in_dim3A_322] : memref<400x128xf32, #tpu.memory_space<vmem>>[vector<16xi32>, vector<16xi32>], vector<16xf32>,
        %gather3A_324 = tpu.vector_load_idx %arg9[%add3A_38, %broadcast_in_dim3A_322] : memref<400x128xf32, #tpu.memory_space<vmem>>[vector<16xi32>, vector<16xi32>], vector<16xf32>,
        %mul3A_325 = arith.mulf %gather3A_323, %gather3A_324 : vector<16xf32>
        %add3A_326 = arith.addf %add3A_320, %mul3A_325 : vector<16xf32>
        %broadcast_in_dim3A_327 = arith.constant 48 : i32
        %broadcast_in_dim3A_328 = vector.broadcast %broadcast_in_dim3A_327 : i32 to vector<16xi32>
        %gather3A_329 = tpu.vector_load_idx %arg8[%add3A_38, %broadcast_in_dim3A_328] : memref<400x128xf32, #tpu.memory_space<vmem>>[vector<16xi32>, vector<16xi32>], vector<16xf32>,
        %gather3A_330 = tpu.vector_load_idx %arg9[%add3A_38, %broadcast_in_dim3A_328] : memref<400x128xf32, #tpu.memory_space<vmem>>[vector<16xi32>, vector<16xi32>], vector<16xf32>,
        %mul3A_331 = arith.mulf %gather3A_329, %gather3A_330 : vector<16xf32>
        %add3A_332 = arith.addf %add3A_326, %mul3A_331 : vector<16xf32>
        %broadcast_in_dim3A_333 = arith.constant 49 : i32
        %broadcast_in_dim3A_334 = vector.broadcast %broadcast_in_dim3A_333 : i32 to vector<16xi32>
        %gather3A_335 = tpu.vector_load_idx %arg8[%add3A_38, %broadcast_in_dim3A_334] : memref<400x128xf32, #tpu.memory_space<vmem>>[vector<16xi32>, vector<16xi32>], vector<16xf32>,
        %gather3A_336 = tpu.vector_load_idx %arg9[%add3A_38, %broadcast_in_dim3A_334] : memref<400x128xf32, #tpu.memory_space<vmem>>[vector<16xi32>, vector<16xi32>], vector<16xf32>,
        %mul3A_337 = arith.mulf %gather3A_335, %gather3A_336 : vector<16xf32>
        %add3A_338 = arith.addf %add3A_332, %mul3A_337 : vector<16xf32>
        %broadcast_in_dim3A_339 = arith.constant 50 : i32
        %broadcast_in_dim3A_340 = vector.broadcast %broadcast_in_dim3A_339 : i32 to vector<16xi32>
        %gather3A_341 = tpu.vector_load_idx %arg8[%add3A_38, %broadcast_in_dim3A_340] : memref<400x128xf32, #tpu.memory_space<vmem>>[vector<16xi32>, vector<16xi32>], vector<16xf32>,
        %gather3A_342 = tpu.vector_load_idx %arg9[%add3A_38, %broadcast_in_dim3A_340] : memref<400x128xf32, #tpu.memory_space<vmem>>[vector<16xi32>, vector<16xi32>], vector<16xf32>,
        %mul3A_343 = arith.mulf %gather3A_341, %gather3A_342 : vector<16xf32>
        %add3A_344 = arith.addf %add3A_338, %mul3A_343 : vector<16xf32>
        %broadcast_in_dim3A_345 = arith.constant 51 : i32
        %broadcast_in_dim3A_346 = vector.broadcast %broadcast_in_dim3A_345 : i32 to vector<16xi32>
        %gather3A_347 = tpu.vector_load_idx %arg8[%add3A_38, %broadcast_in_dim3A_346] : memref<400x128xf32, #tpu.memory_space<vmem>>[vector<16xi32>, vector<16xi32>], vector<16xf32>,
        %gather3A_348 = tpu.vector_load_idx %arg9[%add3A_38, %broadcast_in_dim3A_346] : memref<400x128xf32, #tpu.memory_space<vmem>>[vector<16xi32>, vector<16xi32>], vector<16xf32>,
        %mul3A_349 = arith.mulf %gather3A_347, %gather3A_348 : vector<16xf32>
        %add3A_350 = arith.addf %add3A_344, %mul3A_349 : vector<16xf32>
        %broadcast_in_dim3A_351 = arith.constant 52 : i32
        %broadcast_in_dim3A_352 = vector.broadcast %broadcast_in_dim3A_351 : i32 to vector<16xi32>
        %gather3A_353 = tpu.vector_load_idx %arg8[%add3A_38, %broadcast_in_dim3A_352] : memref<400x128xf32, #tpu.memory_space<vmem>>[vector<16xi32>, vector<16xi32>], vector<16xf32>,
        %gather3A_354 = tpu.vector_load_idx %arg9[%add3A_38, %broadcast_in_dim3A_352] : memref<400x128xf32, #tpu.memory_space<vmem>>[vector<16xi32>, vector<16xi32>], vector<16xf32>,
        %mul3A_355 = arith.mulf %gather3A_353, %gather3A_354 : vector<16xf32>
        %add3A_356 = arith.addf %add3A_350, %mul3A_355 : vector<16xf32>
        %broadcast_in_dim3A_357 = arith.constant 53 : i32
        %broadcast_in_dim3A_358 = vector.broadcast %broadcast_in_dim3A_357 : i32 to vector<16xi32>
        %gather3A_359 = tpu.vector_load_idx %arg8[%add3A_38, %broadcast_in_dim3A_358] : memref<400x128xf32, #tpu.memory_space<vmem>>[vector<16xi32>, vector<16xi32>], vector<16xf32>,
        %gather3A_360 = tpu.vector_load_idx %arg9[%add3A_38, %broadcast_in_dim3A_358] : memref<400x128xf32, #tpu.memory_space<vmem>>[vector<16xi32>, vector<16xi32>], vector<16xf32>,
        %mul3A_361 = arith.mulf %gather3A_359, %gather3A_360 : vector<16xf32>
        %add3A_362 = arith.addf %add3A_356, %mul3A_361 : vector<16xf32>
        %broadcast_in_dim3A_363 = arith.constant 54 : i32
        %broadcast_in_dim3A_364 = vector.broadcast %broadcast_in_dim3A_363 : i32 to vector<16xi32>
        %gather3A_365 = tpu.vector_load_idx %arg8[%add3A_38, %broadcast_in_dim3A_364] : memref<400x128xf32, #tpu.memory_space<vmem>>[vector<16xi32>, vector<16xi32>], vector<16xf32>,
        %gather3A_366 = tpu.vector_load_idx %arg9[%add3A_38, %broadcast_in_dim3A_364] : memref<400x128xf32, #tpu.memory_space<vmem>>[vector<16xi32>, vector<16xi32>], vector<16xf32>,
        %mul3A_367 = arith.mulf %gather3A_365, %gather3A_366 : vector<16xf32>
        %add3A_368 = arith.addf %add3A_362, %mul3A_367 : vector<16xf32>
        %broadcast_in_dim3A_369 = arith.constant 55 : i32
        %broadcast_in_dim3A_370 = vector.broadcast %broadcast_in_dim3A_369 : i32 to vector<16xi32>
        %gather3A_371 = tpu.vector_load_idx %arg8[%add3A_38, %broadcast_in_dim3A_370] : memref<400x128xf32, #tpu.memory_space<vmem>>[vector<16xi32>, vector<16xi32>], vector<16xf32>,
        %gather3A_372 = tpu.vector_load_idx %arg9[%add3A_38, %broadcast_in_dim3A_370] : memref<400x128xf32, #tpu.memory_space<vmem>>[vector<16xi32>, vector<16xi32>], vector<16xf32>,
        %mul3A_373 = arith.mulf %gather3A_371, %gather3A_372 : vector<16xf32>
        %add3A_374 = arith.addf %add3A_368, %mul3A_373 : vector<16xf32>
        %broadcast_in_dim3A_375 = arith.constant 56 : i32
        %broadcast_in_dim3A_376 = vector.broadcast %broadcast_in_dim3A_375 : i32 to vector<16xi32>
        %gather3A_377 = tpu.vector_load_idx %arg8[%add3A_38, %broadcast_in_dim3A_376] : memref<400x128xf32, #tpu.memory_space<vmem>>[vector<16xi32>, vector<16xi32>], vector<16xf32>,
        %gather3A_378 = tpu.vector_load_idx %arg9[%add3A_38, %broadcast_in_dim3A_376] : memref<400x128xf32, #tpu.memory_space<vmem>>[vector<16xi32>, vector<16xi32>], vector<16xf32>,
        %mul3A_379 = arith.mulf %gather3A_377, %gather3A_378 : vector<16xf32>
        %add3A_380 = arith.addf %add3A_374, %mul3A_379 : vector<16xf32>
        %broadcast_in_dim3A_381 = arith.constant 57 : i32
        %broadcast_in_dim3A_382 = vector.broadcast %broadcast_in_dim3A_381 : i32 to vector<16xi32>
        %gather3A_383 = tpu.vector_load_idx %arg8[%add3A_38, %broadcast_in_dim3A_382] : memref<400x128xf32, #tpu.memory_space<vmem>>[vector<16xi32>, vector<16xi32>], vector<16xf32>,
        %gather3A_384 = tpu.vector_load_idx %arg9[%add3A_38, %broadcast_in_dim3A_382] : memref<400x128xf32, #tpu.memory_space<vmem>>[vector<16xi32>, vector<16xi32>], vector<16xf32>,
        %mul3A_385 = arith.mulf %gather3A_383, %gather3A_384 : vector<16xf32>
        %add3A_386 = arith.addf %add3A_380, %mul3A_385 : vector<16xf32>
        %broadcast_in_dim3A_387 = arith.constant 58 : i32
        %broadcast_in_dim3A_388 = vector.broadcast %broadcast_in_dim3A_387 : i32 to vector<16xi32>
        %gather3A_389 = tpu.vector_load_idx %arg8[%add3A_38, %broadcast_in_dim3A_388] : memref<400x128xf32, #tpu.memory_space<vmem>>[vector<16xi32>, vector<16xi32>], vector<16xf32>,
        %gather3A_390 = tpu.vector_load_idx %arg9[%add3A_38, %broadcast_in_dim3A_388] : memref<400x128xf32, #tpu.memory_space<vmem>>[vector<16xi32>, vector<16xi32>], vector<16xf32>,
        %mul3A_391 = arith.mulf %gather3A_389, %gather3A_390 : vector<16xf32>
        %add3A_392 = arith.addf %add3A_386, %mul3A_391 : vector<16xf32>
        %broadcast_in_dim3A_393 = arith.constant 59 : i32
        %broadcast_in_dim3A_394 = vector.broadcast %broadcast_in_dim3A_393 : i32 to vector<16xi32>
        %gather3A_395 = tpu.vector_load_idx %arg8[%add3A_38, %broadcast_in_dim3A_394] : memref<400x128xf32, #tpu.memory_space<vmem>>[vector<16xi32>, vector<16xi32>], vector<16xf32>,
        %gather3A_396 = tpu.vector_load_idx %arg9[%add3A_38, %broadcast_in_dim3A_394] : memref<400x128xf32, #tpu.memory_space<vmem>>[vector<16xi32>, vector<16xi32>], vector<16xf32>,
        %mul3A_397 = arith.mulf %gather3A_395, %gather3A_396 : vector<16xf32>
        %add3A_398 = arith.addf %add3A_392, %mul3A_397 : vector<16xf32>
        %broadcast_in_dim3A_399 = arith.constant 60 : i32
        %broadcast_in_dim3A_400 = vector.broadcast %broadcast_in_dim3A_399 : i32 to vector<16xi32>
        %gather3A_401 = tpu.vector_load_idx %arg8[%add3A_38, %broadcast_in_dim3A_400] : memref<400x128xf32, #tpu.memory_space<vmem>>[vector<16xi32>, vector<16xi32>], vector<16xf32>,
        %gather3A_402 = tpu.vector_load_idx %arg9[%add3A_38, %broadcast_in_dim3A_400] : memref<400x128xf32, #tpu.memory_space<vmem>>[vector<16xi32>, vector<16xi32>], vector<16xf32>,
        %mul3A_403 = arith.mulf %gather3A_401, %gather3A_402 : vector<16xf32>
        %add3A_404 = arith.addf %add3A_398, %mul3A_403 : vector<16xf32>
        %broadcast_in_dim3A_405 = arith.constant 61 : i32
        %broadcast_in_dim3A_406 = vector.broadcast %broadcast_in_dim3A_405 : i32 to vector<16xi32>
        %gather3A_407 = tpu.vector_load_idx %arg8[%add3A_38, %broadcast_in_dim3A_406] : memref<400x128xf32, #tpu.memory_space<vmem>>[vector<16xi32>, vector<16xi32>], vector<16xf32>,
        %gather3A_408 = tpu.vector_load_idx %arg9[%add3A_38, %broadcast_in_dim3A_406] : memref<400x128xf32, #tpu.memory_space<vmem>>[vector<16xi32>, vector<16xi32>], vector<16xf32>,
        %mul3A_409 = arith.mulf %gather3A_407, %gather3A_408 : vector<16xf32>
        %add3A_410 = arith.addf %add3A_404, %mul3A_409 : vector<16xf32>
        %broadcast_in_dim3A_411 = arith.constant 62 : i32
        %broadcast_in_dim3A_412 = vector.broadcast %broadcast_in_dim3A_411 : i32 to vector<16xi32>
        %gather3A_413 = tpu.vector_load_idx %arg8[%add3A_38, %broadcast_in_dim3A_412] : memref<400x128xf32, #tpu.memory_space<vmem>>[vector<16xi32>, vector<16xi32>], vector<16xf32>,
        %gather3A_414 = tpu.vector_load_idx %arg9[%add3A_38, %broadcast_in_dim3A_412] : memref<400x128xf32, #tpu.memory_space<vmem>>[vector<16xi32>, vector<16xi32>], vector<16xf32>,
        %mul3A_415 = arith.mulf %gather3A_413, %gather3A_414 : vector<16xf32>
        %add3A_416 = arith.addf %add3A_410, %mul3A_415 : vector<16xf32>
        %broadcast_in_dim3A_417 = arith.constant 63 : i32
        %broadcast_in_dim3A_418 = vector.broadcast %broadcast_in_dim3A_417 : i32 to vector<16xi32>
        %gather3A_419 = tpu.vector_load_idx %arg8[%add3A_38, %broadcast_in_dim3A_418] : memref<400x128xf32, #tpu.memory_space<vmem>>[vector<16xi32>, vector<16xi32>], vector<16xf32>,
        %gather3A_420 = tpu.vector_load_idx %arg9[%add3A_38, %broadcast_in_dim3A_418] : memref<400x128xf32, #tpu.memory_space<vmem>>[vector<16xi32>, vector<16xi32>], vector<16xf32>,
        %mul3A_421 = arith.mulf %gather3A_419, %gather3A_420 : vector<16xf32>
        %add3A_422 = arith.addf %add3A_416, %mul3A_421 : vector<16xf32>
        %broadcast_in_dim3A_423 = arith.constant 64 : i32
        %broadcast_in_dim3A_424 = vector.broadcast %broadcast_in_dim3A_423 : i32 to vector<16xi32>
        %gather3A_425 = tpu.vector_load_idx %arg8[%add3A_38, %broadcast_in_dim3A_424] : memref<400x128xf32, #tpu.memory_space<vmem>>[vector<16xi32>, vector<16xi32>], vector<16xf32>,
        %gather3A_426 = tpu.vector_load_idx %arg9[%add3A_38, %broadcast_in_dim3A_424] : memref<400x128xf32, #tpu.memory_space<vmem>>[vector<16xi32>, vector<16xi32>], vector<16xf32>,
        %mul3A_427 = arith.mulf %gather3A_425, %gather3A_426 : vector<16xf32>
        %add3A_428 = arith.addf %add3A_422, %mul3A_427 : vector<16xf32>
        %broadcast_in_dim3A_429 = arith.constant 65 : i32
        %broadcast_in_dim3A_430 = vector.broadcast %broadcast_in_dim3A_429 : i32 to vector<16xi32>
        %gather3A_431 = tpu.vector_load_idx %arg8[%add3A_38, %broadcast_in_dim3A_430] : memref<400x128xf32, #tpu.memory_space<vmem>>[vector<16xi32>, vector<16xi32>], vector<16xf32>,
        %gather3A_432 = tpu.vector_load_idx %arg9[%add3A_38, %broadcast_in_dim3A_430] : memref<400x128xf32, #tpu.memory_space<vmem>>[vector<16xi32>, vector<16xi32>], vector<16xf32>,
        %mul3A_433 = arith.mulf %gather3A_431, %gather3A_432 : vector<16xf32>
        %add3A_434 = arith.addf %add3A_428, %mul3A_433 : vector<16xf32>
        %broadcast_in_dim3A_435 = arith.constant 66 : i32
        %broadcast_in_dim3A_436 = vector.broadcast %broadcast_in_dim3A_435 : i32 to vector<16xi32>
        %gather3A_437 = tpu.vector_load_idx %arg8[%add3A_38, %broadcast_in_dim3A_436] : memref<400x128xf32, #tpu.memory_space<vmem>>[vector<16xi32>, vector<16xi32>], vector<16xf32>,
        %gather3A_438 = tpu.vector_load_idx %arg9[%add3A_38, %broadcast_in_dim3A_436] : memref<400x128xf32, #tpu.memory_space<vmem>>[vector<16xi32>, vector<16xi32>], vector<16xf32>,
        %mul3A_439 = arith.mulf %gather3A_437, %gather3A_438 : vector<16xf32>
        %add3A_440 = arith.addf %add3A_434, %mul3A_439 : vector<16xf32>
        %broadcast_in_dim3A_441 = arith.constant 67 : i32
        %broadcast_in_dim3A_442 = vector.broadcast %broadcast_in_dim3A_441 : i32 to vector<16xi32>
        %gather3A_443 = tpu.vector_load_idx %arg8[%add3A_38, %broadcast_in_dim3A_442] : memref<400x128xf32, #tpu.memory_space<vmem>>[vector<16xi32>, vector<16xi32>], vector<16xf32>,
        %gather3A_444 = tpu.vector_load_idx %arg9[%add3A_38, %broadcast_in_dim3A_442] : memref<400x128xf32, #tpu.memory_space<vmem>>[vector<16xi32>, vector<16xi32>], vector<16xf32>,
        %mul3A_445 = arith.mulf %gather3A_443, %gather3A_444 : vector<16xf32>
        %add3A_446 = arith.addf %add3A_440, %mul3A_445 : vector<16xf32>
        %broadcast_in_dim3A_447 = arith.constant 68 : i32
        %broadcast_in_dim3A_448 = vector.broadcast %broadcast_in_dim3A_447 : i32 to vector<16xi32>
        %gather3A_449 = tpu.vector_load_idx %arg8[%add3A_38, %broadcast_in_dim3A_448] : memref<400x128xf32, #tpu.memory_space<vmem>>[vector<16xi32>, vector<16xi32>], vector<16xf32>,
        %gather3A_450 = tpu.vector_load_idx %arg9[%add3A_38, %broadcast_in_dim3A_448] : memref<400x128xf32, #tpu.memory_space<vmem>>[vector<16xi32>, vector<16xi32>], vector<16xf32>,
        %mul3A_451 = arith.mulf %gather3A_449, %gather3A_450 : vector<16xf32>
        %add3A_452 = arith.addf %add3A_446, %mul3A_451 : vector<16xf32>
        %broadcast_in_dim3A_453 = arith.constant 69 : i32
        %broadcast_in_dim3A_454 = vector.broadcast %broadcast_in_dim3A_453 : i32 to vector<16xi32>
        %gather3A_455 = tpu.vector_load_idx %arg8[%add3A_38, %broadcast_in_dim3A_454] : memref<400x128xf32, #tpu.memory_space<vmem>>[vector<16xi32>, vector<16xi32>], vector<16xf32>,
        %gather3A_456 = tpu.vector_load_idx %arg9[%add3A_38, %broadcast_in_dim3A_454] : memref<400x128xf32, #tpu.memory_space<vmem>>[vector<16xi32>, vector<16xi32>], vector<16xf32>,
        %mul3A_457 = arith.mulf %gather3A_455, %gather3A_456 : vector<16xf32>
        %add3A_458 = arith.addf %add3A_452, %mul3A_457 : vector<16xf32>
        %broadcast_in_dim3A_459 = arith.constant 70 : i32
        %broadcast_in_dim3A_460 = vector.broadcast %broadcast_in_dim3A_459 : i32 to vector<16xi32>
        %gather3A_461 = tpu.vector_load_idx %arg8[%add3A_38, %broadcast_in_dim3A_460] : memref<400x128xf32, #tpu.memory_space<vmem>>[vector<16xi32>, vector<16xi32>], vector<16xf32>,
        %gather3A_462 = tpu.vector_load_idx %arg9[%add3A_38, %broadcast_in_dim3A_460] : memref<400x128xf32, #tpu.memory_space<vmem>>[vector<16xi32>, vector<16xi32>], vector<16xf32>,
        %mul3A_463 = arith.mulf %gather3A_461, %gather3A_462 : vector<16xf32>
        %add3A_464 = arith.addf %add3A_458, %mul3A_463 : vector<16xf32>
        %broadcast_in_dim3A_465 = arith.constant 71 : i32
        %broadcast_in_dim3A_466 = vector.broadcast %broadcast_in_dim3A_465 : i32 to vector<16xi32>
        %gather3A_467 = tpu.vector_load_idx %arg8[%add3A_38, %broadcast_in_dim3A_466] : memref<400x128xf32, #tpu.memory_space<vmem>>[vector<16xi32>, vector<16xi32>], vector<16xf32>,
        %gather3A_468 = tpu.vector_load_idx %arg9[%add3A_38, %broadcast_in_dim3A_466] : memref<400x128xf32, #tpu.memory_space<vmem>>[vector<16xi32>, vector<16xi32>], vector<16xf32>,
        %mul3A_469 = arith.mulf %gather3A_467, %gather3A_468 : vector<16xf32>
        %add3A_470 = arith.addf %add3A_464, %mul3A_469 : vector<16xf32>
        %broadcast_in_dim3A_471 = arith.constant 72 : i32
        %broadcast_in_dim3A_472 = vector.broadcast %broadcast_in_dim3A_471 : i32 to vector<16xi32>
        %gather3A_473 = tpu.vector_load_idx %arg8[%add3A_38, %broadcast_in_dim3A_472] : memref<400x128xf32, #tpu.memory_space<vmem>>[vector<16xi32>, vector<16xi32>], vector<16xf32>,
        %gather3A_474 = tpu.vector_load_idx %arg9[%add3A_38, %broadcast_in_dim3A_472] : memref<400x128xf32, #tpu.memory_space<vmem>>[vector<16xi32>, vector<16xi32>], vector<16xf32>,
        %mul3A_475 = arith.mulf %gather3A_473, %gather3A_474 : vector<16xf32>
        %add3A_476 = arith.addf %add3A_470, %mul3A_475 : vector<16xf32>
        %broadcast_in_dim3A_477 = arith.constant 73 : i32
        %broadcast_in_dim3A_478 = vector.broadcast %broadcast_in_dim3A_477 : i32 to vector<16xi32>
        %gather3A_479 = tpu.vector_load_idx %arg8[%add3A_38, %broadcast_in_dim3A_478] : memref<400x128xf32, #tpu.memory_space<vmem>>[vector<16xi32>, vector<16xi32>], vector<16xf32>,
        %gather3A_480 = tpu.vector_load_idx %arg9[%add3A_38, %broadcast_in_dim3A_478] : memref<400x128xf32, #tpu.memory_space<vmem>>[vector<16xi32>, vector<16xi32>], vector<16xf32>,
        %mul3A_481 = arith.mulf %gather3A_479, %gather3A_480 : vector<16xf32>
        %add3A_482 = arith.addf %add3A_476, %mul3A_481 : vector<16xf32>
        %broadcast_in_dim3A_483 = arith.constant 74 : i32
        %broadcast_in_dim3A_484 = vector.broadcast %broadcast_in_dim3A_483 : i32 to vector<16xi32>
        %gather3A_485 = tpu.vector_load_idx %arg8[%add3A_38, %broadcast_in_dim3A_484] : memref<400x128xf32, #tpu.memory_space<vmem>>[vector<16xi32>, vector<16xi32>], vector<16xf32>,
        %gather3A_486 = tpu.vector_load_idx %arg9[%add3A_38, %broadcast_in_dim3A_484] : memref<400x128xf32, #tpu.memory_space<vmem>>[vector<16xi32>, vector<16xi32>], vector<16xf32>,
        %mul3A_487 = arith.mulf %gather3A_485, %gather3A_486 : vector<16xf32>
        %add3A_488 = arith.addf %add3A_482, %mul3A_487 : vector<16xf32>
        %broadcast_in_dim3A_489 = arith.constant 75 : i32
        %broadcast_in_dim3A_490 = vector.broadcast %broadcast_in_dim3A_489 : i32 to vector<16xi32>
        %gather3A_491 = tpu.vector_load_idx %arg8[%add3A_38, %broadcast_in_dim3A_490] : memref<400x128xf32, #tpu.memory_space<vmem>>[vector<16xi32>, vector<16xi32>], vector<16xf32>,
        %gather3A_492 = tpu.vector_load_idx %arg9[%add3A_38, %broadcast_in_dim3A_490] : memref<400x128xf32, #tpu.memory_space<vmem>>[vector<16xi32>, vector<16xi32>], vector<16xf32>,
        %mul3A_493 = arith.mulf %gather3A_491, %gather3A_492 : vector<16xf32>
        %add3A_494 = arith.addf %add3A_488, %mul3A_493 : vector<16xf32>
        %broadcast_in_dim3A_495 = arith.constant 76 : i32
        %broadcast_in_dim3A_496 = vector.broadcast %broadcast_in_dim3A_495 : i32 to vector<16xi32>
        %gather3A_497 = tpu.vector_load_idx %arg8[%add3A_38, %broadcast_in_dim3A_496] : memref<400x128xf32, #tpu.memory_space<vmem>>[vector<16xi32>, vector<16xi32>], vector<16xf32>,
        %gather3A_498 = tpu.vector_load_idx %arg9[%add3A_38, %broadcast_in_dim3A_496] : memref<400x128xf32, #tpu.memory_space<vmem>>[vector<16xi32>, vector<16xi32>], vector<16xf32>,
        %mul3A_499 = arith.mulf %gather3A_497, %gather3A_498 : vector<16xf32>
        %add3A_500 = arith.addf %add3A_494, %mul3A_499 : vector<16xf32>
        %broadcast_in_dim3A_501 = arith.constant 77 : i32
        %broadcast_in_dim3A_502 = vector.broadcast %broadcast_in_dim3A_501 : i32 to vector<16xi32>
        %gather3A_503 = tpu.vector_load_idx %arg8[%add3A_38, %broadcast_in_dim3A_502] : memref<400x128xf32, #tpu.memory_space<vmem>>[vector<16xi32>, vector<16xi32>], vector<16xf32>,
        %gather3A_504 = tpu.vector_load_idx %arg9[%add3A_38, %broadcast_in_dim3A_502] : memref<400x128xf32, #tpu.memory_space<vmem>>[vector<16xi32>, vector<16xi32>], vector<16xf32>,
        %mul3A_505 = arith.mulf %gather3A_503, %gather3A_504 : vector<16xf32>
        %add3A_506 = arith.addf %add3A_500, %mul3A_505 : vector<16xf32>
        %broadcast_in_dim3A_507 = arith.constant 78 : i32
        %broadcast_in_dim3A_508 = vector.broadcast %broadcast_in_dim3A_507 : i32 to vector<16xi32>
        %gather3A_509 = tpu.vector_load_idx %arg8[%add3A_38, %broadcast_in_dim3A_508] : memref<400x128xf32, #tpu.memory_space<vmem>>[vector<16xi32>, vector<16xi32>], vector<16xf32>,
        %gather3A_510 = tpu.vector_load_idx %arg9[%add3A_38, %broadcast_in_dim3A_508] : memref<400x128xf32, #tpu.memory_space<vmem>>[vector<16xi32>, vector<16xi32>], vector<16xf32>,
        %mul3A_511 = arith.mulf %gather3A_509, %gather3A_510 : vector<16xf32>
        %add3A_512 = arith.addf %add3A_506, %mul3A_511 : vector<16xf32>
        %broadcast_in_dim3A_513 = arith.constant 79 : i32
        %broadcast_in_dim3A_514 = vector.broadcast %broadcast_in_dim3A_513 : i32 to vector<16xi32>
        %gather3A_515 = tpu.vector_load_idx %arg8[%add3A_38, %broadcast_in_dim3A_514] : memref<400x128xf32, #tpu.memory_space<vmem>>[vector<16xi32>, vector<16xi32>], vector<16xf32>,
        %gather3A_516 = tpu.vector_load_idx %arg9[%add3A_38, %broadcast_in_dim3A_514] : memref<400x128xf32, #tpu.memory_space<vmem>>[vector<16xi32>, vector<16xi32>], vector<16xf32>,
        %mul3A_517 = arith.mulf %gather3A_515, %gather3A_516 : vector<16xf32>
        %add3A_518 = arith.addf %add3A_512, %mul3A_517 : vector<16xf32>
        %broadcast_in_dim3A_519 = arith.constant 80 : i32
        %broadcast_in_dim3A_520 = vector.broadcast %broadcast_in_dim3A_519 : i32 to vector<16xi32>
        %gather3A_521 = tpu.vector_load_idx %arg8[%add3A_38, %broadcast_in_dim3A_520] : memref<400x128xf32, #tpu.memory_space<vmem>>[vector<16xi32>, vector<16xi32>], vector<16xf32>,
        %gather3A_522 = tpu.vector_load_idx %arg9[%add3A_38, %broadcast_in_dim3A_520] : memref<400x128xf32, #tpu.memory_space<vmem>>[vector<16xi32>, vector<16xi32>], vector<16xf32>,
        %mul3A_523 = arith.mulf %gather3A_521, %gather3A_522 : vector<16xf32>
        %add3A_524 = arith.addf %add3A_518, %mul3A_523 : vector<16xf32>
        %broadcast_in_dim3A_525 = arith.constant 81 : i32
        %broadcast_in_dim3A_526 = vector.broadcast %broadcast_in_dim3A_525 : i32 to vector<16xi32>
        %gather3A_527 = tpu.vector_load_idx %arg8[%add3A_38, %broadcast_in_dim3A_526] : memref<400x128xf32, #tpu.memory_space<vmem>>[vector<16xi32>, vector<16xi32>], vector<16xf32>,
        %gather3A_528 = tpu.vector_load_idx %arg9[%add3A_38, %broadcast_in_dim3A_526] : memref<400x128xf32, #tpu.memory_space<vmem>>[vector<16xi32>, vector<16xi32>], vector<16xf32>,
        %mul3A_529 = arith.mulf %gather3A_527, %gather3A_528 : vector<16xf32>
        %add3A_530 = arith.addf %add3A_524, %mul3A_529 : vector<16xf32>
        %broadcast_in_dim3A_531 = arith.constant 82 : i32
        %broadcast_in_dim3A_532 = vector.broadcast %broadcast_in_dim3A_531 : i32 to vector<16xi32>
        %gather3A_533 = tpu.vector_load_idx %arg8[%add3A_38, %broadcast_in_dim3A_532] : memref<400x128xf32, #tpu.memory_space<vmem>>[vector<16xi32>, vector<16xi32>], vector<16xf32>,
        %gather3A_534 = tpu.vector_load_idx %arg9[%add3A_38, %broadcast_in_dim3A_532] : memref<400x128xf32, #tpu.memory_space<vmem>>[vector<16xi32>, vector<16xi32>], vector<16xf32>,
        %mul3A_535 = arith.mulf %gather3A_533, %gather3A_534 : vector<16xf32>
        %add3A_536 = arith.addf %add3A_530, %mul3A_535 : vector<16xf32>
        %broadcast_in_dim3A_537 = arith.constant 83 : i32
        %broadcast_in_dim3A_538 = vector.broadcast %broadcast_in_dim3A_537 : i32 to vector<16xi32>
        %gather3A_539 = tpu.vector_load_idx %arg8[%add3A_38, %broadcast_in_dim3A_538] : memref<400x128xf32, #tpu.memory_space<vmem>>[vector<16xi32>, vector<16xi32>], vector<16xf32>,
        %gather3A_540 = tpu.vector_load_idx %arg9[%add3A_38, %broadcast_in_dim3A_538] : memref<400x128xf32, #tpu.memory_space<vmem>>[vector<16xi32>, vector<16xi32>], vector<16xf32>,
        %mul3A_541 = arith.mulf %gather3A_539, %gather3A_540 : vector<16xf32>
        %add3A_542 = arith.addf %add3A_536, %mul3A_541 : vector<16xf32>
        %broadcast_in_dim3A_543 = arith.constant 84 : i32
        %broadcast_in_dim3A_544 = vector.broadcast %broadcast_in_dim3A_543 : i32 to vector<16xi32>
        %gather3A_545 = tpu.vector_load_idx %arg8[%add3A_38, %broadcast_in_dim3A_544] : memref<400x128xf32, #tpu.memory_space<vmem>>[vector<16xi32>, vector<16xi32>], vector<16xf32>,
        %gather3A_546 = tpu.vector_load_idx %arg9[%add3A_38, %broadcast_in_dim3A_544] : memref<400x128xf32, #tpu.memory_space<vmem>>[vector<16xi32>, vector<16xi32>], vector<16xf32>,
        %mul3A_547 = arith.mulf %gather3A_545, %gather3A_546 : vector<16xf32>
        %add3A_548 = arith.addf %add3A_542, %mul3A_547 : vector<16xf32>
        %broadcast_in_dim3A_549 = arith.constant 85 : i32
        %broadcast_in_dim3A_550 = vector.broadcast %broadcast_in_dim3A_549 : i32 to vector<16xi32>
        %gather3A_551 = tpu.vector_load_idx %arg8[%add3A_38, %broadcast_in_dim3A_550] : memref<400x128xf32, #tpu.memory_space<vmem>>[vector<16xi32>, vector<16xi32>], vector<16xf32>,
        %gather3A_552 = tpu.vector_load_idx %arg9[%add3A_38, %broadcast_in_dim3A_550] : memref<400x128xf32, #tpu.memory_space<vmem>>[vector<16xi32>, vector<16xi32>], vector<16xf32>,
        %mul3A_553 = arith.mulf %gather3A_551, %gather3A_552 : vector<16xf32>
        %add3A_554 = arith.addf %add3A_548, %mul3A_553 : vector<16xf32>
        %broadcast_in_dim3A_555 = arith.constant 86 : i32
        %broadcast_in_dim3A_556 = vector.broadcast %broadcast_in_dim3A_555 : i32 to vector<16xi32>
        %gather3A_557 = tpu.vector_load_idx %arg8[%add3A_38, %broadcast_in_dim3A_556] : memref<400x128xf32, #tpu.memory_space<vmem>>[vector<16xi32>, vector<16xi32>], vector<16xf32>,
        %gather3A_558 = tpu.vector_load_idx %arg9[%add3A_38, %broadcast_in_dim3A_556] : memref<400x128xf32, #tpu.memory_space<vmem>>[vector<16xi32>, vector<16xi32>], vector<16xf32>,
        %mul3A_559 = arith.mulf %gather3A_557, %gather3A_558 : vector<16xf32>
        %add3A_560 = arith.addf %add3A_554, %mul3A_559 : vector<16xf32>
        %broadcast_in_dim3A_561 = arith.constant 87 : i32
        %broadcast_in_dim3A_562 = vector.broadcast %broadcast_in_dim3A_561 : i32 to vector<16xi32>
        %gather3A_563 = tpu.vector_load_idx %arg8[%add3A_38, %broadcast_in_dim3A_562] : memref<400x128xf32, #tpu.memory_space<vmem>>[vector<16xi32>, vector<16xi32>], vector<16xf32>,
        %gather3A_564 = tpu.vector_load_idx %arg9[%add3A_38, %broadcast_in_dim3A_562] : memref<400x128xf32, #tpu.memory_space<vmem>>[vector<16xi32>, vector<16xi32>], vector<16xf32>,
        %mul3A_565 = arith.mulf %gather3A_563, %gather3A_564 : vector<16xf32>
        %add3A_566 = arith.addf %add3A_560, %mul3A_565 : vector<16xf32>
        %broadcast_in_dim3A_567 = arith.constant 88 : i32
        %broadcast_in_dim3A_568 = vector.broadcast %broadcast_in_dim3A_567 : i32 to vector<16xi32>
        %gather3A_569 = tpu.vector_load_idx %arg8[%add3A_38, %broadcast_in_dim3A_568] : memref<400x128xf32, #tpu.memory_space<vmem>>[vector<16xi32>, vector<16xi32>], vector<16xf32>,
        %gather3A_570 = tpu.vector_load_idx %arg9[%add3A_38, %broadcast_in_dim3A_568] : memref<400x128xf32, #tpu.memory_space<vmem>>[vector<16xi32>, vector<16xi32>], vector<16xf32>,
        %mul3A_571 = arith.mulf %gather3A_569, %gather3A_570 : vector<16xf32>
        %add3A_572 = arith.addf %add3A_566, %mul3A_571 : vector<16xf32>
        %broadcast_in_dim3A_573 = arith.constant 89 : i32
        %broadcast_in_dim3A_574 = vector.broadcast %broadcast_in_dim3A_573 : i32 to vector<16xi32>
        %gather3A_575 = tpu.vector_load_idx %arg8[%add3A_38, %broadcast_in_dim3A_574] : memref<400x128xf32, #tpu.memory_space<vmem>>[vector<16xi32>, vector<16xi32>], vector<16xf32>,
        %gather3A_576 = tpu.vector_load_idx %arg9[%add3A_38, %broadcast_in_dim3A_574] : memref<400x128xf32, #tpu.memory_space<vmem>>[vector<16xi32>, vector<16xi32>], vector<16xf32>,
        %mul3A_577 = arith.mulf %gather3A_575, %gather3A_576 : vector<16xf32>
        %add3A_578 = arith.addf %add3A_572, %mul3A_577 : vector<16xf32>
        %broadcast_in_dim3A_579 = arith.constant 90 : i32
        %broadcast_in_dim3A_580 = vector.broadcast %broadcast_in_dim3A_579 : i32 to vector<16xi32>
        %gather3A_581 = tpu.vector_load_idx %arg8[%add3A_38, %broadcast_in_dim3A_580] : memref<400x128xf32, #tpu.memory_space<vmem>>[vector<16xi32>, vector<16xi32>], vector<16xf32>,
        %gather3A_582 = tpu.vector_load_idx %arg9[%add3A_38, %broadcast_in_dim3A_580] : memref<400x128xf32, #tpu.memory_space<vmem>>[vector<16xi32>, vector<16xi32>], vector<16xf32>,
        %mul3A_583 = arith.mulf %gather3A_581, %gather3A_582 : vector<16xf32>
        %add3A_584 = arith.addf %add3A_578, %mul3A_583 : vector<16xf32>
        %broadcast_in_dim3A_585 = arith.constant 91 : i32
        %broadcast_in_dim3A_586 = vector.broadcast %broadcast_in_dim3A_585 : i32 to vector<16xi32>
        %gather3A_587 = tpu.vector_load_idx %arg8[%add3A_38, %broadcast_in_dim3A_586] : memref<400x128xf32, #tpu.memory_space<vmem>>[vector<16xi32>, vector<16xi32>], vector<16xf32>,
        %gather3A_588 = tpu.vector_load_idx %arg9[%add3A_38, %broadcast_in_dim3A_586] : memref<400x128xf32, #tpu.memory_space<vmem>>[vector<16xi32>, vector<16xi32>], vector<16xf32>,
        %mul3A_589 = arith.mulf %gather3A_587, %gather3A_588 : vector<16xf32>
        %add3A_590 = arith.addf %add3A_584, %mul3A_589 : vector<16xf32>
        %broadcast_in_dim3A_591 = arith.constant 92 : i32
        %broadcast_in_dim3A_592 = vector.broadcast %broadcast_in_dim3A_591 : i32 to vector<16xi32>
        %gather3A_593 = tpu.vector_load_idx %arg8[%add3A_38, %broadcast_in_dim3A_592] : memref<400x128xf32, #tpu.memory_space<vmem>>[vector<16xi32>, vector<16xi32>], vector<16xf32>,
        %gather3A_594 = tpu.vector_load_idx %arg9[%add3A_38, %broadcast_in_dim3A_592] : memref<400x128xf32, #tpu.memory_space<vmem>>[vector<16xi32>, vector<16xi32>], vector<16xf32>,
        %mul3A_595 = arith.mulf %gather3A_593, %gather3A_594 : vector<16xf32>
        %add3A_596 = arith.addf %add3A_590, %mul3A_595 : vector<16xf32>
        %broadcast_in_dim3A_597 = arith.constant 93 : i32
        %broadcast_in_dim3A_598 = vector.broadcast %broadcast_in_dim3A_597 : i32 to vector<16xi32>
        %gather3A_599 = tpu.vector_load_idx %arg8[%add3A_38, %broadcast_in_dim3A_598] : memref<400x128xf32, #tpu.memory_space<vmem>>[vector<16xi32>, vector<16xi32>], vector<16xf32>,
        %gather3A_600 = tpu.vector_load_idx %arg9[%add3A_38, %broadcast_in_dim3A_598] : memref<400x128xf32, #tpu.memory_space<vmem>>[vector<16xi32>, vector<16xi32>], vector<16xf32>,
        %mul3A_601 = arith.mulf %gather3A_599, %gather3A_600 : vector<16xf32>
        %add3A_602 = arith.addf %add3A_596, %mul3A_601 : vector<16xf32>
        %broadcast_in_dim3A_603 = arith.constant 94 : i32
        %broadcast_in_dim3A_604 = vector.broadcast %broadcast_in_dim3A_603 : i32 to vector<16xi32>
        %gather3A_605 = tpu.vector_load_idx %arg8[%add3A_38, %broadcast_in_dim3A_604] : memref<400x128xf32, #tpu.memory_space<vmem>>[vector<16xi32>, vector<16xi32>], vector<16xf32>,
        %gather3A_606 = tpu.vector_load_idx %arg9[%add3A_38, %broadcast_in_dim3A_604] : memref<400x128xf32, #tpu.memory_space<vmem>>[vector<16xi32>, vector<16xi32>], vector<16xf32>,
        %mul3A_607 = arith.mulf %gather3A_605, %gather3A_606 : vector<16xf32>
        %add3A_608 = arith.addf %add3A_602, %mul3A_607 : vector<16xf32>
        %broadcast_in_dim3A_609 = arith.constant 95 : i32
        %broadcast_in_dim3A_610 = vector.broadcast %broadcast_in_dim3A_609 : i32 to vector<16xi32>
        %gather3A_611 = tpu.vector_load_idx %arg8[%add3A_38, %broadcast_in_dim3A_610] : memref<400x128xf32, #tpu.memory_space<vmem>>[vector<16xi32>, vector<16xi32>], vector<16xf32>,
        %gather3A_612 = tpu.vector_load_idx %arg9[%add3A_38, %broadcast_in_dim3A_610] : memref<400x128xf32, #tpu.memory_space<vmem>>[vector<16xi32>, vector<16xi32>], vector<16xf32>,
        %mul3A_613 = arith.mulf %gather3A_611, %gather3A_612 : vector<16xf32>
        %add3A_614 = arith.addf %add3A_608, %mul3A_613 : vector<16xf32>
        %broadcast_in_dim3A_615 = arith.constant 96 : i32
        %broadcast_in_dim3A_616 = vector.broadcast %broadcast_in_dim3A_615 : i32 to vector<16xi32>
        %gather3A_617 = tpu.vector_load_idx %arg8[%add3A_38, %broadcast_in_dim3A_616] : memref<400x128xf32, #tpu.memory_space<vmem>>[vector<16xi32>, vector<16xi32>], vector<16xf32>,
        %gather3A_618 = tpu.vector_load_idx %arg9[%add3A_38, %broadcast_in_dim3A_616] : memref<400x128xf32, #tpu.memory_space<vmem>>[vector<16xi32>, vector<16xi32>], vector<16xf32>,
        %mul3A_619 = arith.mulf %gather3A_617, %gather3A_618 : vector<16xf32>
        %add3A_620 = arith.addf %add3A_614, %mul3A_619 : vector<16xf32>
        %broadcast_in_dim3A_621 = arith.constant 97 : i32
        %broadcast_in_dim3A_622 = vector.broadcast %broadcast_in_dim3A_621 : i32 to vector<16xi32>
        %gather3A_623 = tpu.vector_load_idx %arg8[%add3A_38, %broadcast_in_dim3A_622] : memref<400x128xf32, #tpu.memory_space<vmem>>[vector<16xi32>, vector<16xi32>], vector<16xf32>,
        %gather3A_624 = tpu.vector_load_idx %arg9[%add3A_38, %broadcast_in_dim3A_622] : memref<400x128xf32, #tpu.memory_space<vmem>>[vector<16xi32>, vector<16xi32>], vector<16xf32>,
        %mul3A_625 = arith.mulf %gather3A_623, %gather3A_624 : vector<16xf32>
        %add3A_626 = arith.addf %add3A_620, %mul3A_625 : vector<16xf32>
        %broadcast_in_dim3A_627 = arith.constant 98 : i32
        %broadcast_in_dim3A_628 = vector.broadcast %broadcast_in_dim3A_627 : i32 to vector<16xi32>
        %gather3A_629 = tpu.vector_load_idx %arg8[%add3A_38, %broadcast_in_dim3A_628] : memref<400x128xf32, #tpu.memory_space<vmem>>[vector<16xi32>, vector<16xi32>], vector<16xf32>,
        %gather3A_630 = tpu.vector_load_idx %arg9[%add3A_38, %broadcast_in_dim3A_628] : memref<400x128xf32, #tpu.memory_space<vmem>>[vector<16xi32>, vector<16xi32>], vector<16xf32>,
        %mul3A_631 = arith.mulf %gather3A_629, %gather3A_630 : vector<16xf32>
        %add3A_632 = arith.addf %add3A_626, %mul3A_631 : vector<16xf32>
        %broadcast_in_dim3A_633 = arith.constant 99 : i32
        %broadcast_in_dim3A_634 = vector.broadcast %broadcast_in_dim3A_633 : i32 to vector<16xi32>
        %gather3A_635 = tpu.vector_load_idx %arg8[%add3A_38, %broadcast_in_dim3A_634] : memref<400x128xf32, #tpu.memory_space<vmem>>[vector<16xi32>, vector<16xi32>], vector<16xf32>,
        %gather3A_636 = tpu.vector_load_idx %arg9[%add3A_38, %broadcast_in_dim3A_634] : memref<400x128xf32, #tpu.memory_space<vmem>>[vector<16xi32>, vector<16xi32>], vector<16xf32>,
        %mul3A_637 = arith.mulf %gather3A_635, %gather3A_636 : vector<16xf32>
        %add3A_638 = arith.addf %add3A_632, %mul3A_637 : vector<16xf32>
        %broadcast_in_dim3A_639 = arith.constant 100 : i32
        %broadcast_in_dim3A_640 = vector.broadcast %broadcast_in_dim3A_639 : i32 to vector<16xi32>
        %gather3A_641 = tpu.vector_load_idx %arg8[%add3A_38, %broadcast_in_dim3A_640] : memref<400x128xf32, #tpu.memory_space<vmem>>[vector<16xi32>, vector<16xi32>], vector<16xf32>,
        %gather3A_642 = tpu.vector_load_idx %arg9[%add3A_38, %broadcast_in_dim3A_640] : memref<400x128xf32, #tpu.memory_space<vmem>>[vector<16xi32>, vector<16xi32>], vector<16xf32>,
        %mul3A_643 = arith.mulf %gather3A_641, %gather3A_642 : vector<16xf32>
        %add3A_644 = arith.addf %add3A_638, %mul3A_643 : vector<16xf32>
        %broadcast_in_dim3A_645 = arith.constant 101 : i32
        %broadcast_in_dim3A_646 = vector.broadcast %broadcast_in_dim3A_645 : i32 to vector<16xi32>
        %gather3A_647 = tpu.vector_load_idx %arg8[%add3A_38, %broadcast_in_dim3A_646] : memref<400x128xf32, #tpu.memory_space<vmem>>[vector<16xi32>, vector<16xi32>], vector<16xf32>,
        %gather3A_648 = tpu.vector_load_idx %arg9[%add3A_38, %broadcast_in_dim3A_646] : memref<400x128xf32, #tpu.memory_space<vmem>>[vector<16xi32>, vector<16xi32>], vector<16xf32>,
        %mul3A_649 = arith.mulf %gather3A_647, %gather3A_648 : vector<16xf32>
        %add3A_650 = arith.addf %add3A_644, %mul3A_649 : vector<16xf32>
        %broadcast_in_dim3A_651 = arith.constant 102 : i32
        %broadcast_in_dim3A_652 = vector.broadcast %broadcast_in_dim3A_651 : i32 to vector<16xi32>
        %gather3A_653 = tpu.vector_load_idx %arg8[%add3A_38, %broadcast_in_dim3A_652] : memref<400x128xf32, #tpu.memory_space<vmem>>[vector<16xi32>, vector<16xi32>], vector<16xf32>,
        %gather3A_654 = tpu.vector_load_idx %arg9[%add3A_38, %broadcast_in_dim3A_652] : memref<400x128xf32, #tpu.memory_space<vmem>>[vector<16xi32>, vector<16xi32>], vector<16xf32>,
        %mul3A_655 = arith.mulf %gather3A_653, %gather3A_654 : vector<16xf32>
        %add3A_656 = arith.addf %add3A_650, %mul3A_655 : vector<16xf32>
        %broadcast_in_dim3A_657 = arith.constant 103 : i32
        %broadcast_in_dim3A_658 = vector.broadcast %broadcast_in_dim3A_657 : i32 to vector<16xi32>
        %gather3A_659 = tpu.vector_load_idx %arg8[%add3A_38, %broadcast_in_dim3A_658] : memref<400x128xf32, #tpu.memory_space<vmem>>[vector<16xi32>, vector<16xi32>], vector<16xf32>,
        %gather3A_660 = tpu.vector_load_idx %arg9[%add3A_38, %broadcast_in_dim3A_658] : memref<400x128xf32, #tpu.memory_space<vmem>>[vector<16xi32>, vector<16xi32>], vector<16xf32>,
        %mul3A_661 = arith.mulf %gather3A_659, %gather3A_660 : vector<16xf32>
        %add3A_662 = arith.addf %add3A_656, %mul3A_661 : vector<16xf32>
        %broadcast_in_dim3A_663 = arith.constant 104 : i32
        %broadcast_in_dim3A_664 = vector.broadcast %broadcast_in_dim3A_663 : i32 to vector<16xi32>
        %gather3A_665 = tpu.vector_load_idx %arg8[%add3A_38, %broadcast_in_dim3A_664] : memref<400x128xf32, #tpu.memory_space<vmem>>[vector<16xi32>, vector<16xi32>], vector<16xf32>,
        %gather3A_666 = tpu.vector_load_idx %arg9[%add3A_38, %broadcast_in_dim3A_664] : memref<400x128xf32, #tpu.memory_space<vmem>>[vector<16xi32>, vector<16xi32>], vector<16xf32>,
        %mul3A_667 = arith.mulf %gather3A_665, %gather3A_666 : vector<16xf32>
        %add3A_668 = arith.addf %add3A_662, %mul3A_667 : vector<16xf32>
        %broadcast_in_dim3A_669 = arith.constant 105 : i32
        %broadcast_in_dim3A_670 = vector.broadcast %broadcast_in_dim3A_669 : i32 to vector<16xi32>
        %gather3A_671 = tpu.vector_load_idx %arg8[%add3A_38, %broadcast_in_dim3A_670] : memref<400x128xf32, #tpu.memory_space<vmem>>[vector<16xi32>, vector<16xi32>], vector<16xf32>,
        %gather3A_672 = tpu.vector_load_idx %arg9[%add3A_38, %broadcast_in_dim3A_670] : memref<400x128xf32, #tpu.memory_space<vmem>>[vector<16xi32>, vector<16xi32>], vector<16xf32>,
        %mul3A_673 = arith.mulf %gather3A_671, %gather3A_672 : vector<16xf32>
        %add3A_674 = arith.addf %add3A_668, %mul3A_673 : vector<16xf32>
        %broadcast_in_dim3A_675 = arith.constant 106 : i32
        %broadcast_in_dim3A_676 = vector.broadcast %broadcast_in_dim3A_675 : i32 to vector<16xi32>
        %gather3A_677 = tpu.vector_load_idx %arg8[%add3A_38, %broadcast_in_dim3A_676] : memref<400x128xf32, #tpu.memory_space<vmem>>[vector<16xi32>, vector<16xi32>], vector<16xf32>,
        %gather3A_678 = tpu.vector_load_idx %arg9[%add3A_38, %broadcast_in_dim3A_676] : memref<400x128xf32, #tpu.memory_space<vmem>>[vector<16xi32>, vector<16xi32>], vector<16xf32>,
        %mul3A_679 = arith.mulf %gather3A_677, %gather3A_678 : vector<16xf32>
        %add3A_680 = arith.addf %add3A_674, %mul3A_679 : vector<16xf32>
        %broadcast_in_dim3A_681 = arith.constant 107 : i32
        %broadcast_in_dim3A_682 = vector.broadcast %broadcast_in_dim3A_681 : i32 to vector<16xi32>
        %gather3A_683 = tpu.vector_load_idx %arg8[%add3A_38, %broadcast_in_dim3A_682] : memref<400x128xf32, #tpu.memory_space<vmem>>[vector<16xi32>, vector<16xi32>], vector<16xf32>,
        %gather3A_684 = tpu.vector_load_idx %arg9[%add3A_38, %broadcast_in_dim3A_682] : memref<400x128xf32, #tpu.memory_space<vmem>>[vector<16xi32>, vector<16xi32>], vector<16xf32>,
        %mul3A_685 = arith.mulf %gather3A_683, %gather3A_684 : vector<16xf32>
        %add3A_686 = arith.addf %add3A_680, %mul3A_685 : vector<16xf32>
        %broadcast_in_dim3A_687 = arith.constant 108 : i32
        %broadcast_in_dim3A_688 = vector.broadcast %broadcast_in_dim3A_687 : i32 to vector<16xi32>
        %gather3A_689 = tpu.vector_load_idx %arg8[%add3A_38, %broadcast_in_dim3A_688] : memref<400x128xf32, #tpu.memory_space<vmem>>[vector<16xi32>, vector<16xi32>], vector<16xf32>,
        %gather3A_690 = tpu.vector_load_idx %arg9[%add3A_38, %broadcast_in_dim3A_688] : memref<400x128xf32, #tpu.memory_space<vmem>>[vector<16xi32>, vector<16xi32>], vector<16xf32>,
        %mul3A_691 = arith.mulf %gather3A_689, %gather3A_690 : vector<16xf32>
        %add3A_692 = arith.addf %add3A_686, %mul3A_691 : vector<16xf32>
        %broadcast_in_dim3A_693 = arith.constant 109 : i32
        %broadcast_in_dim3A_694 = vector.broadcast %broadcast_in_dim3A_693 : i32 to vector<16xi32>
        %gather3A_695 = tpu.vector_load_idx %arg8[%add3A_38, %broadcast_in_dim3A_694] : memref<400x128xf32, #tpu.memory_space<vmem>>[vector<16xi32>, vector<16xi32>], vector<16xf32>,
        %gather3A_696 = tpu.vector_load_idx %arg9[%add3A_38, %broadcast_in_dim3A_694] : memref<400x128xf32, #tpu.memory_space<vmem>>[vector<16xi32>, vector<16xi32>], vector<16xf32>,
        %mul3A_697 = arith.mulf %gather3A_695, %gather3A_696 : vector<16xf32>
        %add3A_698 = arith.addf %add3A_692, %mul3A_697 : vector<16xf32>
        %broadcast_in_dim3A_699 = arith.constant 110 : i32
        %broadcast_in_dim3A_700 = vector.broadcast %broadcast_in_dim3A_699 : i32 to vector<16xi32>
        %gather3A_701 = tpu.vector_load_idx %arg8[%add3A_38, %broadcast_in_dim3A_700] : memref<400x128xf32, #tpu.memory_space<vmem>>[vector<16xi32>, vector<16xi32>], vector<16xf32>,
        %gather3A_702 = tpu.vector_load_idx %arg9[%add3A_38, %broadcast_in_dim3A_700] : memref<400x128xf32, #tpu.memory_space<vmem>>[vector<16xi32>, vector<16xi32>], vector<16xf32>,
        %mul3A_703 = arith.mulf %gather3A_701, %gather3A_702 : vector<16xf32>
        %add3A_704 = arith.addf %add3A_698, %mul3A_703 : vector<16xf32>
        %broadcast_in_dim3A_705 = arith.constant 111 : i32
        %broadcast_in_dim3A_706 = vector.broadcast %broadcast_in_dim3A_705 : i32 to vector<16xi32>
        %gather3A_707 = tpu.vector_load_idx %arg8[%add3A_38, %broadcast_in_dim3A_706] : memref<400x128xf32, #tpu.memory_space<vmem>>[vector<16xi32>, vector<16xi32>], vector<16xf32>,
        %gather3A_708 = tpu.vector_load_idx %arg9[%add3A_38, %broadcast_in_dim3A_706] : memref<400x128xf32, #tpu.memory_space<vmem>>[vector<16xi32>, vector<16xi32>], vector<16xf32>,
        %mul3A_709 = arith.mulf %gather3A_707, %gather3A_708 : vector<16xf32>
        %add3A_710 = arith.addf %add3A_704, %mul3A_709 : vector<16xf32>
        %broadcast_in_dim3A_711 = arith.constant 112 : i32
        %broadcast_in_dim3A_712 = vector.broadcast %broadcast_in_dim3A_711 : i32 to vector<16xi32>
        %gather3A_713 = tpu.vector_load_idx %arg8[%add3A_38, %broadcast_in_dim3A_712] : memref<400x128xf32, #tpu.memory_space<vmem>>[vector<16xi32>, vector<16xi32>], vector<16xf32>,
        %gather3A_714 = tpu.vector_load_idx %arg9[%add3A_38, %broadcast_in_dim3A_712] : memref<400x128xf32, #tpu.memory_space<vmem>>[vector<16xi32>, vector<16xi32>], vector<16xf32>,
        %mul3A_715 = arith.mulf %gather3A_713, %gather3A_714 : vector<16xf32>
        %add3A_716 = arith.addf %add3A_710, %mul3A_715 : vector<16xf32>
        %broadcast_in_dim3A_717 = arith.constant 113 : i32
        %broadcast_in_dim3A_718 = vector.broadcast %broadcast_in_dim3A_717 : i32 to vector<16xi32>
        %gather3A_719 = tpu.vector_load_idx %arg8[%add3A_38, %broadcast_in_dim3A_718] : memref<400x128xf32, #tpu.memory_space<vmem>>[vector<16xi32>, vector<16xi32>], vector<16xf32>,
        %gather3A_720 = tpu.vector_load_idx %arg9[%add3A_38, %broadcast_in_dim3A_718] : memref<400x128xf32, #tpu.memory_space<vmem>>[vector<16xi32>, vector<16xi32>], vector<16xf32>,
        %mul3A_721 = arith.mulf %gather3A_719, %gather3A_720 : vector<16xf32>
        %add3A_722 = arith.addf %add3A_716, %mul3A_721 : vector<16xf32>
        %broadcast_in_dim3A_723 = arith.constant 114 : i32
        %broadcast_in_dim3A_724 = vector.broadcast %broadcast_in_dim3A_723 : i32 to vector<16xi32>
        %gather3A_725 = tpu.vector_load_idx %arg8[%add3A_38, %broadcast_in_dim3A_724] : memref<400x128xf32, #tpu.memory_space<vmem>>[vector<16xi32>, vector<16xi32>], vector<16xf32>,
        %gather3A_726 = tpu.vector_load_idx %arg9[%add3A_38, %broadcast_in_dim3A_724] : memref<400x128xf32, #tpu.memory_space<vmem>>[vector<16xi32>, vector<16xi32>], vector<16xf32>,
        %mul3A_727 = arith.mulf %gather3A_725, %gather3A_726 : vector<16xf32>
        %add3A_728 = arith.addf %add3A_722, %mul3A_727 : vector<16xf32>
        %broadcast_in_dim3A_729 = arith.constant 115 : i32
        %broadcast_in_dim3A_730 = vector.broadcast %broadcast_in_dim3A_729 : i32 to vector<16xi32>
        %gather3A_731 = tpu.vector_load_idx %arg8[%add3A_38, %broadcast_in_dim3A_730] : memref<400x128xf32, #tpu.memory_space<vmem>>[vector<16xi32>, vector<16xi32>], vector<16xf32>,
        %gather3A_732 = tpu.vector_load_idx %arg9[%add3A_38, %broadcast_in_dim3A_730] : memref<400x128xf32, #tpu.memory_space<vmem>>[vector<16xi32>, vector<16xi32>], vector<16xf32>,
        %mul3A_733 = arith.mulf %gather3A_731, %gather3A_732 : vector<16xf32>
        %add3A_734 = arith.addf %add3A_728, %mul3A_733 : vector<16xf32>
        %broadcast_in_dim3A_735 = arith.constant 116 : i32
        %broadcast_in_dim3A_736 = vector.broadcast %broadcast_in_dim3A_735 : i32 to vector<16xi32>
        %gather3A_737 = tpu.vector_load_idx %arg8[%add3A_38, %broadcast_in_dim3A_736] : memref<400x128xf32, #tpu.memory_space<vmem>>[vector<16xi32>, vector<16xi32>], vector<16xf32>,
        %gather3A_738 = tpu.vector_load_idx %arg9[%add3A_38, %broadcast_in_dim3A_736] : memref<400x128xf32, #tpu.memory_space<vmem>>[vector<16xi32>, vector<16xi32>], vector<16xf32>,
        %mul3A_739 = arith.mulf %gather3A_737, %gather3A_738 : vector<16xf32>
        %add3A_740 = arith.addf %add3A_734, %mul3A_739 : vector<16xf32>
        %broadcast_in_dim3A_741 = arith.constant 117 : i32
        %broadcast_in_dim3A_742 = vector.broadcast %broadcast_in_dim3A_741 : i32 to vector<16xi32>
        %gather3A_743 = tpu.vector_load_idx %arg8[%add3A_38, %broadcast_in_dim3A_742] : memref<400x128xf32, #tpu.memory_space<vmem>>[vector<16xi32>, vector<16xi32>], vector<16xf32>,
        %gather3A_744 = tpu.vector_load_idx %arg9[%add3A_38, %broadcast_in_dim3A_742] : memref<400x128xf32, #tpu.memory_space<vmem>>[vector<16xi32>, vector<16xi32>], vector<16xf32>,
        %mul3A_745 = arith.mulf %gather3A_743, %gather3A_744 : vector<16xf32>
        %add3A_746 = arith.addf %add3A_740, %mul3A_745 : vector<16xf32>
        %broadcast_in_dim3A_747 = arith.constant 118 : i32
        %broadcast_in_dim3A_748 = vector.broadcast %broadcast_in_dim3A_747 : i32 to vector<16xi32>
        %gather3A_749 = tpu.vector_load_idx %arg8[%add3A_38, %broadcast_in_dim3A_748] : memref<400x128xf32, #tpu.memory_space<vmem>>[vector<16xi32>, vector<16xi32>], vector<16xf32>,
        %gather3A_750 = tpu.vector_load_idx %arg9[%add3A_38, %broadcast_in_dim3A_748] : memref<400x128xf32, #tpu.memory_space<vmem>>[vector<16xi32>, vector<16xi32>], vector<16xf32>,
        %mul3A_751 = arith.mulf %gather3A_749, %gather3A_750 : vector<16xf32>
        %add3A_752 = arith.addf %add3A_746, %mul3A_751 : vector<16xf32>
        %broadcast_in_dim3A_753 = arith.constant 119 : i32
        %broadcast_in_dim3A_754 = vector.broadcast %broadcast_in_dim3A_753 : i32 to vector<16xi32>
        %gather3A_755 = tpu.vector_load_idx %arg8[%add3A_38, %broadcast_in_dim3A_754] : memref<400x128xf32, #tpu.memory_space<vmem>>[vector<16xi32>, vector<16xi32>], vector<16xf32>,
        %gather3A_756 = tpu.vector_load_idx %arg9[%add3A_38, %broadcast_in_dim3A_754] : memref<400x128xf32, #tpu.memory_space<vmem>>[vector<16xi32>, vector<16xi32>], vector<16xf32>,
        %mul3A_757 = arith.mulf %gather3A_755, %gather3A_756 : vector<16xf32>
        %add3A_758 = arith.addf %add3A_752, %mul3A_757 : vector<16xf32>
        %broadcast_in_dim3A_759 = arith.constant 120 : i32
        %broadcast_in_dim3A_760 = vector.broadcast %broadcast_in_dim3A_759 : i32 to vector<16xi32>
        %gather3A_761 = tpu.vector_load_idx %arg8[%add3A_38, %broadcast_in_dim3A_760] : memref<400x128xf32, #tpu.memory_space<vmem>>[vector<16xi32>, vector<16xi32>], vector<16xf32>,
        %gather3A_762 = tpu.vector_load_idx %arg9[%add3A_38, %broadcast_in_dim3A_760] : memref<400x128xf32, #tpu.memory_space<vmem>>[vector<16xi32>, vector<16xi32>], vector<16xf32>,
        %mul3A_763 = arith.mulf %gather3A_761, %gather3A_762 : vector<16xf32>
        %add3A_764 = arith.addf %add3A_758, %mul3A_763 : vector<16xf32>
        %broadcast_in_dim3A_765 = arith.constant 121 : i32
        %broadcast_in_dim3A_766 = vector.broadcast %broadcast_in_dim3A_765 : i32 to vector<16xi32>
        %gather3A_767 = tpu.vector_load_idx %arg8[%add3A_38, %broadcast_in_dim3A_766] : memref<400x128xf32, #tpu.memory_space<vmem>>[vector<16xi32>, vector<16xi32>], vector<16xf32>,
        %gather3A_768 = tpu.vector_load_idx %arg9[%add3A_38, %broadcast_in_dim3A_766] : memref<400x128xf32, #tpu.memory_space<vmem>>[vector<16xi32>, vector<16xi32>], vector<16xf32>,
        %mul3A_769 = arith.mulf %gather3A_767, %gather3A_768 : vector<16xf32>
        %add3A_770 = arith.addf %add3A_764, %mul3A_769 : vector<16xf32>
        %broadcast_in_dim3A_771 = arith.constant 122 : i32
        %broadcast_in_dim3A_772 = vector.broadcast %broadcast_in_dim3A_771 : i32 to vector<16xi32>
        %gather3A_773 = tpu.vector_load_idx %arg8[%add3A_38, %broadcast_in_dim3A_772] : memref<400x128xf32, #tpu.memory_space<vmem>>[vector<16xi32>, vector<16xi32>], vector<16xf32>,
        %gather3A_774 = tpu.vector_load_idx %arg9[%add3A_38, %broadcast_in_dim3A_772] : memref<400x128xf32, #tpu.memory_space<vmem>>[vector<16xi32>, vector<16xi32>], vector<16xf32>,
        %mul3A_775 = arith.mulf %gather3A_773, %gather3A_774 : vector<16xf32>
        %add3A_776 = arith.addf %add3A_770, %mul3A_775 : vector<16xf32>
        %broadcast_in_dim3A_777 = arith.constant 123 : i32
        %broadcast_in_dim3A_778 = vector.broadcast %broadcast_in_dim3A_777 : i32 to vector<16xi32>
        %gather3A_779 = tpu.vector_load_idx %arg8[%add3A_38, %broadcast_in_dim3A_778] : memref<400x128xf32, #tpu.memory_space<vmem>>[vector<16xi32>, vector<16xi32>], vector<16xf32>,
        %gather3A_780 = tpu.vector_load_idx %arg9[%add3A_38, %broadcast_in_dim3A_778] : memref<400x128xf32, #tpu.memory_space<vmem>>[vector<16xi32>, vector<16xi32>], vector<16xf32>,
        %mul3A_781 = arith.mulf %gather3A_779, %gather3A_780 : vector<16xf32>
        %add3A_782 = arith.addf %add3A_776, %mul3A_781 : vector<16xf32>
        %broadcast_in_dim3A_783 = arith.constant 124 : i32
        %broadcast_in_dim3A_784 = vector.broadcast %broadcast_in_dim3A_783 : i32 to vector<16xi32>
        %gather3A_785 = tpu.vector_load_idx %arg8[%add3A_38, %broadcast_in_dim3A_784] : memref<400x128xf32, #tpu.memory_space<vmem>>[vector<16xi32>, vector<16xi32>], vector<16xf32>,
        %gather3A_786 = tpu.vector_load_idx %arg9[%add3A_38, %broadcast_in_dim3A_784] : memref<400x128xf32, #tpu.memory_space<vmem>>[vector<16xi32>, vector<16xi32>], vector<16xf32>,
        %mul3A_787 = arith.mulf %gather3A_785, %gather3A_786 : vector<16xf32>
        %add3A_788 = arith.addf %add3A_782, %mul3A_787 : vector<16xf32>
        %broadcast_in_dim3A_789 = arith.constant 125 : i32
        %broadcast_in_dim3A_790 = vector.broadcast %broadcast_in_dim3A_789 : i32 to vector<16xi32>
        %gather3A_791 = tpu.vector_load_idx %arg8[%add3A_38, %broadcast_in_dim3A_790] : memref<400x128xf32, #tpu.memory_space<vmem>>[vector<16xi32>, vector<16xi32>], vector<16xf32>,
        %gather3A_792 = tpu.vector_load_idx %arg9[%add3A_38, %broadcast_in_dim3A_790] : memref<400x128xf32, #tpu.memory_space<vmem>>[vector<16xi32>, vector<16xi32>], vector<16xf32>,
        %mul3A_793 = arith.mulf %gather3A_791, %gather3A_792 : vector<16xf32>
        %add3A_794 = arith.addf %add3A_788, %mul3A_793 : vector<16xf32>
        %broadcast_in_dim3A_795 = arith.constant 126 : i32
        %broadcast_in_dim3A_796 = vector.broadcast %broadcast_in_dim3A_795 : i32 to vector<16xi32>
        %gather3A_797 = tpu.vector_load_idx %arg8[%add3A_38, %broadcast_in_dim3A_796] : memref<400x128xf32, #tpu.memory_space<vmem>>[vector<16xi32>, vector<16xi32>], vector<16xf32>,
        %gather3A_798 = tpu.vector_load_idx %arg9[%add3A_38, %broadcast_in_dim3A_796] : memref<400x128xf32, #tpu.memory_space<vmem>>[vector<16xi32>, vector<16xi32>], vector<16xf32>,
        %mul3A_799 = arith.mulf %gather3A_797, %gather3A_798 : vector<16xf32>
        %add3A_800 = arith.addf %add3A_794, %mul3A_799 : vector<16xf32>
        %broadcast_in_dim3A_801 = arith.constant 127 : i32
        %broadcast_in_dim3A_802 = vector.broadcast %broadcast_in_dim3A_801 : i32 to vector<16xi32>
        %gather3A_803 = tpu.vector_load_idx %arg8[%add3A_38, %broadcast_in_dim3A_802] : memref<400x128xf32, #tpu.memory_space<vmem>>[vector<16xi32>, vector<16xi32>], vector<16xf32>,
        %gather3A_804 = tpu.vector_load_idx %arg9[%add3A_38, %broadcast_in_dim3A_802] : memref<400x128xf32, #tpu.memory_space<vmem>>[vector<16xi32>, vector<16xi32>], vector<16xf32>,
        %mul3A_805 = arith.mulf %gather3A_803, %gather3A_804 : vector<16xf32>
        %add3A_806 = arith.addf %add3A_800, %mul3A_805 : vector<16xf32>
        %mul3A_807 = arith.constant 16 : i32
        %mul3A_808 = arith.muli %add3A_34, %mul3A_807 : i32
        %swap3A = arith.index_cast %mul3A_808 : i32 to index
        %swap3A_809 = tpu.vector_load %arg10[%swap3A] {strides = array<i32>} : memref<400xf32, #tpu.memory_space<vmem>>, vector<16xf32>,
        tpu.vector_store %arg10[%swap3A], %add3A_806 {strides = array<i32>} : memref<400xf32, #tpu.memory_space<vmem>>, vector<16xf32>,
      }
      %scan3A_29 = arith.constant 25 : i32
      "tpu.region"() ({
        %run_scoped3A = tpu.sem_alloc : memref<!tpu.dma_semaphore, #tpu.memory_space<semaphore_mem>>
        %dma_start3A_30 = tpu.memref_slice %arg5[%add3A_14] : memref<320000xf32, #tpu.memory_space<hbm>> -> memref<400xf32, #tpu.memory_space<hbm>>
        %dma_start3A_31 = tpu.memref_slice %arg5[%add3A_14] : memref<320000xf32, #tpu.memory_space<hbm>> -> memref<400xf32, #tpu.memory_space<hbm>>
        tpu.enqueue_dma source(%arg10 : memref<400xf32, #tpu.memory_space<vmem>>) target(%dma_start3A_31 : memref<400xf32, #tpu.memory_space<hbm>>) target_semaphore(%run_scoped3A : memref<!tpu.dma_semaphore, #tpu.memory_space<semaphore_mem>>)
        %dma_wait3A_32 = tpu.memref_slice %arg5[%add3A_14] : memref<320000xf32, #tpu.memory_space<hbm>> -> memref<400xf32, #tpu.memory_space<hbm>>
        %dma_wait3A_33 = tpu.memref_slice %arg5[%add3A_14] : memref<320000xf32, #tpu.memory_space<hbm>> -> memref<400xf32, #tpu.memory_space<hbm>>
        tpu.wait_dma2 semaphore(%run_scoped3A : memref<!tpu.dma_semaphore, #tpu.memory_space<semaphore_mem>>) src(%arg10 : memref<400xf32, #tpu.memory_space<vmem>>) dst(%dma_wait3A_33 : memref<400xf32, #tpu.memory_space<hbm>>)
        tpu.yield
      }) : () -> ()
    }
    %scan3A_6 = arith.constant 25 : i32
    return
  }
}

</mosaic_0001>

<sc_bundles>
// kernel: kernel.3.cloned.1.call-start
scs
__scs_entry_jumppad:
0x0: {  	(pc) =	sbr.rel $0x88, $3  }
0x1: {  	(tag) =	ssettag $0x0;
	lr =	simm.s32 $0x1  }
0x2: {  	[smem:$0x3F9F] =	sst lr;
	_ =	strace $0xD0000000  }
0x3: {  	_ = 	snop  }
0x4: {  	_ = 	snop  }
0x5: {  	_ = 	snop  }
0x6: {  	_ = 	snop  }
0x7: {  	_ = 	snop  }
__scs_overlays_trampoline_lowered:
0x8: {  	[smem:$0x3FAE] =	sst s0  }
0x9: {  	[smem:$0x3FAF] =	sst s1  }
0xa: {  	[smem:$0x3FB0] =	sst s2  }
0xb: {  	[smem:$0x3FB1] =	sst s3  }
0xc: {  	[smem:$0x3FB2] =	sst s4  }
0xd: {  	[smem:$0x3FB3] =	sst s5  }
0xe: {  	[smem:$0x3FB4] =	sst s6  }
0xf: {  	[smem:$0x3FB5] =	sst s7  }
0x10: {  	[smem:$0x3FB6] =	sst s8  }
0x11: {  	[smem:$0x3FB7] =	sst s9;
	s0 =	simm.s32 @!p0 $0x0  }
0x12: {  	s1 =	sld [smem:$0x3F9D];
	s0 =	simm.s32 @p0 $0x1  }
0x13: {  	[smem:$0x3FB8] =	sst s0;
	s0 =	simm.s32 @!p1 $0x0  }
0x14: {  	s2 =	sld [smem:$0x3F9C];
	s0 =	simm.s32 @p1 $0x1  }
0x15: {  	[smem:$0x3FB9] =	sst s0;
	s0 =	simm.s32 @!p2 $0x0  }
0x16: {  	s3 =	sld [smem:$0x3FDB];
	s0 =	simm.s32 @p2 $0x1  }
0x17: {  	s4 =	simm.s32 $0x1BF5;
	[smem:$0x3FBB] =	sst s0  }
0x18: {  	s0 =	sld [smem:$0x3F9E];
	_ =	swait.ge [sflag:s4], $0x0  }
0x19: {  	s7 =	sld [smem:$0x3F9F]  }
0x1a: {  	s8 =	sadd.s32 $0xFFFFE003, lr  }
0x1b: {  	s9 =	sadd.s32 $0xFFFFFEF7, lr;
	s5 =	simm.s32 $0xFFFFFFFF;
	p2 =	slt.u32 s8, $0xFFFFF086  }
0x1c: {  	p1 =	slt.u32 s9, $0xF7A;
	s5 =	simm.s32 @!p2 $0x0  }
0x1d: {  	s5 =	simm.s32 @p1 $0x1;
	p0 =	seq.s32 s7, s2  }
0x1e: {  	s7 =	smul.u32 @!p0 $0xF7A, s2;
	p2 =	seq.s32 @!p0 s5, $0x0  }
0x1f: {  	s9 =	smul.u32 $0xF7A, s1;
	s8 =	simm.s32 @!p0 $0x1BF5;
	p2 =	por !p2, p0  }
0x20: {  	[sflag:s8] =	ssyncset.s32 @!p0 $0xFFFFF086;
	s6 =	sadd.s32 @!p0 s3, s7;
	s7 =	simm.s32 @!p0 $0x108  }
0x21: {  	s3 =	sadd.s32 s3, s9;
	s6 =	sadd.s32 @!p0 $0x88, s6;
	s7 =	simm.s32 @p2 $0x1082  }
0x22: {  	[simem:s7], [sflag:s8] =	dma.local @!p0 [hbm:s6], $0xF7A  }
0x23: {  	s9 =	sor.u32 $0xD0000000, s2;
	s6 =	simm.s32 $0x108;
	_ =	swait.ge @!p0 [sflag:s8], $0x0  }
0x24: {  	s3 =	sadd.s32 $0x88, s3;
	s6 =	simm.s32 @!p1 $0x1082;
	[sflag:s4] =	ssyncset.s32 $0xFFFFF086  }
0x25: {  	[simem:s6], [sflag:s4] =	dma.local [hbm:s3], $0xF7A  }
0x26: {  	[smem:$0x3F9F] =	sst s1;
	(tag) =	ssettag s2;
	_ =	strace s9  }
0x27: {  	s1 =	sld [smem:$0x3FAF]  }
0x28: {  	s2 =	sld [smem:$0x3FB0]  }
0x29: {  	s4 =	sld [smem:$0x3FB2]  }
0x2a: {  	p0 =	seq.s32 s5, $0x0;
	s5 =	sld [smem:$0x3FB3]  }
0x2b: {  	s6 =	sld [smem:$0x3FB4]  }
0x2c: {  	s7 =	sld [smem:$0x3FB5]  }
0x2d: {  	s3 =	simm.s32 $0x108;
	s8 =	sld [smem:$0x3FB6]  }
0x2e: {  	s3 =	simm.s32 @!p0 $0x1082;
	s9 =	sld [smem:$0x3FB7]  }
0x2f: {  	lr =	sadd.s32 s0, s3;
	s0 =	sld [smem:$0x3FAE]  }
0x30: {  	s3 =	sld [smem:$0x3FB1]  }
0x31: {  	[smem:$0x3FBA] =	sst s10  }
0x32: {  	s10 =	sld [smem:$0x3FB8];
	_ =	sdelay $0x3  }
0x33: {  	p0 =	seq.s32 s10, $0x1;
	s10 =	sld [smem:$0x3FBA];
	_ =	sdelay $0x3  }
0x34: {  	[smem:$0x3FBA] =	sst s10  }
0x35: {  	s10 =	sld [smem:$0x3FB9];
	_ =	sdelay $0x3  }
0x36: {  	p1 =	seq.s32 s10, $0x1;
	s10 =	sld [smem:$0x3FBA];
	_ =	sdelay $0x3  }
0x37: {  	[smem:$0x3FBA] =	sst s10  }
0x38: {  	s10 =	sld [smem:$0x3FBB]  }
0x39: {  	_ = 	snop;
	(pc) =	sbr.ind lr, $3  }
0x3a: {  	_ = 	snop  }
0x3b: {  	_ = 	snop  }
0x3c: {  	p2 =	seq.s32 s10, $0x1;
	s10 =	sld [smem:$0x3FBA]  }
0x3d: {  	_ =	shalt  }
0x3e: {  	_ =	shalt  }
0x3f: {  	_ =	shalt  }
0x40: {  	_ =	shalt  }
0x41: {  	_ =	shalt  }
0x42: {  	_ =	shalt  }
0x43: {  	_ =	shalt  }
0x44: {  	_ =	shalt  }
0x45: {  	_ =	shalt  }
0x46: {  	_ =	shalt  }
0x47: {  	_ =	shalt  }
0x48: {  	_ =	shalt  }
0x49: {  	_ =	shalt  }
0x4a: {  	_ =	shalt  }
0x4b: {  	_ =	shalt  }
0x4c: {  	_ =	shalt  }
0x4d: {  	_ =	shalt  }
0x4e: {  	_ =	shalt  }
0x4f: {  	_ =	shalt  }
0x50: {  	_ =	shalt  }
0x51: {  	_ =	shalt  }
0x52: {  	_ =	shalt  }
0x53: {  	_ =	shalt  }
0x54: {  	_ =	shalt  }
0x55: {  	_ =	shalt  }
0x56: {  	_ =	shalt  }
0x57: {  	_ =	shalt  }
0x58: {  	_ =	shalt  }
0x59: {  	_ =	shalt  }
0x5a: {  	_ =	shalt  }
0x5b: {  	_ =	shalt  }
0x5c: {  	_ =	shalt  }
0x5d: {  	_ =	shalt  }
0x5e: {  	_ =	shalt  }
0x5f: {  	_ =	shalt  }
0x60: {  	_ =	shalt  }
0x61: {  	_ =	shalt  }
0x62: {  	_ =	shalt  }
0x63: {  	_ =	shalt  }
0x64: {  	_ =	shalt  }
0x65: {  	_ =	shalt  }
0x66: {  	_ =	shalt  }
0x67: {  	_ =	shalt  }
0x68: {  	_ =	shalt  }
0x69: {  	_ =	shalt  }
0x6a: {  	_ =	shalt  }
0x6b: {  	_ =	shalt  }
0x6c: {  	_ =	shalt  }
0x6d: {  	_ =	shalt  }
0x6e: {  	_ =	shalt  }
0x6f: {  	_ =	shalt  }
0x70: {  	_ =	shalt  }
0x71: {  	_ =	shalt  }
0x72: {  	_ =	shalt  }
0x73: {  	_ =	shalt  }
0x74: {  	_ =	shalt  }
0x75: {  	_ =	shalt  }
0x76: {  	_ =	shalt  }
0x77: {  	_ =	shalt  }
0x78: {  	_ =	shalt  }
0x79: {  	_ =	shalt  }
0x7a: {  	_ =	shalt  }
0x7b: {  	_ =	shalt  }
0x7c: {  	_ =	shalt  }
0x7d: {  	_ =	shalt  }
0x7e: {  	_ =	shalt  }
0x7f: {  	_ =	shalt  }
0x80: {  	_ =	shalt  }
0x81: {  	_ =	shalt  }
0x82: {  	_ =	shalt  }
0x83: {  	_ =	shalt  }
0x84: {  	_ =	shalt  }
0x85: {  	_ =	shalt  }
0x86: {  	_ =	shalt  }
0x87: {  	_ =	shalt  }
.Lfunc_end0:
.L_simem_size_0:
called_computation_lowered:
.L_overlay_start_0:
0x88: {  	s2 =	sld [smem:$0x3FD9]  }
0x89: {  	s3 =	sld [smem:$0x3FFE];
	_ =	sdelay $0x1  }
0x8a: {  	s1 =	srdreg.scid  }
0x8b: {  	s0 =	sand.u32 $0x1, s1  }
0x8c: {  	s17 =	sshll.u32 s0, $0xA;
	s2 =	sadd.s32 s3, s2  }
0x8d: {  	s2 =	sadd.s32 s2, s17  }
0x8e: {  	[smem:$0x3FC6] =	sst s2  }
0x8f: {  	_ = 	snop  }
0x90: {  	s2 =	sld [smem:$0x3FC9]  }
0x91: {  	s18 =	sld [smem:$0x3FD0];
	(tm) =	ssettm $0x1  }
0x92: {  	s4 =	sld [smem:$0x3FFB];
	_ =	sdelay $0x3  }
0x93: {  	_ =	strace s4  }
0x94: {  	s4 =	sld [smem:$0x3FFC];
	_ =	sdelay $0x3  }
0x95: {  	_ =	strace s4  }
0x96: {  	s4 =	sld [smem:$0x3FFD];
	_ =	sdelay $0x3  }
0x97: {  	_ =	strace s4  }
0x98: {  	_ =	strace $0x8FFFFFFF  }
0x99: {  	s19 =	sld [smem:$0x3FDB];
	_ =	sdelay $0x1  }
0x9a: {  	s5 =	simm.s32 $_scs_section_size  }
0x9b: {  	s6 =	simm.s32 $_size__tile_overlayer_lowered;
	s7 =	simm.s32 $_tile_overlayer_lowered  }
0x9c: {  	s22 =	simm.s32 $0x1BFF;
	s21 =	sshll.u32 s7, $0x1;
	s4 =	sadd.s32 s5, s19  }
0x9d: {  	s8 =	simm.s32 $0x0;
	s20 =	sshll.u32 s6, $0x1;
	s6 =	sadd.s32 s21, s4  }
0x9e: {  	[timem:s8], [sflag:s22] =	dma.local [hbm:s6], s20  }
0x9f: {  	_ =	swait.ge [sflag:s22], s20  }
0xa0: {  	s5 =	ssub.s32 $0x0, s20;
	[sflag:s22] =	ssyncset.done $0x0  }
0xa1: {  	[sflag:s22] =	ssyncadd.s32 s5;
	_ =	sdelay $0x1  }
0xa2: {  	s23 =	simm.s32 $0x1B8B  }
0xa3: {  	_ =	swait.ge [sflag:s23], $0x1  }
0xa4: {  	[sflag:s23] =	ssyncset.done $0x0  }
0xa5: {  	s25 =	simm.s32 $0x1B8E;
	s24 =	sld [smem:$0x3FFE];
	[sflag:s23] =	ssyncadd.s32 $0xFFFFFFFF  }
0xa6: {  	s26 =	simm.s32 $execute0_lowered;
	[smem:$0x3FD2] =	sst s25  }
0xa7: {  	s6 =	sshll.u32 s26, $0x1;
	_ =	strace $0x80000046;
	[dreg:$0x1] =	wrdreg $0xFFFFFFFF  }
0xa8: {  	s28 =	simm.s32 $_size_execute0_lowered;
	s4 =	sadd.s32 s4, s6;
	[dreg:$0x0] =	wrdreg $0x0  }
0xa9: {  	s6 =	sshll.u32 s28, $0x1;
	[dreg:$0x2] =	wrdreg s4  }
0xaa: {  	[dreg:$0x3] =	wrdreg s6  }
0xab: {  	[dreg:$0x4] =	wrdreg $0xC0  }
0xac: {  	_ =	task [dreg:s8], $0x5FFFF  }
0xad: {  	[dreg:$0x1] =	wrdreg $0xFFFFFFFF  }
0xae: {  	[dreg:$0x0] =	wrdreg $0x60  }
0xaf: {  	[dreg:$0x2] =	wrdreg s2  }
0xb0: {  	[dreg:$0x3] =	wrdreg s24  }
0xb1: {  	[dreg:$0x4] =	wrdreg s18  }
0xb2: {  	[dreg:$0x5] =	wrdreg $0x9  }
0xb3: {  	_ =	task.clear_ibuf [dreg:s8], $0x6FFFF;
	_ =	strace $0x90000046  }
0xb4: {  	s29 =	simm.s32 $0x9;
	_ =	strace $0x80000048  }
0xb5: {  	_ =	swait.ge [sflag:s29], $0x1  }
0xb6: {  	[sflag:s29] =	ssyncadd.s32 $0xFFFFFFFF  }
0xb7: {  	_ =	strace $0x90000048  }
0xb8: {  	_ =	sfence  }
0xb9: {  	s30 =	sld [smem:$0x0];
	_ =	sdelay $0x2  }
0xba: {  	s31 =	sshll.u32 s1, $0xD;
	s1 =	sshrl.u32 s1, $0x2  }
0xbb: {  	s3 =	sand.u32 $0x4000, s31;
	s1 =	sadd.s32 s1, s30  }
0xbc: {  	s0 =	sor.u32 s3, s0;
	s1 =	sshll.u32 s1, $0x11  }
0xbd: {  	s0 =	sor.u32 s1, s0  }
0xbe: {  	s0 =	sadd.s32 $0x8F2B, s0  }
0xbf: {  	[sflag:s0] =	ssyncadd.remote.s32 $0x1  }
0xc0: {  	_ =	sfence.sel $0xFFFF  }
0xc1: {  	[dreg:$0x0] =	wrdreg $0xFFFFFFFF;
	(pc) =	sbr.abs _section_cstart, $3  }
0xc2: {  	[dreg:$0x1] =	wrdreg $0xFFFFFFFF  }
0xc3: {  	_ =	task.clear_ibuf [dreg:s8], $0x2FFFF;
	_ =	strace $0x9FFFFFFF  }
0xc4: {  	(tm) =	ssettm $0x7FFFFFFF  }
0xc5: {  	_ =	shalt  }
tec
execute0_lowered:
.L_overlay_start_1:
0x0: {  	(tag) =	ssettag $0x1  }
0x1: {  	s1 =	rddreg [dreg:$0x0]  }
0x2: {  	s2 =	rddreg [dreg:$0x1]  }
0x3: {  	s3 =	rddreg [dreg:$0x2]  }
0x4: {  	s4 =	srdreg.scid;
	s0 =	rddreg [dreg:$0x3];
	s5 =	simm.s32 $0x0  }
0x5: {  	s10 =	simm.s32 $0x200;
	s11 =	simm.s32 $0x190;
	s12 =	simm.s32 $0x400  }
0x6: {  	s13 =	simm.s32 $0xCC00;
	s14 =	simm.s32 $0x1;
	s15 =	simm.s32 $0x2  }
0x7: {  	s16 =	simm.s32 $0x19400;
	s17 =	simm.s32 $0x0;
	s6 =	sand.u32 $0x1, s4  }
0x8: {  	s4 =	stileid.u32;
	[smem:$0x7FF] =	sst s5;
	s7 =	ssub.s32 $0x2, s6  }
0x9: {  	v0 =	vlaneseq.u32;
	s9 =	sshll.u32 s4, $0x1;
	_ =	strace $0x80000047;
	s8 =	sshrl.u32 s7, $0x1  }
0xa: {  	v0 =	vmul.u32 $0x80, v0;
	s31 =	sor.u32 s6, s9;
	s6 =	sadd.s32 $0x9E00, s2;
	s8 =	ssub.s32 s7, s8  }
0xb: {  	s9 =	simm.s32 $0x3;
	s7 =	smul.u32 $0x2710, s31;
	s8 =	smax.u32 s8, $0x1  }
.LBB2_1:
0xc: {  	s18 =	simm.s32 $0x0  }
.LBB2_2:
0xd: {  	s19 =	smul.u32 $0x190, s18;
	_ =	sdelay $0x1  }
0xe: {  	s19 =	sadd.s32 s7, s19  }
0xf: {  	s19 =	sshrl.u32 s19, $0x3  }
0x10: {  	s21 =	simm.s32 $0x0;
	s20 =	sadd.s32 s6, s19  }
0x11: {  	[tilespmem:s21], [sflag:$0x3] =	stream.linear.gather [hbm4b:s20+s21], $0x190, $0x38;
	[tilespmem:$0x19600] =	vst v63  }
0x12: {  	_ =	swait.ge [sflag:s9], $0x190  }
0x13: {  	[sflag:s9] =	ssyncset.done $0x0  }
0x14: {  	s29 =	sadd.s32 s2, s19;
	[sflag:s9] =	ssyncadd.s32 $0xFFFFFE70  }
0x15: {  	[tilespmem:s10], [sflag:$0x3] =	stream.linear.gather [hbm4b:s29+s21], $0x190, $0x38;
	[tilespmem:$0x19600] =	vst v63  }
0x16: {  	_ =	swait.ge [sflag:s9], $0x190  }
0x17: {  	[sflag:s9] =	ssyncset.done $0x0  }
0x18: {  	[sflag:s9] =	ssyncadd.s32 $0xFFFFFE70  }
0x19: {  	[tilespmem:s12], [sflag:$0x1] =	stream.indirect.gather [hbm4b:s1+s11], $0x80, s21, s11, $0xb8;
	[tilespmem:$0x19600] =	vst v63  }
0x1a: {  	_ = 	snop  }
0x1b: {  	v1 =	vmov s21;
	[tilespmem:s13], [sflag:$0x2] =	stream.indirect.gather [hbm4b:s1+s11], $0x80, s10, s11, $0xb8;
	[tilespmem:$0x19600] =	vst v63  }
0x1c: {  	v1 =	vshll.u32 v1, $0x7;
	_ =	swait.ge [sflag:s14], $0xC800  }
0x1d: {  	v1 =	vor.u32 v0, v1;
	[sflag:s14] =	ssyncset.done $0x0  }
0x1e: {  	[sflag:s14] =	ssyncadd.s32 $0xFFFF3800  }
0x1f: {  	v2 =	vor.u32 $0x1, v1;
	_ =	swait.ge [sflag:s15], $0xC800  }
0x20: {  	[sflag:s15] =	ssyncset.done $0x0  }
0x21: {  	v3 =	vor.u32 $0x2, v1;
	[sflag:s15] =	ssyncadd.s32 $0xFFFF3800  }
0x22: {  	v4 =	vld.idx.msk [tilespmem:v1+s13+$0x0], $0xffff  }
0x23: {  	v6 =	vor.u32 $0x3, v1;
	v5 =	vld.idx.msk [tilespmem:v1+s12+$0x0], $0xffff  }
0x24: {  	v7 =	vld.idx.msk [tilespmem:v2+s12+$0x0], $0xffff  }
0x25: {  	v8 =	vor.u32 $0x4, v1;
	v2 =	vld.idx.msk [tilespmem:v2+s13+$0x0], $0xffff  }
0x26: {  	v9 =	vld.idx.msk [tilespmem:v3+s12+$0x0], $0xffff  }
0x27: {  	v10 =	vor.u32 $0x5, v1;
	v3 =	vld.idx.msk [tilespmem:v3+s13+$0x0], $0xffff  }
0x28: {  	v11 =	vld.idx.msk [tilespmem:v6+s12+$0x0], $0xffff;
	v4 =	vmul.f32 v4, v5  }
0x29: {  	v5 =	vld.idx.msk [tilespmem:v6+s13+$0x0], $0xffff;
	v6 =	vor.u32 $0x6, v1  }
0x2a: {  	v12 =	vld.idx.msk [tilespmem:v8+s12+$0x0], $0xffff;
	v2 =	vmul.f32 v2, v7;
	v4 =	vadd.f32 $0.0e+00, v4  }
0x2b: {  	v40 =	vor.u32 $0x7, v1;
	v7 =	vld.idx.msk [tilespmem:v8+s13+$0x0], $0xffff  }
0x2c: {  	v13 =	vld.idx.msk [tilespmem:v10+s12+$0x0], $0xffff;
	v3 =	vmul.f32 v3, v9;
	v2 =	vadd.f32 v2, v4  }
0x2d: {  	v41 =	vor.u32 $0x8, v1;
	v4 =	vld.idx.msk [tilespmem:v10+s13+$0x0], $0xffff  }
0x2e: {  	v42 =	vld.idx.msk [tilespmem:v6+s12+$0x0], $0xffff;
	v2 =	vadd.f32 v3, v2;
	v3 =	vmul.f32 v5, v11  }
0x2f: {  	v5 =	vld.idx.msk [tilespmem:v6+s13+$0x0], $0xffff;
	v6 =	vor.u32 $0x9, v1  }
0x30: {  	v43 =	vld.idx.msk [tilespmem:v40+s12+$0x0], $0xffff;
	v2 =	vadd.f32 v3, v2;
	v3 =	vmul.f32 v7, v12  }
0x31: {  	v44 =	vor.u32 $0xA, v1;
	v7 =	vld.idx.msk [tilespmem:v40+s13+$0x0], $0xffff  }
0x32: {  	v45 =	vld.idx.msk [tilespmem:v41+s12+$0x0], $0xffff;
	v2 =	vadd.f32 v3, v2;
	v3 =	vmul.f32 v4, v13  }
0x33: {  	v46 =	vor.u32 $0xB, v1;
	v4 =	vld.idx.msk [tilespmem:v41+s13+$0x0], $0xffff  }
0x34: {  	v47 =	vld.idx.msk [tilespmem:v6+s12+$0x0], $0xffff;
	v2 =	vadd.f32 v3, v2;
	v3 =	vmul.f32 v5, v42  }
0x35: {  	v5 =	vld.idx.msk [tilespmem:v6+s13+$0x0], $0xffff;
	v6 =	vor.u32 $0xC, v1  }
0x36: {  	v48 =	vld.idx.msk [tilespmem:v44+s12+$0x0], $0xffff;
	v2 =	vadd.f32 v3, v2;
	v3 =	vmul.f32 v7, v43  }
0x37: {  	v49 =	vor.u32 $0xD, v1;
	v7 =	vld.idx.msk [tilespmem:v44+s13+$0x0], $0xffff  }
0x38: {  	v50 =	vld.idx.msk [tilespmem:v46+s12+$0x0], $0xffff;
	v2 =	vadd.f32 v3, v2;
	v3 =	vmul.f32 v4, v45  }
0x39: {  	v51 =	vor.u32 $0xE, v1;
	v4 =	vld.idx.msk [tilespmem:v46+s13+$0x0], $0xffff  }
0x3a: {  	v52 =	vld.idx.msk [tilespmem:v6+s12+$0x0], $0xffff;
	v2 =	vadd.f32 v3, v2;
	v3 =	vmul.f32 v5, v47  }
0x3b: {  	v5 =	vld.idx.msk [tilespmem:v6+s13+$0x0], $0xffff;
	v6 =	vor.u32 $0xF, v1  }
0x3c: {  	v53 =	vld.idx.msk [tilespmem:v49+s12+$0x0], $0xffff;
	v2 =	vadd.f32 v3, v2;
	v3 =	vmul.f32 v7, v48  }
0x3d: {  	v54 =	vor.u32 $0x10, v1;
	v7 =	vld.idx.msk [tilespmem:v49+s13+$0x0], $0xffff  }
0x3e: {  	v55 =	vld.idx.msk [tilespmem:v51+s12+$0x0], $0xffff;
	v2 =	vadd.f32 v3, v2;
	v3 =	vmul.f32 v4, v50  }
0x3f: {  	v56 =	vor.u32 $0x11, v1;
	v4 =	vld.idx.msk [tilespmem:v51+s13+$0x0], $0xffff  }
0x40: {  	v57 =	vld.idx.msk [tilespmem:v6+s12+$0x0], $0xffff;
	v2 =	vadd.f32 v3, v2;
	v3 =	vmul.f32 v5, v52  }
0x41: {  	v5 =	vld.idx.msk [tilespmem:v6+s13+$0x0], $0xffff;
	v6 =	vor.u32 $0x12, v1  }
0x42: {  	v58 =	vld.idx.msk [tilespmem:v54+s12+$0x0], $0xffff;
	v2 =	vadd.f32 v3, v2;
	v3 =	vmul.f32 v7, v53  }
0x43: {  	v59 =	vor.u32 $0x13, v1;
	v7 =	vld.idx.msk [tilespmem:v54+s13+$0x0], $0xffff  }
0x44: {  	v60 =	vld.idx.msk [tilespmem:v56+s12+$0x0], $0xffff;
	v2 =	vadd.f32 v3, v2;
	v3 =	vmul.f32 v4, v55  }
0x45: {  	v61 =	vor.u32 $0x14, v1;
	v4 =	vld.idx.msk [tilespmem:v56+s13+$0x0], $0xffff  }
0x46: {  	v62 =	vld.idx.msk [tilespmem:v6+s12+$0x0], $0xffff;
	v2 =	vadd.f32 v3, v2;
	v3 =	vmul.f32 v5, v57  }
0x47: {  	v5 =	vld.idx.msk [tilespmem:v6+s13+$0x0], $0xffff;
	v6 =	vor.u32 $0x15, v1  }
0x48: {  	v63 =	vld.idx.msk [tilespmem:v59+s12+$0x0], $0xffff;
	v2 =	vadd.f32 v3, v2;
	v3 =	vmul.f32 v7, v58  }
0x49: {  	v16 =	vor.u32 $0x16, v1;
	v7 =	vld.idx.msk [tilespmem:v59+s13+$0x0], $0xffff  }
0x4a: {  	v17 =	vld.idx.msk [tilespmem:v61+s12+$0x0], $0xffff;
	v2 =	vadd.f32 v3, v2;
	v3 =	vmul.f32 v4, v60  }
0x4b: {  	v18 =	vor.u32 $0x17, v1;
	v4 =	vld.idx.msk [tilespmem:v61+s13+$0x0], $0xffff  }
0x4c: {  	v19 =	vld.idx.msk [tilespmem:v6+s12+$0x0], $0xffff;
	v2 =	vadd.f32 v3, v2;
	v3 =	vmul.f32 v5, v62  }
0x4d: {  	v5 =	vld.idx.msk [tilespmem:v6+s13+$0x0], $0xffff;
	v6 =	vor.u32 $0x18, v1  }
0x4e: {  	v20 =	vld.idx.msk [tilespmem:v16+s12+$0x0], $0xffff;
	v2 =	vadd.f32 v3, v2;
	v3 =	vmul.f32 v7, v63  }
0x4f: {  	v21 =	vor.u32 $0x19, v1;
	v7 =	vld.idx.msk [tilespmem:v16+s13+$0x0], $0xffff  }
0x50: {  	v22 =	vld.idx.msk [tilespmem:v18+s12+$0x0], $0xffff;
	v2 =	vadd.f32 v3, v2;
	v3 =	vmul.f32 v4, v17  }
0x51: {  	v23 =	vor.u32 $0x1A, v1;
	v4 =	vld.idx.msk [tilespmem:v18+s13+$0x0], $0xffff  }
0x52: {  	v24 =	vld.idx.msk [tilespmem:v6+s12+$0x0], $0xffff;
	v2 =	vadd.f32 v3, v2;
	v3 =	vmul.f32 v5, v19  }
0x53: {  	v5 =	vld.idx.msk [tilespmem:v6+s13+$0x0], $0xffff;
	v6 =	vor.u32 $0x1B, v1  }
0x54: {  	v25 =	vld.idx.msk [tilespmem:v21+s12+$0x0], $0xffff;
	v2 =	vadd.f32 v3, v2;
	v3 =	vmul.f32 v7, v20  }
0x55: {  	v26 =	vor.u32 $0x1C, v1;
	v7 =	vld.idx.msk [tilespmem:v21+s13+$0x0], $0xffff  }
0x56: {  	v27 =	vld.idx.msk [tilespmem:v23+s12+$0x0], $0xffff;
	v2 =	vadd.f32 v3, v2;
	v3 =	vmul.f32 v4, v22  }
0x57: {  	v28 =	vor.u32 $0x1D, v1;
	v4 =	vld.idx.msk [tilespmem:v23+s13+$0x0], $0xffff  }
0x58: {  	v29 =	vld.idx.msk [tilespmem:v6+s12+$0x0], $0xffff;
	v2 =	vadd.f32 v3, v2;
	v3 =	vmul.f32 v5, v24  }
0x59: {  	v5 =	vld.idx.msk [tilespmem:v6+s13+$0x0], $0xffff;
	v6 =	vor.u32 $0x1E, v1  }
0x5a: {  	v30 =	vld.idx.msk [tilespmem:v26+s12+$0x0], $0xffff;
	v2 =	vadd.f32 v3, v2;
	v3 =	vmul.f32 v7, v25  }
0x5b: {  	v31 =	vor.u32 $0x1F, v1;
	v7 =	vld.idx.msk [tilespmem:v26+s13+$0x0], $0xffff  }
0x5c: {  	v32 =	vld.idx.msk [tilespmem:v28+s12+$0x0], $0xffff;
	v2 =	vadd.f32 v3, v2;
	v3 =	vmul.f32 v4, v27  }
0x5d: {  	v33 =	vor.u32 $0x20, v1;
	v4 =	vld.idx.msk [tilespmem:v28+s13+$0x0], $0xffff  }
0x5e: {  	v34 =	vld.idx.msk [tilespmem:v6+s12+$0x0], $0xffff;
	v2 =	vadd.f32 v3, v2;
	v3 =	vmul.f32 v5, v29  }
0x5f: {  	v5 =	vld.idx.msk [tilespmem:v6+s13+$0x0], $0xffff;
	v6 =	vor.u32 $0x21, v1  }
0x60: {  	v35 =	vld.idx.msk [tilespmem:v31+s12+$0x0], $0xffff;
	v2 =	vadd.f32 v3, v2;
	v3 =	vmul.f32 v7, v30  }
0x61: {  	v36 =	vor.u32 $0x22, v1;
	v7 =	vld.idx.msk [tilespmem:v31+s13+$0x0], $0xffff  }
0x62: {  	v37 =	vld.idx.msk [tilespmem:v33+s12+$0x0], $0xffff;
	v2 =	vadd.f32 v3, v2;
	v3 =	vmul.f32 v4, v32  }
0x63: {  	v38 =	vor.u32 $0x23, v1;
	v4 =	vld.idx.msk [tilespmem:v33+s13+$0x0], $0xffff  }
0x64: {  	v39 =	vld.idx.msk [tilespmem:v6+s12+$0x0], $0xffff;
	v2 =	vadd.f32 v3, v2;
	v3 =	vmul.f32 v5, v34  }
0x65: {  	v5 =	vld.idx.msk [tilespmem:v6+s13+$0x0], $0xffff;
	v6 =	vor.u32 $0x24, v1  }
0x66: {  	v40 =	vld.idx.msk [tilespmem:v36+s12+$0x0], $0xffff;
	v2 =	vadd.f32 v3, v2;
	v3 =	vmul.f32 v7, v35  }
0x67: {  	v41 =	vor.u32 $0x25, v1;
	v7 =	vld.idx.msk [tilespmem:v36+s13+$0x0], $0xffff  }
0x68: {  	v42 =	vld.idx.msk [tilespmem:v38+s12+$0x0], $0xffff;
	v2 =	vadd.f32 v3, v2;
	v3 =	vmul.f32 v4, v37  }
0x69: {  	v43 =	vor.u32 $0x26, v1;
	v4 =	vld.idx.msk [tilespmem:v38+s13+$0x0], $0xffff  }
0x6a: {  	v44 =	vld.idx.msk [tilespmem:v6+s12+$0x0], $0xffff;
	v2 =	vadd.f32 v3, v2;
	v3 =	vmul.f32 v5, v39  }
0x6b: {  	v5 =	vld.idx.msk [tilespmem:v6+s13+$0x0], $0xffff;
	v6 =	vor.u32 $0x27, v1  }
0x6c: {  	v45 =	vld.idx.msk [tilespmem:v41+s12+$0x0], $0xffff;
	v2 =	vadd.f32 v3, v2;
	v3 =	vmul.f32 v7, v40  }
0x6d: {  	v46 =	vor.u32 $0x28, v1;
	v7 =	vld.idx.msk [tilespmem:v41+s13+$0x0], $0xffff  }
0x6e: {  	v47 =	vld.idx.msk [tilespmem:v43+s12+$0x0], $0xffff;
	v2 =	vadd.f32 v3, v2;
	v3 =	vmul.f32 v4, v42  }
0x6f: {  	v48 =	vor.u32 $0x29, v1;
	v4 =	vld.idx.msk [tilespmem:v43+s13+$0x0], $0xffff  }
0x70: {  	v49 =	vld.idx.msk [tilespmem:v6+s12+$0x0], $0xffff;
	v2 =	vadd.f32 v3, v2;
	v3 =	vmul.f32 v5, v44  }
0x71: {  	v5 =	vld.idx.msk [tilespmem:v6+s13+$0x0], $0xffff;
	v6 =	vor.u32 $0x2A, v1  }
0x72: {  	v50 =	vld.idx.msk [tilespmem:v46+s12+$0x0], $0xffff;
	v2 =	vadd.f32 v3, v2;
	v3 =	vmul.f32 v7, v45  }
0x73: {  	v51 =	vor.u32 $0x2B, v1;
	v7 =	vld.idx.msk [tilespmem:v46+s13+$0x0], $0xffff  }
0x74: {  	v52 =	vld.idx.msk [tilespmem:v48+s12+$0x0], $0xffff;
	v2 =	vadd.f32 v3, v2;
	v3 =	vmul.f32 v4, v47  }
0x75: {  	v53 =	vor.u32 $0x2C, v1;
	v4 =	vld.idx.msk [tilespmem:v48+s13+$0x0], $0xffff  }
0x76: {  	v54 =	vld.idx.msk [tilespmem:v6+s12+$0x0], $0xffff;
	v2 =	vadd.f32 v3, v2;
	v3 =	vmul.f32 v5, v49  }
0x77: {  	v5 =	vld.idx.msk [tilespmem:v6+s13+$0x0], $0xffff;
	v6 =	vor.u32 $0x2D, v1  }
0x78: {  	v55 =	vld.idx.msk [tilespmem:v51+s12+$0x0], $0xffff;
	v2 =	vadd.f32 v3, v2;
	v3 =	vmul.f32 v7, v50  }
0x79: {  	v56 =	vor.u32 $0x2E, v1;
	v7 =	vld.idx.msk [tilespmem:v51+s13+$0x0], $0xffff  }
0x7a: {  	v57 =	vld.idx.msk [tilespmem:v53+s12+$0x0], $0xffff;
	v2 =	vadd.f32 v3, v2;
	v3 =	vmul.f32 v4, v52  }
0x7b: {  	v58 =	vor.u32 $0x2F, v1;
	v4 =	vld.idx.msk [tilespmem:v53+s13+$0x0], $0xffff  }
0x7c: {  	v59 =	vld.idx.msk [tilespmem:v6+s12+$0x0], $0xffff;
	v2 =	vadd.f32 v3, v2;
	v3 =	vmul.f32 v5, v54  }
0x7d: {  	v5 =	vld.idx.msk [tilespmem:v6+s13+$0x0], $0xffff;
	v6 =	vor.u32 $0x30, v1  }
0x7e: {  	v60 =	vld.idx.msk [tilespmem:v56+s12+$0x0], $0xffff;
	v2 =	vadd.f32 v3, v2;
	v3 =	vmul.f32 v7, v55  }
0x7f: {  	v61 =	vor.u32 $0x31, v1;
	v7 =	vld.idx.msk [tilespmem:v56+s13+$0x0], $0xffff  }
0x80: {  	v62 =	vld.idx.msk [tilespmem:v58+s12+$0x0], $0xffff;
	v2 =	vadd.f32 v3, v2;
	v3 =	vmul.f32 v4, v57  }
0x81: {  	v63 =	vor.u32 $0x32, v1;
	v4 =	vld.idx.msk [tilespmem:v58+s13+$0x0], $0xffff  }
0x82: {  	v16 =	vld.idx.msk [tilespmem:v6+s12+$0x0], $0xffff;
	v2 =	vadd.f32 v3, v2;
	v3 =	vmul.f32 v5, v59  }
0x83: {  	v5 =	vld.idx.msk [tilespmem:v6+s13+$0x0], $0xffff;
	v6 =	vor.u32 $0x33, v1  }
0x84: {  	v17 =	vld.idx.msk [tilespmem:v61+s12+$0x0], $0xffff;
	v2 =	vadd.f32 v3, v2;
	v3 =	vmul.f32 v7, v60  }
0x85: {  	v18 =	vor.u32 $0x34, v1;
	v7 =	vld.idx.msk [tilespmem:v61+s13+$0x0], $0xffff  }
0x86: {  	v19 =	vld.idx.msk [tilespmem:v63+s12+$0x0], $0xffff;
	v2 =	vadd.f32 v3, v2;
	v3 =	vmul.f32 v4, v62  }
0x87: {  	v20 =	vor.u32 $0x35, v1;
	v4 =	vld.idx.msk [tilespmem:v63+s13+$0x0], $0xffff  }
0x88: {  	v21 =	vld.idx.msk [tilespmem:v6+s12+$0x0], $0xffff;
	v2 =	vadd.f32 v3, v2;
	v3 =	vmul.f32 v5, v16  }
0x89: {  	v5 =	vld.idx.msk [tilespmem:v6+s13+$0x0], $0xffff;
	v6 =	vor.u32 $0x36, v1  }
0x8a: {  	v22 =	vld.idx.msk [tilespmem:v18+s12+$0x0], $0xffff;
	v2 =	vadd.f32 v3, v2;
	v3 =	vmul.f32 v7, v17  }
0x8b: {  	v23 =	vor.u32 $0x37, v1;
	v7 =	vld.idx.msk [tilespmem:v18+s13+$0x0], $0xffff  }
0x8c: {  	v24 =	vld.idx.msk [tilespmem:v20+s12+$0x0], $0xffff;
	v2 =	vadd.f32 v3, v2;
	v3 =	vmul.f32 v4, v19  }
0x8d: {  	v25 =	vor.u32 $0x38, v1;
	v4 =	vld.idx.msk [tilespmem:v20+s13+$0x0], $0xffff  }
0x8e: {  	v26 =	vld.idx.msk [tilespmem:v6+s12+$0x0], $0xffff;
	v2 =	vadd.f32 v3, v2;
	v3 =	vmul.f32 v5, v21  }
0x8f: {  	v5 =	vld.idx.msk [tilespmem:v6+s13+$0x0], $0xffff;
	v6 =	vor.u32 $0x39, v1  }
0x90: {  	v27 =	vld.idx.msk [tilespmem:v23+s12+$0x0], $0xffff;
	v2 =	vadd.f32 v3, v2;
	v3 =	vmul.f32 v7, v22  }
0x91: {  	v28 =	vor.u32 $0x3A, v1;
	v7 =	vld.idx.msk [tilespmem:v23+s13+$0x0], $0xffff  }
0x92: {  	v29 =	vld.idx.msk [tilespmem:v25+s12+$0x0], $0xffff;
	v2 =	vadd.f32 v3, v2;
	v3 =	vmul.f32 v4, v24  }
0x93: {  	v30 =	vor.u32 $0x3B, v1;
	v4 =	vld.idx.msk [tilespmem:v25+s13+$0x0], $0xffff  }
0x94: {  	v31 =	vld.idx.msk [tilespmem:v6+s12+$0x0], $0xffff;
	v2 =	vadd.f32 v3, v2;
	v3 =	vmul.f32 v5, v26  }
0x95: {  	v5 =	vld.idx.msk [tilespmem:v6+s13+$0x0], $0xffff;
	v6 =	vor.u32 $0x3C, v1  }
0x96: {  	v32 =	vld.idx.msk [tilespmem:v28+s12+$0x0], $0xffff;
	v2 =	vadd.f32 v3, v2;
	v3 =	vmul.f32 v7, v27  }
0x97: {  	v33 =	vor.u32 $0x3D, v1;
	v7 =	vld.idx.msk [tilespmem:v28+s13+$0x0], $0xffff  }
0x98: {  	v34 =	vld.idx.msk [tilespmem:v30+s12+$0x0], $0xffff;
	v2 =	vadd.f32 v3, v2;
	v3 =	vmul.f32 v4, v29  }
0x99: {  	v35 =	vor.u32 $0x3E, v1;
	v4 =	vld.idx.msk [tilespmem:v30+s13+$0x0], $0xffff  }
0x9a: {  	v36 =	vld.idx.msk [tilespmem:v6+s12+$0x0], $0xffff;
	v2 =	vadd.f32 v3, v2;
	v3 =	vmul.f32 v5, v31  }
0x9b: {  	v5 =	vld.idx.msk [tilespmem:v6+s13+$0x0], $0xffff;
	v6 =	vor.u32 $0x3F, v1  }
0x9c: {  	v37 =	vld.idx.msk [tilespmem:v33+s12+$0x0], $0xffff;
	v2 =	vadd.f32 v3, v2;
	v3 =	vmul.f32 v7, v32  }
0x9d: {  	v38 =	vor.u32 $0x40, v1;
	v7 =	vld.idx.msk [tilespmem:v33+s13+$0x0], $0xffff  }
0x9e: {  	v39 =	vld.idx.msk [tilespmem:v35+s12+$0x0], $0xffff;
	v2 =	vadd.f32 v3, v2;
	v3 =	vmul.f32 v4, v34  }
0x9f: {  	v40 =	vor.u32 $0x41, v1;
	v4 =	vld.idx.msk [tilespmem:v35+s13+$0x0], $0xffff  }
0xa0: {  	v41 =	vld.idx.msk [tilespmem:v6+s12+$0x0], $0xffff;
	v2 =	vadd.f32 v3, v2;
	v3 =	vmul.f32 v5, v36  }
0xa1: {  	v5 =	vld.idx.msk [tilespmem:v6+s13+$0x0], $0xffff;
	v6 =	vor.u32 $0x42, v1  }
0xa2: {  	v42 =	vld.idx.msk [tilespmem:v38+s12+$0x0], $0xffff;
	v2 =	vadd.f32 v3, v2;
	v3 =	vmul.f32 v7, v37  }
0xa3: {  	v43 =	vor.u32 $0x43, v1;
	v7 =	vld.idx.msk [tilespmem:v38+s13+$0x0], $0xffff  }
0xa4: {  	v44 =	vld.idx.msk [tilespmem:v40+s12+$0x0], $0xffff;
	v2 =	vadd.f32 v3, v2;
	v3 =	vmul.f32 v4, v39  }
0xa5: {  	v45 =	vor.u32 $0x44, v1;
	v4 =	vld.idx.msk [tilespmem:v40+s13+$0x0], $0xffff  }
0xa6: {  	v46 =	vld.idx.msk [tilespmem:v6+s12+$0x0], $0xffff;
	v2 =	vadd.f32 v3, v2;
	v3 =	vmul.f32 v5, v41  }
0xa7: {  	v5 =	vld.idx.msk [tilespmem:v6+s13+$0x0], $0xffff;
	v6 =	vor.u32 $0x45, v1  }
0xa8: {  	v47 =	vld.idx.msk [tilespmem:v43+s12+$0x0], $0xffff;
	v2 =	vadd.f32 v3, v2;
	v3 =	vmul.f32 v7, v42  }
0xa9: {  	v48 =	vor.u32 $0x46, v1;
	v7 =	vld.idx.msk [tilespmem:v43+s13+$0x0], $0xffff  }
0xaa: {  	v49 =	vld.idx.msk [tilespmem:v45+s12+$0x0], $0xffff;
	v2 =	vadd.f32 v3, v2;
	v3 =	vmul.f32 v4, v44  }
0xab: {  	v50 =	vor.u32 $0x47, v1;
	v4 =	vld.idx.msk [tilespmem:v45+s13+$0x0], $0xffff  }
0xac: {  	v51 =	vld.idx.msk [tilespmem:v6+s12+$0x0], $0xffff;
	v2 =	vadd.f32 v3, v2;
	v3 =	vmul.f32 v5, v46  }
0xad: {  	v5 =	vld.idx.msk [tilespmem:v6+s13+$0x0], $0xffff;
	v6 =	vor.u32 $0x48, v1  }
0xae: {  	v52 =	vld.idx.msk [tilespmem:v48+s12+$0x0], $0xffff;
	v2 =	vadd.f32 v3, v2;
	v3 =	vmul.f32 v7, v47  }
0xaf: {  	v53 =	vor.u32 $0x49, v1;
	v7 =	vld.idx.msk [tilespmem:v48+s13+$0x0], $0xffff  }
0xb0: {  	v54 =	vld.idx.msk [tilespmem:v50+s12+$0x0], $0xffff;
	v2 =	vadd.f32 v3, v2;
	v3 =	vmul.f32 v4, v49  }
0xb1: {  	v55 =	vor.u32 $0x4A, v1;
	v4 =	vld.idx.msk [tilespmem:v50+s13+$0x0], $0xffff  }
0xb2: {  	v56 =	vld.idx.msk [tilespmem:v6+s12+$0x0], $0xffff;
	v2 =	vadd.f32 v3, v2;
	v3 =	vmul.f32 v5, v51  }
0xb3: {  	v5 =	vld.idx.msk [tilespmem:v6+s13+$0x0], $0xffff;
	v6 =	vor.u32 $0x4B, v1  }
0xb4: {  	v57 =	vld.idx.msk [tilespmem:v53+s12+$0x0], $0xffff;
	v2 =	vadd.f32 v3, v2;
	v3 =	vmul.f32 v7, v52  }
0xb5: {  	v58 =	vor.u32 $0x4C, v1;
	v7 =	vld.idx.msk [tilespmem:v53+s13+$0x0], $0xffff  }
0xb6: {  	v59 =	vld.idx.msk [tilespmem:v55+s12+$0x0], $0xffff;
	v2 =	vadd.f32 v3, v2;
	v3 =	vmul.f32 v4, v54  }
0xb7: {  	v60 =	vor.u32 $0x4D, v1;
	v4 =	vld.idx.msk [tilespmem:v55+s13+$0x0], $0xffff  }
0xb8: {  	v61 =	vld.idx.msk [tilespmem:v6+s12+$0x0], $0xffff;
	v2 =	vadd.f32 v3, v2;
	v3 =	vmul.f32 v5, v56  }
0xb9: {  	v5 =	vld.idx.msk [tilespmem:v6+s13+$0x0], $0xffff;
	v6 =	vor.u32 $0x4E, v1  }
0xba: {  	v62 =	vld.idx.msk [tilespmem:v58+s12+$0x0], $0xffff;
	v2 =	vadd.f32 v3, v2;
	v3 =	vmul.f32 v7, v57  }
0xbb: {  	v63 =	vor.u32 $0x4F, v1;
	v7 =	vld.idx.msk [tilespmem:v58+s13+$0x0], $0xffff  }
0xbc: {  	v16 =	vld.idx.msk [tilespmem:v60+s12+$0x0], $0xffff;
	v2 =	vadd.f32 v3, v2;
	v3 =	vmul.f32 v4, v59  }
0xbd: {  	v17 =	vor.u32 $0x50, v1;
	v4 =	vld.idx.msk [tilespmem:v60+s13+$0x0], $0xffff  }
0xbe: {  	v18 =	vld.idx.msk [tilespmem:v6+s12+$0x0], $0xffff;
	v2 =	vadd.f32 v3, v2;
	v3 =	vmul.f32 v5, v61  }
0xbf: {  	v5 =	vld.idx.msk [tilespmem:v6+s13+$0x0], $0xffff;
	v6 =	vor.u32 $0x51, v1  }
0xc0: {  	v19 =	vld.idx.msk [tilespmem:v63+s12+$0x0], $0xffff;
	v2 =	vadd.f32 v3, v2;
	v3 =	vmul.f32 v7, v62  }
0xc1: {  	v20 =	vor.u32 $0x52, v1;
	v7 =	vld.idx.msk [tilespmem:v63+s13+$0x0], $0xffff  }
0xc2: {  	v21 =	vld.idx.msk [tilespmem:v17+s12+$0x0], $0xffff;
	v2 =	vadd.f32 v3, v2;
	v3 =	vmul.f32 v4, v16  }
0xc3: {  	v22 =	vor.u32 $0x53, v1;
	v4 =	vld.idx.msk [tilespmem:v17+s13+$0x0], $0xffff  }
0xc4: {  	v23 =	vld.idx.msk [tilespmem:v6+s12+$0x0], $0xffff;
	v2 =	vadd.f32 v3, v2;
	v3 =	vmul.f32 v5, v18  }
0xc5: {  	v5 =	vld.idx.msk [tilespmem:v6+s13+$0x0], $0xffff;
	v6 =	vor.u32 $0x54, v1  }
0xc6: {  	v24 =	vld.idx.msk [tilespmem:v20+s12+$0x0], $0xffff;
	v2 =	vadd.f32 v3, v2;
	v3 =	vmul.f32 v7, v19  }
0xc7: {  	v25 =	vor.u32 $0x55, v1;
	v7 =	vld.idx.msk [tilespmem:v20+s13+$0x0], $0xffff  }
0xc8: {  	v26 =	vld.idx.msk [tilespmem:v22+s12+$0x0], $0xffff;
	v2 =	vadd.f32 v3, v2;
	v3 =	vmul.f32 v4, v21  }
0xc9: {  	v27 =	vor.u32 $0x56, v1;
	v4 =	vld.idx.msk [tilespmem:v22+s13+$0x0], $0xffff  }
0xca: {  	v28 =	vld.idx.msk [tilespmem:v6+s12+$0x0], $0xffff;
	v2 =	vadd.f32 v3, v2;
	v3 =	vmul.f32 v5, v23  }
0xcb: {  	v5 =	vld.idx.msk [tilespmem:v6+s13+$0x0], $0xffff;
	v6 =	vor.u32 $0x57, v1  }
0xcc: {  	v29 =	vld.idx.msk [tilespmem:v25+s12+$0x0], $0xffff;
	v2 =	vadd.f32 v3, v2;
	v3 =	vmul.f32 v7, v24  }
0xcd: {  	v30 =	vor.u32 $0x58, v1;
	v7 =	vld.idx.msk [tilespmem:v25+s13+$0x0], $0xffff  }
0xce: {  	v31 =	vld.idx.msk [tilespmem:v27+s12+$0x0], $0xffff;
	v2 =	vadd.f32 v3, v2;
	v3 =	vmul.f32 v4, v26  }
0xcf: {  	v32 =	vor.u32 $0x59, v1;
	v4 =	vld.idx.msk [tilespmem:v27+s13+$0x0], $0xffff  }
0xd0: {  	v33 =	vld.idx.msk [tilespmem:v6+s12+$0x0], $0xffff;
	v2 =	vadd.f32 v3, v2;
	v3 =	vmul.f32 v5, v28  }
0xd1: {  	v5 =	vld.idx.msk [tilespmem:v6+s13+$0x0], $0xffff;
	v6 =	vor.u32 $0x5A, v1  }
0xd2: {  	v34 =	vld.idx.msk [tilespmem:v30+s12+$0x0], $0xffff;
	v2 =	vadd.f32 v3, v2;
	v3 =	vmul.f32 v7, v29  }
0xd3: {  	v35 =	vor.u32 $0x5B, v1;
	v7 =	vld.idx.msk [tilespmem:v30+s13+$0x0], $0xffff  }
0xd4: {  	v36 =	vld.idx.msk [tilespmem:v32+s12+$0x0], $0xffff;
	v2 =	vadd.f32 v3, v2;
	v3 =	vmul.f32 v4, v31  }
0xd5: {  	v37 =	vor.u32 $0x5C, v1;
	v4 =	vld.idx.msk [tilespmem:v32+s13+$0x0], $0xffff  }
0xd6: {  	v38 =	vld.idx.msk [tilespmem:v6+s12+$0x0], $0xffff;
	v2 =	vadd.f32 v3, v2;
	v3 =	vmul.f32 v5, v33  }
0xd7: {  	v5 =	vld.idx.msk [tilespmem:v6+s13+$0x0], $0xffff;
	v6 =	vor.u32 $0x5D, v1  }
0xd8: {  	v39 =	vld.idx.msk [tilespmem:v35+s12+$0x0], $0xffff;
	v2 =	vadd.f32 v3, v2;
	v3 =	vmul.f32 v7, v34  }
0xd9: {  	v40 =	vor.u32 $0x5E, v1;
	v7 =	vld.idx.msk [tilespmem:v35+s13+$0x0], $0xffff  }
0xda: {  	v41 =	vld.idx.msk [tilespmem:v37+s12+$0x0], $0xffff;
	v2 =	vadd.f32 v3, v2;
	v3 =	vmul.f32 v4, v36  }
0xdb: {  	v42 =	vor.u32 $0x5F, v1;
	v4 =	vld.idx.msk [tilespmem:v37+s13+$0x0], $0xffff  }
0xdc: {  	v43 =	vld.idx.msk [tilespmem:v6+s12+$0x0], $0xffff;
	v2 =	vadd.f32 v3, v2;
	v3 =	vmul.f32 v5, v38  }
0xdd: {  	v5 =	vld.idx.msk [tilespmem:v6+s13+$0x0], $0xffff;
	v6 =	vor.u32 $0x60, v1  }
0xde: {  	v44 =	vld.idx.msk [tilespmem:v40+s12+$0x0], $0xffff;
	v2 =	vadd.f32 v3, v2;
	v3 =	vmul.f32 v7, v39  }
0xdf: {  	v45 =	vor.u32 $0x61, v1;
	v7 =	vld.idx.msk [tilespmem:v40+s13+$0x0], $0xffff  }
0xe0: {  	v46 =	vld.idx.msk [tilespmem:v42+s12+$0x0], $0xffff;
	v2 =	vadd.f32 v3, v2;
	v3 =	vmul.f32 v4, v41  }
0xe1: {  	v47 =	vor.u32 $0x62, v1;
	v4 =	vld.idx.msk [tilespmem:v42+s13+$0x0], $0xffff  }
0xe2: {  	v48 =	vld.idx.msk [tilespmem:v6+s12+$0x0], $0xffff;
	v2 =	vadd.f32 v3, v2;
	v3 =	vmul.f32 v5, v43  }
0xe3: {  	v5 =	vld.idx.msk [tilespmem:v6+s13+$0x0], $0xffff;
	v6 =	vor.u32 $0x63, v1  }
0xe4: {  	v49 =	vld.idx.msk [tilespmem:v45+s12+$0x0], $0xffff;
	v2 =	vadd.f32 v3, v2;
	v3 =	vmul.f32 v7, v44  }
0xe5: {  	v50 =	vor.u32 $0x64, v1;
	v7 =	vld.idx.msk [tilespmem:v45+s13+$0x0], $0xffff  }
0xe6: {  	v51 =	vld.idx.msk [tilespmem:v47+s12+$0x0], $0xffff;
	v2 =	vadd.f32 v3, v2;
	v3 =	vmul.f32 v4, v46  }
0xe7: {  	v52 =	vor.u32 $0x65, v1;
	v4 =	vld.idx.msk [tilespmem:v47+s13+$0x0], $0xffff  }
0xe8: {  	v53 =	vld.idx.msk [tilespmem:v6+s12+$0x0], $0xffff;
	v2 =	vadd.f32 v3, v2;
	v3 =	vmul.f32 v5, v48  }
0xe9: {  	v5 =	vld.idx.msk [tilespmem:v6+s13+$0x0], $0xffff;
	v6 =	vor.u32 $0x66, v1  }
0xea: {  	v54 =	vld.idx.msk [tilespmem:v50+s12+$0x0], $0xffff;
	v2 =	vadd.f32 v3, v2;
	v3 =	vmul.f32 v7, v49  }
0xeb: {  	v55 =	vor.u32 $0x67, v1;
	v7 =	vld.idx.msk [tilespmem:v50+s13+$0x0], $0xffff  }
0xec: {  	v56 =	vld.idx.msk [tilespmem:v52+s12+$0x0], $0xffff;
	v2 =	vadd.f32 v3, v2;
	v3 =	vmul.f32 v4, v51  }
0xed: {  	v57 =	vor.u32 $0x68, v1;
	v4 =	vld.idx.msk [tilespmem:v52+s13+$0x0], $0xffff  }
0xee: {  	v58 =	vld.idx.msk [tilespmem:v6+s12+$0x0], $0xffff;
	v2 =	vadd.f32 v3, v2;
	v3 =	vmul.f32 v5, v53  }
0xef: {  	v5 =	vld.idx.msk [tilespmem:v6+s13+$0x0], $0xffff;
	v6 =	vor.u32 $0x69, v1  }
0xf0: {  	v59 =	vld.idx.msk [tilespmem:v55+s12+$0x0], $0xffff;
	v2 =	vadd.f32 v3, v2;
	v3 =	vmul.f32 v7, v54  }
0xf1: {  	v60 =	vor.u32 $0x6A, v1;
	v7 =	vld.idx.msk [tilespmem:v55+s13+$0x0], $0xffff  }
0xf2: {  	v61 =	vld.idx.msk [tilespmem:v57+s12+$0x0], $0xffff;
	v2 =	vadd.f32 v3, v2;
	v3 =	vmul.f32 v4, v56  }
0xf3: {  	v62 =	vor.u32 $0x6B, v1;
	v4 =	vld.idx.msk [tilespmem:v57+s13+$0x0], $0xffff  }
0xf4: {  	v63 =	vld.idx.msk [tilespmem:v6+s12+$0x0], $0xffff;
	v2 =	vadd.f32 v3, v2;
	v3 =	vmul.f32 v5, v58  }
0xf5: {  	v5 =	vld.idx.msk [tilespmem:v6+s13+$0x0], $0xffff;
	v6 =	vor.u32 $0x6C, v1  }
0xf6: {  	v16 =	vld.idx.msk [tilespmem:v60+s12+$0x0], $0xffff;
	v2 =	vadd.f32 v3, v2;
	v3 =	vmul.f32 v7, v59  }
0xf7: {  	v17 =	vor.u32 $0x6D, v1;
	v7 =	vld.idx.msk [tilespmem:v60+s13+$0x0], $0xffff  }
0xf8: {  	v18 =	vld.idx.msk [tilespmem:v62+s12+$0x0], $0xffff;
	v2 =	vadd.f32 v3, v2;
	v3 =	vmul.f32 v4, v61  }
0xf9: {  	v19 =	vor.u32 $0x6E, v1;
	v4 =	vld.idx.msk [tilespmem:v62+s13+$0x0], $0xffff  }
0xfa: {  	v20 =	vld.idx.msk [tilespmem:v6+s12+$0x0], $0xffff;
	v2 =	vadd.f32 v3, v2;
	v3 =	vmul.f32 v5, v63  }
0xfb: {  	v5 =	vld.idx.msk [tilespmem:v6+s13+$0x0], $0xffff;
	v6 =	vor.u32 $0x6F, v1  }
0xfc: {  	v21 =	vld.idx.msk [tilespmem:v17+s12+$0x0], $0xffff;
	v2 =	vadd.f32 v3, v2;
	v3 =	vmul.f32 v7, v16  }
0xfd: {  	v22 =	vor.u32 $0x70, v1;
	v7 =	vld.idx.msk [tilespmem:v17+s13+$0x0], $0xffff  }
0xfe: {  	v23 =	vld.idx.msk [tilespmem:v19+s12+$0x0], $0xffff;
	v2 =	vadd.f32 v3, v2;
	v3 =	vmul.f32 v4, v18  }
0xff: {  	v24 =	vor.u32 $0x71, v1;
	v4 =	vld.idx.msk [tilespmem:v19+s13+$0x0], $0xffff  }
0x100: {  	v25 =	vld.idx.msk [tilespmem:v6+s12+$0x0], $0xffff;
	v2 =	vadd.f32 v3, v2;
	v3 =	vmul.f32 v5, v20  }
0x101: {  	v5 =	vld.idx.msk [tilespmem:v6+s13+$0x0], $0xffff;
	v6 =	vor.u32 $0x72, v1  }
0x102: {  	v26 =	vld.idx.msk [tilespmem:v22+s12+$0x0], $0xffff;
	v2 =	vadd.f32 v3, v2;
	v3 =	vmul.f32 v7, v21  }
0x103: {  	v27 =	vor.u32 $0x73, v1;
	v7 =	vld.idx.msk [tilespmem:v22+s13+$0x0], $0xffff  }
0x104: {  	v28 =	vld.idx.msk [tilespmem:v24+s12+$0x0], $0xffff;
	v2 =	vadd.f32 v3, v2;
	v3 =	vmul.f32 v4, v23  }
0x105: {  	v29 =	vor.u32 $0x74, v1;
	v4 =	vld.idx.msk [tilespmem:v24+s13+$0x0], $0xffff  }
0x106: {  	v30 =	vld.idx.msk [tilespmem:v6+s12+$0x0], $0xffff;
	v2 =	vadd.f32 v3, v2;
	v3 =	vmul.f32 v5, v25  }
0x107: {  	v5 =	vld.idx.msk [tilespmem:v6+s13+$0x0], $0xffff;
	v6 =	vor.u32 $0x75, v1  }
0x108: {  	v31 =	vld.idx.msk [tilespmem:v27+s12+$0x0], $0xffff;
	v2 =	vadd.f32 v3, v2;
	v3 =	vmul.f32 v7, v26  }
0x109: {  	v32 =	vor.u32 $0x76, v1;
	v7 =	vld.idx.msk [tilespmem:v27+s13+$0x0], $0xffff  }
0x10a: {  	v33 =	vld.idx.msk [tilespmem:v29+s12+$0x0], $0xffff;
	v2 =	vadd.f32 v3, v2;
	v3 =	vmul.f32 v4, v28  }
0x10b: {  	v34 =	vor.u32 $0x77, v1;
	v4 =	vld.idx.msk [tilespmem:v29+s13+$0x0], $0xffff  }
0x10c: {  	v35 =	vld.idx.msk [tilespmem:v6+s12+$0x0], $0xffff;
	v2 =	vadd.f32 v3, v2;
	v3 =	vmul.f32 v5, v30  }
0x10d: {  	v5 =	vld.idx.msk [tilespmem:v6+s13+$0x0], $0xffff;
	v6 =	vor.u32 $0x78, v1  }
0x10e: {  	v36 =	vld.idx.msk [tilespmem:v32+s12+$0x0], $0xffff;
	v2 =	vadd.f32 v3, v2;
	v3 =	vmul.f32 v7, v31  }
0x10f: {  	v37 =	vor.u32 $0x79, v1;
	v7 =	vld.idx.msk [tilespmem:v32+s13+$0x0], $0xffff  }
0x110: {  	v38 =	vld.idx.msk [tilespmem:v34+s12+$0x0], $0xffff;
	v2 =	vadd.f32 v3, v2;
	v3 =	vmul.f32 v4, v33  }
0x111: {  	v39 =	vor.u32 $0x7A, v1;
	v4 =	vld.idx.msk [tilespmem:v34+s13+$0x0], $0xffff  }
0x112: {  	v40 =	vld.idx.msk [tilespmem:v6+s12+$0x0], $0xffff;
	v2 =	vadd.f32 v3, v2;
	v3 =	vmul.f32 v5, v35  }
0x113: {  	v5 =	vld.idx.msk [tilespmem:v6+s13+$0x0], $0xffff;
	v6 =	vor.u32 $0x7B, v1  }
0x114: {  	v41 =	vld.idx.msk [tilespmem:v37+s12+$0x0], $0xffff;
	v2 =	vadd.f32 v3, v2;
	v3 =	vmul.f32 v7, v36  }
0x115: {  	v42 =	vor.u32 $0x7C, v1;
	v7 =	vld.idx.msk [tilespmem:v37+s13+$0x0], $0xffff  }
0x116: {  	v43 =	vld.idx.msk [tilespmem:v39+s12+$0x0], $0xffff;
	v2 =	vadd.f32 v3, v2;
	v3 =	vmul.f32 v4, v38  }
0x117: {  	v44 =	vor.u32 $0x7D, v1;
	v4 =	vld.idx.msk [tilespmem:v39+s13+$0x0], $0xffff  }
0x118: {  	v45 =	vld.idx.msk [tilespmem:v6+s12+$0x0], $0xffff;
	v2 =	vadd.f32 v3, v2;
	v3 =	vmul.f32 v5, v40  }
0x119: {  	v5 =	vld.idx.msk [tilespmem:v6+s13+$0x0], $0xffff;
	v6 =	vor.u32 $0x7E, v1  }
0x11a: {  	v46 =	vld.idx.msk [tilespmem:v42+s12+$0x0], $0xffff;
	v2 =	vadd.f32 v3, v2;
	v3 =	vmul.f32 v7, v41  }
0x11b: {  	v1 =	vor.u32 $0x7F, v1;
	v7 =	vld.idx.msk [tilespmem:v42+s13+$0x0], $0xffff  }
0x11c: {  	v47 =	vld.idx.msk [tilespmem:v44+s12+$0x0], $0xffff;
	v2 =	vadd.f32 v3, v2;
	v3 =	vmul.f32 v4, v43  }
0x11d: {  	v4 =	vld.idx.msk [tilespmem:v44+s13+$0x0], $0xffff  }
0x11e: {  	v48 =	vld.idx.msk [tilespmem:v6+s12+$0x0], $0xffff;
	v2 =	vadd.f32 v3, v2;
	v3 =	vmul.f32 v5, v45  }
0x11f: {  	v5 =	vld.idx.msk [tilespmem:v6+s13+$0x0], $0xffff  }
0x120: {  	v6 =	vld.idx.msk [tilespmem:v1+s12+$0x0], $0xffff;
	v2 =	vadd.f32 v3, v2;
	v3 =	vmul.f32 v7, v46  }
0x121: {  	v7 =	vld.idx.msk [tilespmem:v1+s13+$0x0], $0xffff  }
0x122: {  	v1 =	vadd.f32 v3, v2;
	v2 =	vmul.f32 v4, v47  }
0x123: {  	s30 =	simm.s32 $0x10  }
0x124: {  	v3 =	vmov s30;
	v4 =	vmul.f32 v5, v48;
	v2 =	vadd.f32 v2, v1  }
0x125: {  	v1 =	vshll.u32 v3, $0x7  }
0x126: {  	v1 =	vor.u32 v0, v1;
	v3 =	vmul.f32 v7, v6;
	v2 =	vadd.f32 v4, v2;
	_ =	sdelay $0x1  }
0x127: {  	v4 =	vor.u32 $0x1, v1;
	v2 =	vadd.f32 v3, v2  }
0x128: {  	s20 =	simm.s32 $0x19400  }
0x129: {  	v3 =	vor.u32 $0x2, v1;
	[tilespmem:s20+$0x0] =	vst v2  }
0x12a: {  	v2 =	vld.idx.msk [tilespmem:v1+s13+$0x0], $0xffff  }
0x12b: {  	v6 =	vor.u32 $0x3, v1;
	v5 =	vld.idx.msk [tilespmem:v1+s12+$0x0], $0xffff  }
0x12c: {  	v7 =	vld.idx.msk [tilespmem:v4+s12+$0x0], $0xffff  }
0x12d: {  	v49 =	vor.u32 $0x4, v1;
	v4 =	vld.idx.msk [tilespmem:v4+s13+$0x0], $0xffff  }
0x12e: {  	v50 =	vld.idx.msk [tilespmem:v3+s12+$0x0], $0xffff  }
0x12f: {  	v51 =	vor.u32 $0x5, v1;
	v3 =	vld.idx.msk [tilespmem:v3+s13+$0x0], $0xffff  }
0x130: {  	v52 =	vld.idx.msk [tilespmem:v6+s12+$0x0], $0xffff;
	v2 =	vmul.f32 v2, v5  }
0x131: {  	v5 =	vld.idx.msk [tilespmem:v6+s13+$0x0], $0xffff;
	v6 =	vor.u32 $0x6, v1  }
0x132: {  	v53 =	vld.idx.msk [tilespmem:v49+s12+$0x0], $0xffff;
	v4 =	vmul.f32 v4, v7;
	v2 =	vadd.f32 $0.0e+00, v2  }
0x133: {  	v54 =	vor.u32 $0x7, v1;
	v7 =	vld.idx.msk [tilespmem:v49+s13+$0x0], $0xffff  }
0x134: {  	v55 =	vld.idx.msk [tilespmem:v51+s12+$0x0], $0xffff;
	v3 =	vmul.f32 v3, v50;
	v2 =	vadd.f32 v4, v2  }
0x135: {  	v56 =	vor.u32 $0x8, v1;
	v4 =	vld.idx.msk [tilespmem:v51+s13+$0x0], $0xffff  }
0x136: {  	v57 =	vld.idx.msk [tilespmem:v6+s12+$0x0], $0xffff;
	v2 =	vadd.f32 v3, v2;
	v3 =	vmul.f32 v5, v52  }
0x137: {  	v5 =	vld.idx.msk [tilespmem:v6+s13+$0x0], $0xffff;
	v6 =	vor.u32 $0x9, v1  }
0x138: {  	v58 =	vld.idx.msk [tilespmem:v54+s12+$0x0], $0xffff;
	v2 =	vadd.f32 v3, v2;
	v3 =	vmul.f32 v7, v53  }
0x139: {  	v59 =	vor.u32 $0xA, v1;
	v7 =	vld.idx.msk [tilespmem:v54+s13+$0x0], $0xffff  }
0x13a: {  	v60 =	vld.idx.msk [tilespmem:v56+s12+$0x0], $0xffff;
	v2 =	vadd.f32 v3, v2;
	v3 =	vmul.f32 v4, v55  }
0x13b: {  	v61 =	vor.u32 $0xB, v1;
	v4 =	vld.idx.msk [tilespmem:v56+s13+$0x0], $0xffff  }
0x13c: {  	v62 =	vld.idx.msk [tilespmem:v6+s12+$0x0], $0xffff;
	v2 =	vadd.f32 v3, v2;
	v3 =	vmul.f32 v5, v57  }
0x13d: {  	v5 =	vld.idx.msk [tilespmem:v6+s13+$0x0], $0xffff;
	v6 =	vor.u32 $0xC, v1  }
0x13e: {  	v63 =	vld.idx.msk [tilespmem:v59+s12+$0x0], $0xffff;
	v2 =	vadd.f32 v3, v2;
	v3 =	vmul.f32 v7, v58  }
0x13f: {  	v16 =	vor.u32 $0xD, v1;
	v7 =	vld.idx.msk [tilespmem:v59+s13+$0x0], $0xffff  }
0x140: {  	v17 =	vld.idx.msk [tilespmem:v61+s12+$0x0], $0xffff;
	v2 =	vadd.f32 v3, v2;
	v3 =	vmul.f32 v4, v60  }
0x141: {  	v18 =	vor.u32 $0xE, v1;
	v4 =	vld.idx.msk [tilespmem:v61+s13+$0x0], $0xffff  }
0x142: {  	v19 =	vld.idx.msk [tilespmem:v6+s12+$0x0], $0xffff;
	v2 =	vadd.f32 v3, v2;
	v3 =	vmul.f32 v5, v62  }
0x143: {  	v5 =	vld.idx.msk [tilespmem:v6+s13+$0x0], $0xffff;
	v6 =	vor.u32 $0xF, v1  }
0x144: {  	v20 =	vld.idx.msk [tilespmem:v16+s12+$0x0], $0xffff;
	v2 =	vadd.f32 v3, v2;
	v3 =	vmul.f32 v7, v63  }
0x145: {  	v21 =	vor.u32 $0x10, v1;
	v7 =	vld.idx.msk [tilespmem:v16+s13+$0x0], $0xffff  }
0x146: {  	v22 =	vld.idx.msk [tilespmem:v18+s12+$0x0], $0xffff;
	v2 =	vadd.f32 v3, v2;
	v3 =	vmul.f32 v4, v17  }
0x147: {  	v23 =	vor.u32 $0x11, v1;
	v4 =	vld.idx.msk [tilespmem:v18+s13+$0x0], $0xffff  }
0x148: {  	v24 =	vld.idx.msk [tilespmem:v6+s12+$0x0], $0xffff;
	v2 =	vadd.f32 v3, v2;
	v3 =	vmul.f32 v5, v19  }
0x149: {  	v5 =	vld.idx.msk [tilespmem:v6+s13+$0x0], $0xffff;
	v6 =	vor.u32 $0x12, v1  }
0x14a: {  	v25 =	vld.idx.msk [tilespmem:v21+s12+$0x0], $0xffff;
	v2 =	vadd.f32 v3, v2;
	v3 =	vmul.f32 v7, v20  }
0x14b: {  	v26 =	vor.u32 $0x13, v1;
	v7 =	vld.idx.msk [tilespmem:v21+s13+$0x0], $0xffff  }
0x14c: {  	v27 =	vld.idx.msk [tilespmem:v23+s12+$0x0], $0xffff;
	v2 =	vadd.f32 v3, v2;
	v3 =	vmul.f32 v4, v22  }
0x14d: {  	v28 =	vor.u32 $0x14, v1;
	v4 =	vld.idx.msk [tilespmem:v23+s13+$0x0], $0xffff  }
0x14e: {  	v29 =	vld.idx.msk [tilespmem:v6+s12+$0x0], $0xffff;
	v2 =	vadd.f32 v3, v2;
	v3 =	vmul.f32 v5, v24  }
0x14f: {  	v5 =	vld.idx.msk [tilespmem:v6+s13+$0x0], $0xffff;
	v6 =	vor.u32 $0x15, v1  }
0x150: {  	v30 =	vld.idx.msk [tilespmem:v26+s12+$0x0], $0xffff;
	v2 =	vadd.f32 v3, v2;
	v3 =	vmul.f32 v7, v25  }
0x151: {  	v31 =	vor.u32 $0x16, v1;
	v7 =	vld.idx.msk [tilespmem:v26+s13+$0x0], $0xffff  }
0x152: {  	v32 =	vld.idx.msk [tilespmem:v28+s12+$0x0], $0xffff;
	v2 =	vadd.f32 v3, v2;
	v3 =	vmul.f32 v4, v27  }
0x153: {  	v33 =	vor.u32 $0x17, v1;
	v4 =	vld.idx.msk [tilespmem:v28+s13+$0x0], $0xffff  }
0x154: {  	v34 =	vld.idx.msk [tilespmem:v6+s12+$0x0], $0xffff;
	v2 =	vadd.f32 v3, v2;
	v3 =	vmul.f32 v5, v29  }
0x155: {  	v5 =	vld.idx.msk [tilespmem:v6+s13+$0x0], $0xffff;
	v6 =	vor.u32 $0x18, v1  }
0x156: {  	v35 =	vld.idx.msk [tilespmem:v31+s12+$0x0], $0xffff;
	v2 =	vadd.f32 v3, v2;
	v3 =	vmul.f32 v7, v30  }
0x157: {  	v36 =	vor.u32 $0x19, v1;
	v7 =	vld.idx.msk [tilespmem:v31+s13+$0x0], $0xffff  }
0x158: {  	v37 =	vld.idx.msk [tilespmem:v33+s12+$0x0], $0xffff;
	v2 =	vadd.f32 v3, v2;
	v3 =	vmul.f32 v4, v32  }
0x159: {  	v38 =	vor.u32 $0x1A, v1;
	v4 =	vld.idx.msk [tilespmem:v33+s13+$0x0], $0xffff  }
0x15a: {  	v39 =	vld.idx.msk [tilespmem:v6+s12+$0x0], $0xffff;
	v2 =	vadd.f32 v3, v2;
	v3 =	vmul.f32 v5, v34  }
0x15b: {  	v5 =	vld.idx.msk [tilespmem:v6+s13+$0x0], $0xffff;
	v6 =	vor.u32 $0x1B, v1  }
0x15c: {  	v40 =	vld.idx.msk [tilespmem:v36+s12+$0x0], $0xffff;
	v2 =	vadd.f32 v3, v2;
	v3 =	vmul.f32 v7, v35  }
0x15d: {  	v41 =	vor.u32 $0x1C, v1;
	v7 =	vld.idx.msk [tilespmem:v36+s13+$0x0], $0xffff  }
0x15e: {  	v42 =	vld.idx.msk [tilespmem:v38+s12+$0x0], $0xffff;
	v2 =	vadd.f32 v3, v2;
	v3 =	vmul.f32 v4, v37  }
0x15f: {  	v43 =	vor.u32 $0x1D, v1;
	v4 =	vld.idx.msk [tilespmem:v38+s13+$0x0], $0xffff  }
0x160: {  	v44 =	vld.idx.msk [tilespmem:v6+s12+$0x0], $0xffff;
	v2 =	vadd.f32 v3, v2;
	v3 =	vmul.f32 v5, v39  }
0x161: {  	v5 =	vld.idx.msk [tilespmem:v6+s13+$0x0], $0xffff;
	v6 =	vor.u32 $0x1E, v1  }
0x162: {  	v45 =	vld.idx.msk [tilespmem:v41+s12+$0x0], $0xffff;
	v2 =	vadd.f32 v3, v2;
	v3 =	vmul.f32 v7, v40  }
0x163: {  	v46 =	vor.u32 $0x1F, v1;
	v7 =	vld.idx.msk [tilespmem:v41+s13+$0x0], $0xffff  }
0x164: {  	v47 =	vld.idx.msk [tilespmem:v43+s12+$0x0], $0xffff;
	v2 =	vadd.f32 v3, v2;
	v3 =	vmul.f32 v4, v42  }
0x165: {  	v48 =	vor.u32 $0x20, v1;
	v4 =	vld.idx.msk [tilespmem:v43+s13+$0x0], $0xffff  }
0x166: {  	v49 =	vld.idx.msk [tilespmem:v6+s12+$0x0], $0xffff;
	v2 =	vadd.f32 v3, v2;
	v3 =	vmul.f32 v5, v44  }
0x167: {  	v5 =	vld.idx.msk [tilespmem:v6+s13+$0x0], $0xffff;
	v6 =	vor.u32 $0x21, v1  }
0x168: {  	v50 =	vld.idx.msk [tilespmem:v46+s12+$0x0], $0xffff;
	v2 =	vadd.f32 v3, v2;
	v3 =	vmul.f32 v7, v45  }
0x169: {  	v51 =	vor.u32 $0x22, v1;
	v7 =	vld.idx.msk [tilespmem:v46+s13+$0x0], $0xffff  }
0x16a: {  	v52 =	vld.idx.msk [tilespmem:v48+s12+$0x0], $0xffff;
	v2 =	vadd.f32 v3, v2;
	v3 =	vmul.f32 v4, v47  }
0x16b: {  	v53 =	vor.u32 $0x23, v1;
	v4 =	vld.idx.msk [tilespmem:v48+s13+$0x0], $0xffff  }
0x16c: {  	v54 =	vld.idx.msk [tilespmem:v6+s12+$0x0], $0xffff;
	v2 =	vadd.f32 v3, v2;
	v3 =	vmul.f32 v5, v49  }
0x16d: {  	v5 =	vld.idx.msk [tilespmem:v6+s13+$0x0], $0xffff;
	v6 =	vor.u32 $0x24, v1  }
0x16e: {  	v55 =	vld.idx.msk [tilespmem:v51+s12+$0x0], $0xffff;
	v2 =	vadd.f32 v3, v2;
	v3 =	vmul.f32 v7, v50  }
0x16f: {  	v56 =	vor.u32 $0x25, v1;
	v7 =	vld.idx.msk [tilespmem:v51+s13+$0x0], $0xffff  }
0x170: {  	v57 =	vld.idx.msk [tilespmem:v53+s12+$0x0], $0xffff;
	v2 =	vadd.f32 v3, v2;
	v3 =	vmul.f32 v4, v52  }
0x171: {  	v58 =	vor.u32 $0x26, v1;
	v4 =	vld.idx.msk [tilespmem:v53+s13+$0x0], $0xffff  }
0x172: {  	v59 =	vld.idx.msk [tilespmem:v6+s12+$0x0], $0xffff;
	v2 =	vadd.f32 v3, v2;
	v3 =	vmul.f32 v5, v54  }
0x173: {  	v5 =	vld.idx.msk [tilespmem:v6+s13+$0x0], $0xffff;
	v6 =	vor.u32 $0x27, v1  }
0x174: {  	v60 =	vld.idx.msk [tilespmem:v56+s12+$0x0], $0xffff;
	v2 =	vadd.f32 v3, v2;
	v3 =	vmul.f32 v7, v55  }
0x175: {  	v61 =	vor.u32 $0x28, v1;
	v7 =	vld.idx.msk [tilespmem:v56+s13+$0x0], $0xffff  }
0x176: {  	v62 =	vld.idx.msk [tilespmem:v58+s12+$0x0], $0xffff;
	v2 =	vadd.f32 v3, v2;
	v3 =	vmul.f32 v4, v57  }
0x177: {  	v63 =	vor.u32 $0x29, v1;
	v4 =	vld.idx.msk [tilespmem:v58+s13+$0x0], $0xffff  }
0x178: {  	v16 =	vld.idx.msk [tilespmem:v6+s12+$0x0], $0xffff;
	v2 =	vadd.f32 v3, v2;
	v3 =	vmul.f32 v5, v59  }
0x179: {  	v5 =	vld.idx.msk [tilespmem:v6+s13+$0x0], $0xffff;
	v6 =	vor.u32 $0x2A, v1  }
0x17a: {  	v17 =	vld.idx.msk [tilespmem:v61+s12+$0x0], $0xffff;
	v2 =	vadd.f32 v3, v2;
	v3 =	vmul.f32 v7, v60  }
0x17b: {  	v18 =	vor.u32 $0x2B, v1;
	v7 =	vld.idx.msk [tilespmem:v61+s13+$0x0], $0xffff  }
0x17c: {  	v19 =	vld.idx.msk [tilespmem:v63+s12+$0x0], $0xffff;
	v2 =	vadd.f32 v3, v2;
	v3 =	vmul.f32 v4, v62  }
0x17d: {  	v20 =	vor.u32 $0x2C, v1;
	v4 =	vld.idx.msk [tilespmem:v63+s13+$0x0], $0xffff  }
0x17e: {  	v21 =	vld.idx.msk [tilespmem:v6+s12+$0x0], $0xffff;
	v2 =	vadd.f32 v3, v2;
	v3 =	vmul.f32 v5, v16  }
0x17f: {  	v5 =	vld.idx.msk [tilespmem:v6+s13+$0x0], $0xffff;
	v6 =	vor.u32 $0x2D, v1  }
0x180: {  	v22 =	vld.idx.msk [tilespmem:v18+s12+$0x0], $0xffff;
	v2 =	vadd.f32 v3, v2;
	v3 =	vmul.f32 v7, v17  }
0x181: {  	v23 =	vor.u32 $0x2E, v1;
	v7 =	vld.idx.msk [tilespmem:v18+s13+$0x0], $0xffff  }
0x182: {  	v24 =	vld.idx.msk [tilespmem:v20+s12+$0x0], $0xffff;
	v2 =	vadd.f32 v3, v2;
	v3 =	vmul.f32 v4, v19  }
0x183: {  	v25 =	vor.u32 $0x2F, v1;
	v4 =	vld.idx.msk [tilespmem:v20+s13+$0x0], $0xffff  }
0x184: {  	v26 =	vld.idx.msk [tilespmem:v6+s12+$0x0], $0xffff;
	v2 =	vadd.f32 v3, v2;
	v3 =	vmul.f32 v5, v21  }
0x185: {  	v5 =	vld.idx.msk [tilespmem:v6+s13+$0x0], $0xffff;
	v6 =	vor.u32 $0x30, v1  }
0x186: {  	v27 =	vld.idx.msk [tilespmem:v23+s12+$0x0], $0xffff;
	v2 =	vadd.f32 v3, v2;
	v3 =	vmul.f32 v7, v22  }
0x187: {  	v28 =	vor.u32 $0x31, v1;
	v7 =	vld.idx.msk [tilespmem:v23+s13+$0x0], $0xffff  }
0x188: {  	v29 =	vld.idx.msk [tilespmem:v25+s12+$0x0], $0xffff;
	v2 =	vadd.f32 v3, v2;
	v3 =	vmul.f32 v4, v24  }
0x189: {  	v30 =	vor.u32 $0x32, v1;
	v4 =	vld.idx.msk [tilespmem:v25+s13+$0x0], $0xffff  }
0x18a: {  	v31 =	vld.idx.msk [tilespmem:v6+s12+$0x0], $0xffff;
	v2 =	vadd.f32 v3, v2;
	v3 =	vmul.f32 v5, v26  }
0x18b: {  	v5 =	vld.idx.msk [tilespmem:v6+s13+$0x0], $0xffff;
	v6 =	vor.u32 $0x33, v1  }
0x18c: {  	v32 =	vld.idx.msk [tilespmem:v28+s12+$0x0], $0xffff;
	v2 =	vadd.f32 v3, v2;
	v3 =	vmul.f32 v7, v27  }
0x18d: {  	v33 =	vor.u32 $0x34, v1;
	v7 =	vld.idx.msk [tilespmem:v28+s13+$0x0], $0xffff  }
0x18e: {  	v34 =	vld.idx.msk [tilespmem:v30+s12+$0x0], $0xffff;
	v2 =	vadd.f32 v3, v2;
	v3 =	vmul.f32 v4, v29  }
0x18f: {  	v35 =	vor.u32 $0x35, v1;
	v4 =	vld.idx.msk [tilespmem:v30+s13+$0x0], $0xffff  }
0x190: {  	v36 =	vld.idx.msk [tilespmem:v6+s12+$0x0], $0xffff;
	v2 =	vadd.f32 v3, v2;
	v3 =	vmul.f32 v5, v31  }
0x191: {  	v5 =	vld.idx.msk [tilespmem:v6+s13+$0x0], $0xffff;
	v6 =	vor.u32 $0x36, v1  }
0x192: {  	v37 =	vld.idx.msk [tilespmem:v33+s12+$0x0], $0xffff;
	v2 =	vadd.f32 v3, v2;
	v3 =	vmul.f32 v7, v32  }
0x193: {  	v38 =	vor.u32 $0x37, v1;
	v7 =	vld.idx.msk [tilespmem:v33+s13+$0x0], $0xffff  }
0x194: {  	v39 =	vld.idx.msk [tilespmem:v35+s12+$0x0], $0xffff;
	v2 =	vadd.f32 v3, v2;
	v3 =	vmul.f32 v4, v34  }
0x195: {  	v40 =	vor.u32 $0x38, v1;
	v4 =	vld.idx.msk [tilespmem:v35+s13+$0x0], $0xffff  }
0x196: {  	v41 =	vld.idx.msk [tilespmem:v6+s12+$0x0], $0xffff;
	v2 =	vadd.f32 v3, v2;
	v3 =	vmul.f32 v5, v36  }
0x197: {  	v5 =	vld.idx.msk [tilespmem:v6+s13+$0x0], $0xffff;
	v6 =	vor.u32 $0x39, v1  }
0x198: {  	v42 =	vld.idx.msk [tilespmem:v38+s12+$0x0], $0xffff;
	v2 =	vadd.f32 v3, v2;
	v3 =	vmul.f32 v7, v37  }
0x199: {  	v43 =	vor.u32 $0x3A, v1;
	v7 =	vld.idx.msk [tilespmem:v38+s13+$0x0], $0xffff  }
0x19a: {  	v44 =	vld.idx.msk [tilespmem:v40+s12+$0x0], $0xffff;
	v2 =	vadd.f32 v3, v2;
	v3 =	vmul.f32 v4, v39  }
0x19b: {  	v45 =	vor.u32 $0x3B, v1;
	v4 =	vld.idx.msk [tilespmem:v40+s13+$0x0], $0xffff  }
0x19c: {  	v46 =	vld.idx.msk [tilespmem:v6+s12+$0x0], $0xffff;
	v2 =	vadd.f32 v3, v2;
	v3 =	vmul.f32 v5, v41  }
0x19d: {  	v5 =	vld.idx.msk [tilespmem:v6+s13+$0x0], $0xffff;
	v6 =	vor.u32 $0x3C, v1  }
0x19e: {  	v47 =	vld.idx.msk [tilespmem:v43+s12+$0x0], $0xffff;
	v2 =	vadd.f32 v3, v2;
	v3 =	vmul.f32 v7, v42  }
0x19f: {  	v48 =	vor.u32 $0x3D, v1;
	v7 =	vld.idx.msk [tilespmem:v43+s13+$0x0], $0xffff  }
0x1a0: {  	v49 =	vld.idx.msk [tilespmem:v45+s12+$0x0], $0xffff;
	v2 =	vadd.f32 v3, v2;
	v3 =	vmul.f32 v4, v44  }
0x1a1: {  	v50 =	vor.u32 $0x3E, v1;
	v4 =	vld.idx.msk [tilespmem:v45+s13+$0x0], $0xffff  }
0x1a2: {  	v51 =	vld.idx.msk [tilespmem:v6+s12+$0x0], $0xffff;
	v2 =	vadd.f32 v3, v2;
	v3 =	vmul.f32 v5, v46  }
0x1a3: {  	v5 =	vld.idx.msk [tilespmem:v6+s13+$0x0], $0xffff;
	v6 =	vor.u32 $0x3F, v1  }
0x1a4: {  	v52 =	vld.idx.msk [tilespmem:v48+s12+$0x0], $0xffff;
	v2 =	vadd.f32 v3, v2;
	v3 =	vmul.f32 v7, v47  }
0x1a5: {  	v53 =	vor.u32 $0x40, v1;
	v7 =	vld.idx.msk [tilespmem:v48+s13+$0x0], $0xffff  }
0x1a6: {  	v54 =	vld.idx.msk [tilespmem:v50+s12+$0x0], $0xffff;
	v2 =	vadd.f32 v3, v2;
	v3 =	vmul.f32 v4, v49  }
0x1a7: {  	v55 =	vor.u32 $0x41, v1;
	v4 =	vld.idx.msk [tilespmem:v50+s13+$0x0], $0xffff  }
0x1a8: {  	v56 =	vld.idx.msk [tilespmem:v6+s12+$0x0], $0xffff;
	v2 =	vadd.f32 v3, v2;
	v3 =	vmul.f32 v5, v51  }
0x1a9: {  	v5 =	vld.idx.msk [tilespmem:v6+s13+$0x0], $0xffff;
	v6 =	vor.u32 $0x42, v1  }
0x1aa: {  	v57 =	vld.idx.msk [tilespmem:v53+s12+$0x0], $0xffff;
	v2 =	vadd.f32 v3, v2;
	v3 =	vmul.f32 v7, v52  }
0x1ab: {  	v58 =	vor.u32 $0x43, v1;
	v7 =	vld.idx.msk [tilespmem:v53+s13+$0x0], $0xffff  }
0x1ac: {  	v59 =	vld.idx.msk [tilespmem:v55+s12+$0x0], $0xffff;
	v2 =	vadd.f32 v3, v2;
	v3 =	vmul.f32 v4, v54  }
0x1ad: {  	v60 =	vor.u32 $0x44, v1;
	v4 =	vld.idx.msk [tilespmem:v55+s13+$0x0], $0xffff  }
0x1ae: {  	v61 =	vld.idx.msk [tilespmem:v6+s12+$0x0], $0xffff;
	v2 =	vadd.f32 v3, v2;
	v3 =	vmul.f32 v5, v56  }
0x1af: {  	v5 =	vld.idx.msk [tilespmem:v6+s13+$0x0], $0xffff;
	v6 =	vor.u32 $0x45, v1  }
0x1b0: {  	v62 =	vld.idx.msk [tilespmem:v58+s12+$0x0], $0xffff;
	v2 =	vadd.f32 v3, v2;
	v3 =	vmul.f32 v7, v57  }
0x1b1: {  	v63 =	vor.u32 $0x46, v1;
	v7 =	vld.idx.msk [tilespmem:v58+s13+$0x0], $0xffff  }
0x1b2: {  	v16 =	vld.idx.msk [tilespmem:v60+s12+$0x0], $0xffff;
	v2 =	vadd.f32 v3, v2;
	v3 =	vmul.f32 v4, v59  }
0x1b3: {  	v17 =	vor.u32 $0x47, v1;
	v4 =	vld.idx.msk [tilespmem:v60+s13+$0x0], $0xffff  }
0x1b4: {  	v18 =	vld.idx.msk [tilespmem:v6+s12+$0x0], $0xffff;
	v2 =	vadd.f32 v3, v2;
	v3 =	vmul.f32 v5, v61  }
0x1b5: {  	v5 =	vld.idx.msk [tilespmem:v6+s13+$0x0], $0xffff;
	v6 =	vor.u32 $0x48, v1  }
0x1b6: {  	v19 =	vld.idx.msk [tilespmem:v63+s12+$0x0], $0xffff;
	v2 =	vadd.f32 v3, v2;
	v3 =	vmul.f32 v7, v62  }
0x1b7: {  	v20 =	vor.u32 $0x49, v1;
	v7 =	vld.idx.msk [tilespmem:v63+s13+$0x0], $0xffff  }
0x1b8: {  	v21 =	vld.idx.msk [tilespmem:v17+s12+$0x0], $0xffff;
	v2 =	vadd.f32 v3, v2;
	v3 =	vmul.f32 v4, v16  }
0x1b9: {  	v22 =	vor.u32 $0x4A, v1;
	v4 =	vld.idx.msk [tilespmem:v17+s13+$0x0], $0xffff  }
0x1ba: {  	v23 =	vld.idx.msk [tilespmem:v6+s12+$0x0], $0xffff;
	v2 =	vadd.f32 v3, v2;
	v3 =	vmul.f32 v5, v18  }
0x1bb: {  	v5 =	vld.idx.msk [tilespmem:v6+s13+$0x0], $0xffff;
	v6 =	vor.u32 $0x4B, v1  }
0x1bc: {  	v24 =	vld.idx.msk [tilespmem:v20+s12+$0x0], $0xffff;
	v2 =	vadd.f32 v3, v2;
	v3 =	vmul.f32 v7, v19  }
0x1bd: {  	v25 =	vor.u32 $0x4C, v1;
	v7 =	vld.idx.msk [tilespmem:v20+s13+$0x0], $0xffff  }
0x1be: {  	v26 =	vld.idx.msk [tilespmem:v22+s12+$0x0], $0xffff;
	v2 =	vadd.f32 v3, v2;
	v3 =	vmul.f32 v4, v21  }
0x1bf: {  	v27 =	vor.u32 $0x4D, v1;
	v4 =	vld.idx.msk [tilespmem:v22+s13+$0x0], $0xffff  }
0x1c0: {  	v28 =	vld.idx.msk [tilespmem:v6+s12+$0x0], $0xffff;
	v2 =	vadd.f32 v3, v2;
	v3 =	vmul.f32 v5, v23  }
0x1c1: {  	v5 =	vld.idx.msk [tilespmem:v6+s13+$0x0], $0xffff;
	v6 =	vor.u32 $0x4E, v1  }
0x1c2: {  	v29 =	vld.idx.msk [tilespmem:v25+s12+$0x0], $0xffff;
	v2 =	vadd.f32 v3, v2;
	v3 =	vmul.f32 v7, v24  }
0x1c3: {  	v30 =	vor.u32 $0x4F, v1;
	v7 =	vld.idx.msk [tilespmem:v25+s13+$0x0], $0xffff  }
0x1c4: {  	v31 =	vld.idx.msk [tilespmem:v27+s12+$0x0], $0xffff;
	v2 =	vadd.f32 v3, v2;
	v3 =	vmul.f32 v4, v26  }
0x1c5: {  	v32 =	vor.u32 $0x50, v1;
	v4 =	vld.idx.msk [tilespmem:v27+s13+$0x0], $0xffff  }
0x1c6: {  	v33 =	vld.idx.msk [tilespmem:v6+s12+$0x0], $0xffff;
	v2 =	vadd.f32 v3, v2;
	v3 =	vmul.f32 v5, v28  }
0x1c7: {  	v5 =	vld.idx.msk [tilespmem:v6+s13+$0x0], $0xffff;
	v6 =	vor.u32 $0x51, v1  }
0x1c8: {  	v34 =	vld.idx.msk [tilespmem:v30+s12+$0x0], $0xffff;
	v2 =	vadd.f32 v3, v2;
	v3 =	vmul.f32 v7, v29  }
0x1c9: {  	v35 =	vor.u32 $0x52, v1;
	v7 =	vld.idx.msk [tilespmem:v30+s13+$0x0], $0xffff  }
0x1ca: {  	v36 =	vld.idx.msk [tilespmem:v32+s12+$0x0], $0xffff;
	v2 =	vadd.f32 v3, v2;
	v3 =	vmul.f32 v4, v31  }
0x1cb: {  	v37 =	vor.u32 $0x53, v1;
	v4 =	vld.idx.msk [tilespmem:v32+s13+$0x0], $0xffff  }
0x1cc: {  	v38 =	vld.idx.msk [tilespmem:v6+s12+$0x0], $0xffff;
	v2 =	vadd.f32 v3, v2;
	v3 =	vmul.f32 v5, v33  }
0x1cd: {  	v5 =	vld.idx.msk [tilespmem:v6+s13+$0x0], $0xffff;
	v6 =	vor.u32 $0x54, v1  }
0x1ce: {  	v39 =	vld.idx.msk [tilespmem:v35+s12+$0x0], $0xffff;
	v2 =	vadd.f32 v3, v2;
	v3 =	vmul.f32 v7, v34  }
0x1cf: {  	v40 =	vor.u32 $0x55, v1;
	v7 =	vld.idx.msk [tilespmem:v35+s13+$0x0], $0xffff  }
0x1d0: {  	v41 =	vld.idx.msk [tilespmem:v37+s12+$0x0], $0xffff;
	v2 =	vadd.f32 v3, v2;
	v3 =	vmul.f32 v4, v36  }
0x1d1: {  	v42 =	vor.u32 $0x56, v1;
	v4 =	vld.idx.msk [tilespmem:v37+s13+$0x0], $0xffff  }
0x1d2: {  	v43 =	vld.idx.msk [tilespmem:v6+s12+$0x0], $0xffff;
	v2 =	vadd.f32 v3, v2;
	v3 =	vmul.f32 v5, v38  }
0x1d3: {  	v5 =	vld.idx.msk [tilespmem:v6+s13+$0x0], $0xffff;
	v6 =	vor.u32 $0x57, v1  }
0x1d4: {  	v44 =	vld.idx.msk [tilespmem:v40+s12+$0x0], $0xffff;
	v2 =	vadd.f32 v3, v2;
	v3 =	vmul.f32 v7, v39  }
0x1d5: {  	v45 =	vor.u32 $0x58, v1;
	v7 =	vld.idx.msk [tilespmem:v40+s13+$0x0], $0xffff  }
0x1d6: {  	v46 =	vld.idx.msk [tilespmem:v42+s12+$0x0], $0xffff;
	v2 =	vadd.f32 v3, v2;
	v3 =	vmul.f32 v4, v41  }
0x1d7: {  	v47 =	vor.u32 $0x59, v1;
	v4 =	vld.idx.msk [tilespmem:v42+s13+$0x0], $0xffff  }
0x1d8: {  	v48 =	vld.idx.msk [tilespmem:v6+s12+$0x0], $0xffff;
	v2 =	vadd.f32 v3, v2;
	v3 =	vmul.f32 v5, v43  }
0x1d9: {  	v5 =	vld.idx.msk [tilespmem:v6+s13+$0x0], $0xffff;
	v6 =	vor.u32 $0x5A, v1  }
0x1da: {  	v49 =	vld.idx.msk [tilespmem:v45+s12+$0x0], $0xffff;
	v2 =	vadd.f32 v3, v2;
	v3 =	vmul.f32 v7, v44  }
0x1db: {  	v50 =	vor.u32 $0x5B, v1;
	v7 =	vld.idx.msk [tilespmem:v45+s13+$0x0], $0xffff  }
0x1dc: {  	v51 =	vld.idx.msk [tilespmem:v47+s12+$0x0], $0xffff;
	v2 =	vadd.f32 v3, v2;
	v3 =	vmul.f32 v4, v46  }
0x1dd: {  	v52 =	vor.u32 $0x5C, v1;
	v4 =	vld.idx.msk [tilespmem:v47+s13+$0x0], $0xffff  }
0x1de: {  	v53 =	vld.idx.msk [tilespmem:v6+s12+$0x0], $0xffff;
	v2 =	vadd.f32 v3, v2;
	v3 =	vmul.f32 v5, v48  }
0x1df: {  	v5 =	vld.idx.msk [tilespmem:v6+s13+$0x0], $0xffff;
	v6 =	vor.u32 $0x5D, v1  }
0x1e0: {  	v54 =	vld.idx.msk [tilespmem:v50+s12+$0x0], $0xffff;
	v2 =	vadd.f32 v3, v2;
	v3 =	vmul.f32 v7, v49  }
0x1e1: {  	v55 =	vor.u32 $0x5E, v1;
	v7 =	vld.idx.msk [tilespmem:v50+s13+$0x0], $0xffff  }
0x1e2: {  	v56 =	vld.idx.msk [tilespmem:v52+s12+$0x0], $0xffff;
	v2 =	vadd.f32 v3, v2;
	v3 =	vmul.f32 v4, v51  }
0x1e3: {  	v57 =	vor.u32 $0x5F, v1;
	v4 =	vld.idx.msk [tilespmem:v52+s13+$0x0], $0xffff  }
0x1e4: {  	v58 =	vld.idx.msk [tilespmem:v6+s12+$0x0], $0xffff;
	v2 =	vadd.f32 v3, v2;
	v3 =	vmul.f32 v5, v53  }
0x1e5: {  	v5 =	vld.idx.msk [tilespmem:v6+s13+$0x0], $0xffff;
	v6 =	vor.u32 $0x60, v1  }
0x1e6: {  	v59 =	vld.idx.msk [tilespmem:v55+s12+$0x0], $0xffff;
	v2 =	vadd.f32 v3, v2;
	v3 =	vmul.f32 v7, v54  }
0x1e7: {  	v60 =	vor.u32 $0x61, v1;
	v7 =	vld.idx.msk [tilespmem:v55+s13+$0x0], $0xffff  }
0x1e8: {  	v61 =	vld.idx.msk [tilespmem:v57+s12+$0x0], $0xffff;
	v2 =	vadd.f32 v3, v2;
	v3 =	vmul.f32 v4, v56  }
0x1e9: {  	v62 =	vor.u32 $0x62, v1;
	v4 =	vld.idx.msk [tilespmem:v57+s13+$0x0], $0xffff  }
0x1ea: {  	v63 =	vld.idx.msk [tilespmem:v6+s12+$0x0], $0xffff;
	v2 =	vadd.f32 v3, v2;
	v3 =	vmul.f32 v5, v58  }
0x1eb: {  	v5 =	vld.idx.msk [tilespmem:v6+s13+$0x0], $0xffff;
	v6 =	vor.u32 $0x63, v1  }
0x1ec: {  	v16 =	vld.idx.msk [tilespmem:v60+s12+$0x0], $0xffff;
	v2 =	vadd.f32 v3, v2;
	v3 =	vmul.f32 v7, v59  }
0x1ed: {  	v17 =	vor.u32 $0x64, v1;
	v7 =	vld.idx.msk [tilespmem:v60+s13+$0x0], $0xffff  }
0x1ee: {  	v18 =	vld.idx.msk [tilespmem:v62+s12+$0x0], $0xffff;
	v2 =	vadd.f32 v3, v2;
	v3 =	vmul.f32 v4, v61  }
0x1ef: {  	v19 =	vor.u32 $0x65, v1;
	v4 =	vld.idx.msk [tilespmem:v62+s13+$0x0], $0xffff  }
0x1f0: {  	v20 =	vld.idx.msk [tilespmem:v6+s12+$0x0], $0xffff;
	v2 =	vadd.f32 v3, v2;
	v3 =	vmul.f32 v5, v63  }
0x1f1: {  	v5 =	vld.idx.msk [tilespmem:v6+s13+$0x0], $0xffff;
	v6 =	vor.u32 $0x66, v1  }
0x1f2: {  	v21 =	vld.idx.msk [tilespmem:v17+s12+$0x0], $0xffff;
	v2 =	vadd.f32 v3, v2;
	v3 =	vmul.f32 v7, v16  }
0x1f3: {  	v22 =	vor.u32 $0x67, v1;
	v7 =	vld.idx.msk [tilespmem:v17+s13+$0x0], $0xffff  }
0x1f4: {  	v23 =	vld.idx.msk [tilespmem:v19+s12+$0x0], $0xffff;
	v2 =	vadd.f32 v3, v2;
	v3 =	vmul.f32 v4, v18  }
0x1f5: {  	v24 =	vor.u32 $0x68, v1;
	v4 =	vld.idx.msk [tilespmem:v19+s13+$0x0], $0xffff  }
0x1f6: {  	v25 =	vld.idx.msk [tilespmem:v6+s12+$0x0], $0xffff;
	v2 =	vadd.f32 v3, v2;
	v3 =	vmul.f32 v5, v20  }
0x1f7: {  	v5 =	vld.idx.msk [tilespmem:v6+s13+$0x0], $0xffff;
	v6 =	vor.u32 $0x69, v1  }
0x1f8: {  	v26 =	vld.idx.msk [tilespmem:v22+s12+$0x0], $0xffff;
	v2 =	vadd.f32 v3, v2;
	v3 =	vmul.f32 v7, v21  }
0x1f9: {  	v27 =	vor.u32 $0x6A, v1;
	v7 =	vld.idx.msk [tilespmem:v22+s13+$0x0], $0xffff  }
0x1fa: {  	v28 =	vld.idx.msk [tilespmem:v24+s12+$0x0], $0xffff;
	v2 =	vadd.f32 v3, v2;
	v3 =	vmul.f32 v4, v23  }
0x1fb: {  	v29 =	vor.u32 $0x6B, v1;
	v4 =	vld.idx.msk [tilespmem:v24+s13+$0x0], $0xffff  }
0x1fc: {  	v30 =	vld.idx.msk [tilespmem:v6+s12+$0x0], $0xffff;
	v2 =	vadd.f32 v3, v2;
	v3 =	vmul.f32 v5, v25  }
0x1fd: {  	v5 =	vld.idx.msk [tilespmem:v6+s13+$0x0], $0xffff;
	v6 =	vor.u32 $0x6C, v1  }
0x1fe: {  	v31 =	vld.idx.msk [tilespmem:v27+s12+$0x0], $0xffff;
	v2 =	vadd.f32 v3, v2;
	v3 =	vmul.f32 v7, v26  }
0x1ff: {  	v32 =	vor.u32 $0x6D, v1;
	v7 =	vld.idx.msk [tilespmem:v27+s13+$0x0], $0xffff  }
0x200: {  	v33 =	vld.idx.msk [tilespmem:v29+s12+$0x0], $0xffff;
	v2 =	vadd.f32 v3, v2;
	v3 =	vmul.f32 v4, v28  }
0x201: {  	v34 =	vor.u32 $0x6E, v1;
	v4 =	vld.idx.msk [tilespmem:v29+s13+$0x0], $0xffff  }
0x202: {  	v35 =	vld.idx.msk [tilespmem:v6+s12+$0x0], $0xffff;
	v2 =	vadd.f32 v3, v2;
	v3 =	vmul.f32 v5, v30  }
0x203: {  	v5 =	vld.idx.msk [tilespmem:v6+s13+$0x0], $0xffff;
	v6 =	vor.u32 $0x6F, v1  }
0x204: {  	v36 =	vld.idx.msk [tilespmem:v32+s12+$0x0], $0xffff;
	v2 =	vadd.f32 v3, v2;
	v3 =	vmul.f32 v7, v31  }
0x205: {  	v37 =	vor.u32 $0x70, v1;
	v7 =	vld.idx.msk [tilespmem:v32+s13+$0x0], $0xffff  }
0x206: {  	v38 =	vld.idx.msk [tilespmem:v34+s12+$0x0], $0xffff;
	v2 =	vadd.f32 v3, v2;
	v3 =	vmul.f32 v4, v33  }
0x207: {  	v39 =	vor.u32 $0x71, v1;
	v4 =	vld.idx.msk [tilespmem:v34+s13+$0x0], $0xffff  }
0x208: {  	v40 =	vld.idx.msk [tilespmem:v6+s12+$0x0], $0xffff;
	v2 =	vadd.f32 v3, v2;
	v3 =	vmul.f32 v5, v35  }
0x209: {  	v5 =	vld.idx.msk [tilespmem:v6+s13+$0x0], $0xffff;
	v6 =	vor.u32 $0x72, v1  }
0x20a: {  	v41 =	vld.idx.msk [tilespmem:v37+s12+$0x0], $0xffff;
	v2 =	vadd.f32 v3, v2;
	v3 =	vmul.f32 v7, v36  }
0x20b: {  	v42 =	vor.u32 $0x73, v1;
	v7 =	vld.idx.msk [tilespmem:v37+s13+$0x0], $0xffff  }
0x20c: {  	v43 =	vld.idx.msk [tilespmem:v39+s12+$0x0], $0xffff;
	v2 =	vadd.f32 v3, v2;
	v3 =	vmul.f32 v4, v38  }
0x20d: {  	v44 =	vor.u32 $0x74, v1;
	v4 =	vld.idx.msk [tilespmem:v39+s13+$0x0], $0xffff  }
0x20e: {  	v45 =	vld.idx.msk [tilespmem:v6+s12+$0x0], $0xffff;
	v2 =	vadd.f32 v3, v2;
	v3 =	vmul.f32 v5, v40  }
0x20f: {  	v5 =	vld.idx.msk [tilespmem:v6+s13+$0x0], $0xffff;
	v6 =	vor.u32 $0x75, v1  }
0x210: {  	v46 =	vld.idx.msk [tilespmem:v42+s12+$0x0], $0xffff;
	v2 =	vadd.f32 v3, v2;
	v3 =	vmul.f32 v7, v41  }
0x211: {  	v47 =	vor.u32 $0x76, v1;
	v7 =	vld.idx.msk [tilespmem:v42+s13+$0x0], $0xffff  }
0x212: {  	v48 =	vld.idx.msk [tilespmem:v44+s12+$0x0], $0xffff;
	v2 =	vadd.f32 v3, v2;
	v3 =	vmul.f32 v4, v43  }
0x213: {  	v49 =	vor.u32 $0x77, v1;
	v4 =	vld.idx.msk [tilespmem:v44+s13+$0x0], $0xffff  }
0x214: {  	v50 =	vld.idx.msk [tilespmem:v6+s12+$0x0], $0xffff;
	v2 =	vadd.f32 v3, v2;
	v3 =	vmul.f32 v5, v45  }
0x215: {  	v5 =	vld.idx.msk [tilespmem:v6+s13+$0x0], $0xffff;
	v6 =	vor.u32 $0x78, v1  }
0x216: {  	v51 =	vld.idx.msk [tilespmem:v47+s12+$0x0], $0xffff;
	v2 =	vadd.f32 v3, v2;
	v3 =	vmul.f32 v7, v46  }
0x217: {  	v52 =	vor.u32 $0x79, v1;
	v7 =	vld.idx.msk [tilespmem:v47+s13+$0x0], $0xffff  }
0x218: {  	v53 =	vld.idx.msk [tilespmem:v49+s12+$0x0], $0xffff;
	v2 =	vadd.f32 v3, v2;
	v3 =	vmul.f32 v4, v48  }
0x219: {  	v54 =	vor.u32 $0x7A, v1;
	v4 =	vld.idx.msk [tilespmem:v49+s13+$0x0], $0xffff  }
0x21a: {  	v55 =	vld.idx.msk [tilespmem:v6+s12+$0x0], $0xffff;
	v2 =	vadd.f32 v3, v2;
	v3 =	vmul.f32 v5, v50  }
0x21b: {  	v5 =	vld.idx.msk [tilespmem:v6+s13+$0x0], $0xffff;
	v6 =	vor.u32 $0x7B, v1  }
0x21c: {  	v56 =	vld.idx.msk [tilespmem:v52+s12+$0x0], $0xffff;
	v2 =	vadd.f32 v3, v2;
	v3 =	vmul.f32 v7, v51  }
0x21d: {  	v57 =	vor.u32 $0x7C, v1;
	v7 =	vld.idx.msk [tilespmem:v52+s13+$0x0], $0xffff  }
0x21e: {  	v58 =	vld.idx.msk [tilespmem:v54+s12+$0x0], $0xffff;
	v2 =	vadd.f32 v3, v2;
	v3 =	vmul.f32 v4, v53  }
0x21f: {  	v4 =	vld.idx.msk [tilespmem:v54+s13+$0x0], $0xffff  }
0x220: {  	v60 =	vld.idx.msk [tilespmem:v6+s12+$0x0], $0xffff;
	v2 =	vadd.f32 v3, v2;
	v3 =	vmul.f32 v5, v55  }
0x221: {  	v59 =	vor.u32 $0x7D, v1;
	v5 =	vld.idx.msk [tilespmem:v6+s13+$0x0], $0xffff  }
0x222: {  	v61 =	vld.idx.msk [tilespmem:v57+s12+$0x0], $0xffff;
	v2 =	vadd.f32 v3, v2;
	v3 =	vmul.f32 v7, v56  }
0x223: {  	v6 =	vor.u32 $0x7E, v1;
	v7 =	vld.idx.msk [tilespmem:v57+s13+$0x0], $0xffff  }
0x224: {  	v2 =	vadd.f32 v3, v2;
	v3 =	vmul.f32 v4, v58  }
0x225: {  	v1 =	vor.u32 $0x7F, v1  }
0x226: {  	v62 =	vld.idx.msk [tilespmem:v59+s12+$0x0], $0xffff;
	v2 =	vadd.f32 v3, v2;
	v3 =	vmul.f32 v5, v60  }
0x227: {  	v4 =	vld.idx.msk [tilespmem:v59+s13+$0x0], $0xffff  }
0x228: {  	v63 =	vld.idx.msk [tilespmem:v6+s12+$0x0], $0xffff;
	v2 =	vadd.f32 v3, v2;
	v3 =	vmul.f32 v7, v61  }
0x229: {  	v5 =	vld.idx.msk [tilespmem:v6+s13+$0x0], $0xffff  }
0x22a: {  	v6 =	vadd.f32 v3, v2;
	v2 =	vld.idx.msk [tilespmem:v1+s12+$0x0], $0xffff  }
0x22b: {  	v3 =	vld.idx.msk [tilespmem:v1+s13+$0x0], $0xffff  }
0x22c: {  	v4 =	vmul.f32 v4, v62  }
0x22d: {  	s31 =	simm.s32 $0x20  }
0x22e: {  	v7 =	vmov s31;
	v5 =	vmul.f32 v5, v63;
	v4 =	vadd.f32 v4, v6  }
0x22f: {  	s21 =	simm.s32 $0x30;
	v1 =	vshll.u32 v7, $0x7  }
.LBB2_3:
0x230: {  	p0 =	sne.s32 s21, $0x180;
	v1 =	vor.u32 v0, v1;
	v4 =	vadd.f32 v5, v4;
	v2 =	vmul.f32 v3, v2;
	_ =	sdelay $0x1  }
0x231: {  	v3 =	vor.u32 $0x1, v1;
	v2 =	vadd.f32 v2, v4  }
0x232: {  	s20 =	sadd.s32 $0x10, s20  }
0x233: {  	v4 =	vor.u32 $0x2, v1;
	[tilespmem:s20+$0x0] =	vst v2  }
0x234: {  	v2 =	vld.idx.msk [tilespmem:v1+s13+$0x0], $0xffff  }
0x235: {  	v6 =	vor.u32 $0x3, v1;
	v5 =	vld.idx.msk [tilespmem:v1+s12+$0x0], $0xffff  }
0x236: {  	v7 =	vld.idx.msk [tilespmem:v3+s12+$0x0], $0xffff  }
0x237: {  	v8 =	vor.u32 $0x4, v1;
	v3 =	vld.idx.msk [tilespmem:v3+s13+$0x0], $0xffff  }
0x238: {  	v9 =	vld.idx.msk [tilespmem:v4+s12+$0x0], $0xffff  }
0x239: {  	v10 =	vor.u32 $0x5, v1;
	v4 =	vld.idx.msk [tilespmem:v4+s13+$0x0], $0xffff  }
0x23a: {  	v11 =	vld.idx.msk [tilespmem:v6+s12+$0x0], $0xffff  }
0x23b: {  	v2 =	vmul.f32 v2, v5;
	v5 =	vld.idx.msk [tilespmem:v6+s13+$0x0], $0xffff;
	v6 =	vor.u32 $0x6, v1  }
0x23c: {  	v12 =	vld.idx.msk [tilespmem:v8+s12+$0x0], $0xffff  }
0x23d: {  	v2 =	vadd.f32 $0.0e+00, v2;
	v3 =	vmul.f32 v3, v7;
	v7 =	vld.idx.msk [tilespmem:v8+s13+$0x0], $0xffff;
	v8 =	vor.u32 $0x7, v1  }
0x23e: {  	v13 =	vld.idx.msk [tilespmem:v10+s12+$0x0], $0xffff  }
0x23f: {  	v2 =	vadd.f32 v3, v2;
	v3 =	vmul.f32 v4, v9;
	v9 =	vor.u32 $0x8, v1;
	v4 =	vld.idx.msk [tilespmem:v10+s13+$0x0], $0xffff  }
0x240: {  	v10 =	vld.idx.msk [tilespmem:v6+s12+$0x0], $0xffff  }
0x241: {  	v2 =	vadd.f32 v3, v2;
	v3 =	vmul.f32 v5, v11;
	v5 =	vld.idx.msk [tilespmem:v6+s13+$0x0], $0xffff;
	v6 =	vor.u32 $0x9, v1  }
0x242: {  	v11 =	vld.idx.msk [tilespmem:v8+s12+$0x0], $0xffff  }
0x243: {  	v2 =	vadd.f32 v3, v2;
	v3 =	vmul.f32 v7, v12;
	v7 =	vld.idx.msk [tilespmem:v8+s13+$0x0], $0xffff;
	v8 =	vor.u32 $0xA, v1  }
0x244: {  	v12 =	vld.idx.msk [tilespmem:v9+s12+$0x0], $0xffff  }
0x245: {  	v2 =	vadd.f32 v3, v2;
	v3 =	vmul.f32 v4, v13;
	v4 =	vld.idx.msk [tilespmem:v9+s13+$0x0], $0xffff;
	v9 =	vor.u32 $0xB, v1  }
0x246: {  	v13 =	vld.idx.msk [tilespmem:v6+s12+$0x0], $0xffff  }
0x247: {  	v2 =	vadd.f32 v3, v2;
	v3 =	vmul.f32 v5, v10;
	v5 =	vld.idx.msk [tilespmem:v6+s13+$0x0], $0xffff;
	v6 =	vor.u32 $0xC, v1  }
0x248: {  	v10 =	vld.idx.msk [tilespmem:v8+s12+$0x0], $0xffff  }
0x249: {  	v2 =	vadd.f32 v3, v2;
	v3 =	vmul.f32 v7, v11;
	v7 =	vld.idx.msk [tilespmem:v8+s13+$0x0], $0xffff;
	v8 =	vor.u32 $0xD, v1  }
0x24a: {  	v11 =	vld.idx.msk [tilespmem:v9+s12+$0x0], $0xffff  }
0x24b: {  	v2 =	vadd.f32 v3, v2;
	v3 =	vmul.f32 v4, v12;
	v4 =	vld.idx.msk [tilespmem:v9+s13+$0x0], $0xffff;
	v9 =	vor.u32 $0xE, v1  }
0x24c: {  	v12 =	vld.idx.msk [tilespmem:v6+s12+$0x0], $0xffff  }
0x24d: {  	v2 =	vadd.f32 v3, v2;
	v3 =	vmul.f32 v5, v13;
	v5 =	vld.idx.msk [tilespmem:v6+s13+$0x0], $0xffff;
	v6 =	vor.u32 $0xF, v1  }
0x24e: {  	v13 =	vld.idx.msk [tilespmem:v8+s12+$0x0], $0xffff  }
0x24f: {  	v2 =	vadd.f32 v3, v2;
	v3 =	vmul.f32 v7, v10;
	v7 =	vld.idx.msk [tilespmem:v8+s13+$0x0], $0xffff;
	v8 =	vor.u32 $0x10, v1  }
0x250: {  	v10 =	vld.idx.msk [tilespmem:v9+s12+$0x0], $0xffff  }
0x251: {  	v2 =	vadd.f32 v3, v2;
	v3 =	vmul.f32 v4, v11;
	v4 =	vld.idx.msk [tilespmem:v9+s13+$0x0], $0xffff;
	v9 =	vor.u32 $0x11, v1  }
0x252: {  	v11 =	vld.idx.msk [tilespmem:v6+s12+$0x0], $0xffff  }
0x253: {  	v2 =	vadd.f32 v3, v2;
	v3 =	vmul.f32 v5, v12;
	v5 =	vld.idx.msk [tilespmem:v6+s13+$0x0], $0xffff;
	v6 =	vor.u32 $0x12, v1  }
0x254: {  	v12 =	vld.idx.msk [tilespmem:v8+s12+$0x0], $0xffff  }
0x255: {  	v2 =	vadd.f32 v3, v2;
	v3 =	vmul.f32 v7, v13;
	v7 =	vld.idx.msk [tilespmem:v8+s13+$0x0], $0xffff;
	v8 =	vor.u32 $0x13, v1  }
0x256: {  	v13 =	vld.idx.msk [tilespmem:v9+s12+$0x0], $0xffff  }
0x257: {  	v2 =	vadd.f32 v3, v2;
	v3 =	vmul.f32 v4, v10;
	v4 =	vld.idx.msk [tilespmem:v9+s13+$0x0], $0xffff;
	v9 =	vor.u32 $0x14, v1  }
0x258: {  	v10 =	vld.idx.msk [tilespmem:v6+s12+$0x0], $0xffff  }
0x259: {  	v2 =	vadd.f32 v3, v2;
	v3 =	vmul.f32 v5, v11;
	v5 =	vld.idx.msk [tilespmem:v6+s13+$0x0], $0xffff;
	v6 =	vor.u32 $0x15, v1  }
0x25a: {  	v11 =	vld.idx.msk [tilespmem:v8+s12+$0x0], $0xffff  }
0x25b: {  	v2 =	vadd.f32 v3, v2;
	v3 =	vmul.f32 v7, v12;
	v7 =	vld.idx.msk [tilespmem:v8+s13+$0x0], $0xffff;
	v8 =	vor.u32 $0x16, v1  }
0x25c: {  	v12 =	vld.idx.msk [tilespmem:v9+s12+$0x0], $0xffff  }
0x25d: {  	v2 =	vadd.f32 v3, v2;
	v3 =	vmul.f32 v4, v13;
	v4 =	vld.idx.msk [tilespmem:v9+s13+$0x0], $0xffff;
	v9 =	vor.u32 $0x17, v1  }
0x25e: {  	v13 =	vld.idx.msk [tilespmem:v6+s12+$0x0], $0xffff  }
0x25f: {  	v2 =	vadd.f32 v3, v2;
	v3 =	vmul.f32 v5, v10;
	v5 =	vld.idx.msk [tilespmem:v6+s13+$0x0], $0xffff;
	v6 =	vor.u32 $0x18, v1  }
0x260: {  	v10 =	vld.idx.msk [tilespmem:v8+s12+$0x0], $0xffff  }
0x261: {  	v2 =	vadd.f32 v3, v2;
	v3 =	vmul.f32 v7, v11;
	v7 =	vld.idx.msk [tilespmem:v8+s13+$0x0], $0xffff;
	v8 =	vor.u32 $0x19, v1  }
0x262: {  	v11 =	vld.idx.msk [tilespmem:v9+s12+$0x0], $0xffff  }
0x263: {  	v2 =	vadd.f32 v3, v2;
	v3 =	vmul.f32 v4, v12;
	v4 =	vld.idx.msk [tilespmem:v9+s13+$0x0], $0xffff;
	v9 =	vor.u32 $0x1A, v1  }
0x264: {  	v12 =	vld.idx.msk [tilespmem:v6+s12+$0x0], $0xffff  }
0x265: {  	v2 =	vadd.f32 v3, v2;
	v3 =	vmul.f32 v5, v13;
	v5 =	vld.idx.msk [tilespmem:v6+s13+$0x0], $0xffff;
	v6 =	vor.u32 $0x1B, v1  }
0x266: {  	v13 =	vld.idx.msk [tilespmem:v8+s12+$0x0], $0xffff  }
0x267: {  	v2 =	vadd.f32 v3, v2;
	v3 =	vmul.f32 v7, v10;
	v7 =	vld.idx.msk [tilespmem:v8+s13+$0x0], $0xffff;
	v8 =	vor.u32 $0x1C, v1  }
0x268: {  	v10 =	vld.idx.msk [tilespmem:v9+s12+$0x0], $0xffff  }
0x269: {  	v2 =	vadd.f32 v3, v2;
	v3 =	vmul.f32 v4, v11;
	v4 =	vld.idx.msk [tilespmem:v9+s13+$0x0], $0xffff;
	v9 =	vor.u32 $0x1D, v1  }
0x26a: {  	v11 =	vld.idx.msk [tilespmem:v6+s12+$0x0], $0xffff  }
0x26b: {  	v2 =	vadd.f32 v3, v2;
	v3 =	vmul.f32 v5, v12;
	v5 =	vld.idx.msk [tilespmem:v6+s13+$0x0], $0xffff;
	v6 =	vor.u32 $0x1E, v1  }
0x26c: {  	v12 =	vld.idx.msk [tilespmem:v8+s12+$0x0], $0xffff  }
0x26d: {  	v2 =	vadd.f32 v3, v2;
	v3 =	vmul.f32 v7, v13;
	v7 =	vld.idx.msk [tilespmem:v8+s13+$0x0], $0xffff;
	v8 =	vor.u32 $0x1F, v1  }
0x26e: {  	v13 =	vld.idx.msk [tilespmem:v9+s12+$0x0], $0xffff  }
0x26f: {  	v2 =	vadd.f32 v3, v2;
	v3 =	vmul.f32 v4, v10;
	v4 =	vld.idx.msk [tilespmem:v9+s13+$0x0], $0xffff;
	v9 =	vor.u32 $0x20, v1  }
0x270: {  	v10 =	vld.idx.msk [tilespmem:v6+s12+$0x0], $0xffff  }
0x271: {  	v2 =	vadd.f32 v3, v2;
	v3 =	vmul.f32 v5, v11;
	v5 =	vld.idx.msk [tilespmem:v6+s13+$0x0], $0xffff;
	v6 =	vor.u32 $0x21, v1  }
0x272: {  	v11 =	vld.idx.msk [tilespmem:v8+s12+$0x0], $0xffff  }
0x273: {  	v2 =	vadd.f32 v3, v2;
	v3 =	vmul.f32 v7, v12;
	v7 =	vld.idx.msk [tilespmem:v8+s13+$0x0], $0xffff;
	v8 =	vor.u32 $0x22, v1  }
0x274: {  	v12 =	vld.idx.msk [tilespmem:v9+s12+$0x0], $0xffff  }
0x275: {  	v2 =	vadd.f32 v3, v2;
	v3 =	vmul.f32 v4, v13;
	v4 =	vld.idx.msk [tilespmem:v9+s13+$0x0], $0xffff;
	v9 =	vor.u32 $0x23, v1  }
0x276: {  	v13 =	vld.idx.msk [tilespmem:v6+s12+$0x0], $0xffff  }
0x277: {  	v2 =	vadd.f32 v3, v2;
	v3 =	vmul.f32 v5, v10;
	v5 =	vld.idx.msk [tilespmem:v6+s13+$0x0], $0xffff;
	v6 =	vor.u32 $0x24, v1  }
0x278: {  	v10 =	vld.idx.msk [tilespmem:v8+s12+$0x0], $0xffff  }
0x279: {  	v2 =	vadd.f32 v3, v2;
	v3 =	vmul.f32 v7, v11;
	v7 =	vld.idx.msk [tilespmem:v8+s13+$0x0], $0xffff;
	v8 =	vor.u32 $0x25, v1  }
0x27a: {  	v11 =	vld.idx.msk [tilespmem:v9+s12+$0x0], $0xffff  }
0x27b: {  	v2 =	vadd.f32 v3, v2;
	v3 =	vmul.f32 v4, v12;
	v4 =	vld.idx.msk [tilespmem:v9+s13+$0x0], $0xffff;
	v9 =	vor.u32 $0x26, v1  }
0x27c: {  	v12 =	vld.idx.msk [tilespmem:v6+s12+$0x0], $0xffff  }
0x27d: {  	v2 =	vadd.f32 v3, v2;
	v3 =	vmul.f32 v5, v13;
	v5 =	vld.idx.msk [tilespmem:v6+s13+$0x0], $0xffff;
	v6 =	vor.u32 $0x27, v1  }
0x27e: {  	v13 =	vld.idx.msk [tilespmem:v8+s12+$0x0], $0xffff  }
0x27f: {  	v2 =	vadd.f32 v3, v2;
	v3 =	vmul.f32 v7, v10;
	v7 =	vld.idx.msk [tilespmem:v8+s13+$0x0], $0xffff;
	v8 =	vor.u32 $0x28, v1  }
0x280: {  	v10 =	vld.idx.msk [tilespmem:v9+s12+$0x0], $0xffff  }
0x281: {  	v2 =	vadd.f32 v3, v2;
	v3 =	vmul.f32 v4, v11;
	v4 =	vld.idx.msk [tilespmem:v9+s13+$0x0], $0xffff;
	v9 =	vor.u32 $0x29, v1  }
0x282: {  	v11 =	vld.idx.msk [tilespmem:v6+s12+$0x0], $0xffff  }
0x283: {  	v2 =	vadd.f32 v3, v2;
	v3 =	vmul.f32 v5, v12;
	v5 =	vld.idx.msk [tilespmem:v6+s13+$0x0], $0xffff;
	v6 =	vor.u32 $0x2A, v1  }
0x284: {  	v12 =	vld.idx.msk [tilespmem:v8+s12+$0x0], $0xffff  }
0x285: {  	v2 =	vadd.f32 v3, v2;
	v3 =	vmul.f32 v7, v13;
	v7 =	vld.idx.msk [tilespmem:v8+s13+$0x0], $0xffff;
	v8 =	vor.u32 $0x2B, v1  }
0x286: {  	v13 =	vld.idx.msk [tilespmem:v9+s12+$0x0], $0xffff  }
0x287: {  	v2 =	vadd.f32 v3, v2;
	v3 =	vmul.f32 v4, v10;
	v4 =	vld.idx.msk [tilespmem:v9+s13+$0x0], $0xffff;
	v9 =	vor.u32 $0x2C, v1  }
0x288: {  	v10 =	vld.idx.msk [tilespmem:v6+s12+$0x0], $0xffff  }
0x289: {  	v2 =	vadd.f32 v3, v2;
	v3 =	vmul.f32 v5, v11;
	v5 =	vld.idx.msk [tilespmem:v6+s13+$0x0], $0xffff;
	v6 =	vor.u32 $0x2D, v1  }
0x28a: {  	v11 =	vld.idx.msk [tilespmem:v8+s12+$0x0], $0xffff  }
0x28b: {  	v2 =	vadd.f32 v3, v2;
	v3 =	vmul.f32 v7, v12;
	v7 =	vld.idx.msk [tilespmem:v8+s13+$0x0], $0xffff;
	v8 =	vor.u32 $0x2E, v1  }
0x28c: {  	v12 =	vld.idx.msk [tilespmem:v9+s12+$0x0], $0xffff  }
0x28d: {  	v2 =	vadd.f32 v3, v2;
	v3 =	vmul.f32 v4, v13;
	v4 =	vld.idx.msk [tilespmem:v9+s13+$0x0], $0xffff;
	v9 =	vor.u32 $0x2F, v1  }
0x28e: {  	v13 =	vld.idx.msk [tilespmem:v6+s12+$0x0], $0xffff  }
0x28f: {  	v2 =	vadd.f32 v3, v2;
	v3 =	vmul.f32 v5, v10;
	v5 =	vld.idx.msk [tilespmem:v6+s13+$0x0], $0xffff;
	v6 =	vor.u32 $0x30, v1  }
0x290: {  	v10 =	vld.idx.msk [tilespmem:v8+s12+$0x0], $0xffff  }
0x291: {  	v2 =	vadd.f32 v3, v2;
	v3 =	vmul.f32 v7, v11;
	v7 =	vld.idx.msk [tilespmem:v8+s13+$0x0], $0xffff;
	v8 =	vor.u32 $0x31, v1  }
0x292: {  	v11 =	vld.idx.msk [tilespmem:v9+s12+$0x0], $0xffff  }
0x293: {  	v2 =	vadd.f32 v3, v2;
	v3 =	vmul.f32 v4, v12;
	v4 =	vld.idx.msk [tilespmem:v9+s13+$0x0], $0xffff;
	v9 =	vor.u32 $0x32, v1  }
0x294: {  	v12 =	vld.idx.msk [tilespmem:v6+s12+$0x0], $0xffff  }
0x295: {  	v2 =	vadd.f32 v3, v2;
	v3 =	vmul.f32 v5, v13;
	v5 =	vld.idx.msk [tilespmem:v6+s13+$0x0], $0xffff;
	v6 =	vor.u32 $0x33, v1  }
0x296: {  	v13 =	vld.idx.msk [tilespmem:v8+s12+$0x0], $0xffff  }
0x297: {  	v2 =	vadd.f32 v3, v2;
	v3 =	vmul.f32 v7, v10;
	v7 =	vld.idx.msk [tilespmem:v8+s13+$0x0], $0xffff;
	v8 =	vor.u32 $0x34, v1  }
0x298: {  	v10 =	vld.idx.msk [tilespmem:v9+s12+$0x0], $0xffff  }
0x299: {  	v2 =	vadd.f32 v3, v2;
	v3 =	vmul.f32 v4, v11;
	v4 =	vld.idx.msk [tilespmem:v9+s13+$0x0], $0xffff;
	v9 =	vor.u32 $0x35, v1  }
0x29a: {  	v11 =	vld.idx.msk [tilespmem:v6+s12+$0x0], $0xffff  }
0x29b: {  	v2 =	vadd.f32 v3, v2;
	v3 =	vmul.f32 v5, v12;
	v5 =	vld.idx.msk [tilespmem:v6+s13+$0x0], $0xffff;
	v6 =	vor.u32 $0x36, v1  }
0x29c: {  	v12 =	vld.idx.msk [tilespmem:v8+s12+$0x0], $0xffff  }
0x29d: {  	v2 =	vadd.f32 v3, v2;
	v3 =	vmul.f32 v7, v13;
	v7 =	vld.idx.msk [tilespmem:v8+s13+$0x0], $0xffff;
	v8 =	vor.u32 $0x37, v1  }
0x29e: {  	v13 =	vld.idx.msk [tilespmem:v9+s12+$0x0], $0xffff  }
0x29f: {  	v2 =	vadd.f32 v3, v2;
	v3 =	vmul.f32 v4, v10;
	v4 =	vld.idx.msk [tilespmem:v9+s13+$0x0], $0xffff;
	v9 =	vor.u32 $0x38, v1  }
0x2a0: {  	v10 =	vld.idx.msk [tilespmem:v6+s12+$0x0], $0xffff  }
0x2a1: {  	v2 =	vadd.f32 v3, v2;
	v3 =	vmul.f32 v5, v11;
	v5 =	vld.idx.msk [tilespmem:v6+s13+$0x0], $0xffff;
	v6 =	vor.u32 $0x39, v1  }
0x2a2: {  	v11 =	vld.idx.msk [tilespmem:v8+s12+$0x0], $0xffff  }
0x2a3: {  	v2 =	vadd.f32 v3, v2;
	v3 =	vmul.f32 v7, v12;
	v7 =	vld.idx.msk [tilespmem:v8+s13+$0x0], $0xffff;
	v8 =	vor.u32 $0x3A, v1  }
0x2a4: {  	v12 =	vld.idx.msk [tilespmem:v9+s12+$0x0], $0xffff  }
0x2a5: {  	v2 =	vadd.f32 v3, v2;
	v3 =	vmul.f32 v4, v13;
	v4 =	vld.idx.msk [tilespmem:v9+s13+$0x0], $0xffff;
	v9 =	vor.u32 $0x3B, v1  }
0x2a6: {  	v13 =	vld.idx.msk [tilespmem:v6+s12+$0x0], $0xffff  }
0x2a7: {  	v2 =	vadd.f32 v3, v2;
	v3 =	vmul.f32 v5, v10;
	v5 =	vld.idx.msk [tilespmem:v6+s13+$0x0], $0xffff;
	v6 =	vor.u32 $0x3C, v1  }
0x2a8: {  	v10 =	vld.idx.msk [tilespmem:v8+s12+$0x0], $0xffff  }
0x2a9: {  	v2 =	vadd.f32 v3, v2;
	v3 =	vmul.f32 v7, v11;
	v7 =	vld.idx.msk [tilespmem:v8+s13+$0x0], $0xffff;
	v8 =	vor.u32 $0x3D, v1  }
0x2aa: {  	v11 =	vld.idx.msk [tilespmem:v9+s12+$0x0], $0xffff  }
0x2ab: {  	v2 =	vadd.f32 v3, v2;
	v3 =	vmul.f32 v4, v12;
	v4 =	vld.idx.msk [tilespmem:v9+s13+$0x0], $0xffff;
	v9 =	vor.u32 $0x3E, v1  }
0x2ac: {  	v12 =	vld.idx.msk [tilespmem:v6+s12+$0x0], $0xffff  }
0x2ad: {  	v2 =	vadd.f32 v3, v2;
	v3 =	vmul.f32 v5, v13;
	v5 =	vld.idx.msk [tilespmem:v6+s13+$0x0], $0xffff;
	v6 =	vor.u32 $0x3F, v1  }
0x2ae: {  	v13 =	vld.idx.msk [tilespmem:v8+s12+$0x0], $0xffff  }
0x2af: {  	v2 =	vadd.f32 v3, v2;
	v3 =	vmul.f32 v7, v10;
	v7 =	vld.idx.msk [tilespmem:v8+s13+$0x0], $0xffff;
	v8 =	vor.u32 $0x40, v1  }
0x2b0: {  	v10 =	vld.idx.msk [tilespmem:v9+s12+$0x0], $0xffff  }
0x2b1: {  	v2 =	vadd.f32 v3, v2;
	v3 =	vmul.f32 v4, v11;
	v4 =	vld.idx.msk [tilespmem:v9+s13+$0x0], $0xffff;
	v9 =	vor.u32 $0x41, v1  }
0x2b2: {  	v11 =	vld.idx.msk [tilespmem:v6+s12+$0x0], $0xffff  }
0x2b3: {  	v2 =	vadd.f32 v3, v2;
	v3 =	vmul.f32 v5, v12;
	v5 =	vld.idx.msk [tilespmem:v6+s13+$0x0], $0xffff;
	v6 =	vor.u32 $0x42, v1  }
0x2b4: {  	v12 =	vld.idx.msk [tilespmem:v8+s12+$0x0], $0xffff  }
0x2b5: {  	v2 =	vadd.f32 v3, v2;
	v3 =	vmul.f32 v7, v13;
	v7 =	vld.idx.msk [tilespmem:v8+s13+$0x0], $0xffff;
	v8 =	vor.u32 $0x43, v1  }
0x2b6: {  	v13 =	vld.idx.msk [tilespmem:v9+s12+$0x0], $0xffff  }
0x2b7: {  	v2 =	vadd.f32 v3, v2;
	v3 =	vmul.f32 v4, v10;
	v4 =	vld.idx.msk [tilespmem:v9+s13+$0x0], $0xffff;
	v9 =	vor.u32 $0x44, v1  }
0x2b8: {  	v10 =	vld.idx.msk [tilespmem:v6+s12+$0x0], $0xffff  }
0x2b9: {  	v2 =	vadd.f32 v3, v2;
	v3 =	vmul.f32 v5, v11;
	v5 =	vld.idx.msk [tilespmem:v6+s13+$0x0], $0xffff;
	v6 =	vor.u32 $0x45, v1  }
0x2ba: {  	v11 =	vld.idx.msk [tilespmem:v8+s12+$0x0], $0xffff  }
0x2bb: {  	v2 =	vadd.f32 v3, v2;
	v3 =	vmul.f32 v7, v12;
	v7 =	vld.idx.msk [tilespmem:v8+s13+$0x0], $0xffff;
	v8 =	vor.u32 $0x46, v1  }
0x2bc: {  	v12 =	vld.idx.msk [tilespmem:v9+s12+$0x0], $0xffff  }
0x2bd: {  	v2 =	vadd.f32 v3, v2;
	v3 =	vmul.f32 v4, v13;
	v4 =	vld.idx.msk [tilespmem:v9+s13+$0x0], $0xffff;
	v9 =	vor.u32 $0x47, v1  }
0x2be: {  	v13 =	vld.idx.msk [tilespmem:v6+s12+$0x0], $0xffff  }
0x2bf: {  	v2 =	vadd.f32 v3, v2;
	v3 =	vmul.f32 v5, v10;
	v5 =	vld.idx.msk [tilespmem:v6+s13+$0x0], $0xffff;
	v6 =	vor.u32 $0x48, v1  }
0x2c0: {  	v10 =	vld.idx.msk [tilespmem:v8+s12+$0x0], $0xffff  }
0x2c1: {  	v2 =	vadd.f32 v3, v2;
	v3 =	vmul.f32 v7, v11;
	v7 =	vld.idx.msk [tilespmem:v8+s13+$0x0], $0xffff;
	v8 =	vor.u32 $0x49, v1  }
0x2c2: {  	v11 =	vld.idx.msk [tilespmem:v9+s12+$0x0], $0xffff  }
0x2c3: {  	v2 =	vadd.f32 v3, v2;
	v3 =	vmul.f32 v4, v12;
	v4 =	vld.idx.msk [tilespmem:v9+s13+$0x0], $0xffff;
	v9 =	vor.u32 $0x4A, v1  }
0x2c4: {  	v12 =	vld.idx.msk [tilespmem:v6+s12+$0x0], $0xffff  }
0x2c5: {  	v2 =	vadd.f32 v3, v2;
	v3 =	vmul.f32 v5, v13;
	v5 =	vld.idx.msk [tilespmem:v6+s13+$0x0], $0xffff;
	v6 =	vor.u32 $0x4B, v1  }
0x2c6: {  	v13 =	vld.idx.msk [tilespmem:v8+s12+$0x0], $0xffff  }
0x2c7: {  	v2 =	vadd.f32 v3, v2;
	v3 =	vmul.f32 v7, v10;
	v7 =	vld.idx.msk [tilespmem:v8+s13+$0x0], $0xffff;
	v8 =	vor.u32 $0x4C, v1  }
0x2c8: {  	v10 =	vld.idx.msk [tilespmem:v9+s12+$0x0], $0xffff  }
0x2c9: {  	v2 =	vadd.f32 v3, v2;
	v3 =	vmul.f32 v4, v11;
	v4 =	vld.idx.msk [tilespmem:v9+s13+$0x0], $0xffff;
	v9 =	vor.u32 $0x4D, v1  }
0x2ca: {  	v11 =	vld.idx.msk [tilespmem:v6+s12+$0x0], $0xffff  }
0x2cb: {  	v2 =	vadd.f32 v3, v2;
	v3 =	vmul.f32 v5, v12;
	v5 =	vld.idx.msk [tilespmem:v6+s13+$0x0], $0xffff;
	v6 =	vor.u32 $0x4E, v1  }
0x2cc: {  	v12 =	vld.idx.msk [tilespmem:v8+s12+$0x0], $0xffff  }
0x2cd: {  	v2 =	vadd.f32 v3, v2;
	v3 =	vmul.f32 v7, v13;
	v7 =	vld.idx.msk [tilespmem:v8+s13+$0x0], $0xffff;
	v8 =	vor.u32 $0x4F, v1  }
0x2ce: {  	v13 =	vld.idx.msk [tilespmem:v9+s12+$0x0], $0xffff  }
0x2cf: {  	v2 =	vadd.f32 v3, v2;
	v3 =	vmul.f32 v4, v10;
	v4 =	vld.idx.msk [tilespmem:v9+s13+$0x0], $0xffff;
	v9 =	vor.u32 $0x50, v1  }
0x2d0: {  	v10 =	vld.idx.msk [tilespmem:v6+s12+$0x0], $0xffff  }
0x2d1: {  	v2 =	vadd.f32 v3, v2;
	v3 =	vmul.f32 v5, v11;
	v5 =	vld.idx.msk [tilespmem:v6+s13+$0x0], $0xffff;
	v6 =	vor.u32 $0x51, v1  }
0x2d2: {  	v11 =	vld.idx.msk [tilespmem:v8+s12+$0x0], $0xffff  }
0x2d3: {  	v2 =	vadd.f32 v3, v2;
	v3 =	vmul.f32 v7, v12;
	v7 =	vld.idx.msk [tilespmem:v8+s13+$0x0], $0xffff;
	v8 =	vor.u32 $0x52, v1  }
0x2d4: {  	v12 =	vld.idx.msk [tilespmem:v9+s12+$0x0], $0xffff  }
0x2d5: {  	v2 =	vadd.f32 v3, v2;
	v3 =	vmul.f32 v4, v13;
	v4 =	vld.idx.msk [tilespmem:v9+s13+$0x0], $0xffff;
	v9 =	vor.u32 $0x53, v1  }
0x2d6: {  	v13 =	vld.idx.msk [tilespmem:v6+s12+$0x0], $0xffff  }
0x2d7: {  	v2 =	vadd.f32 v3, v2;
	v3 =	vmul.f32 v5, v10;
	v5 =	vld.idx.msk [tilespmem:v6+s13+$0x0], $0xffff;
	v6 =	vor.u32 $0x54, v1  }
0x2d8: {  	v10 =	vld.idx.msk [tilespmem:v8+s12+$0x0], $0xffff  }
0x2d9: {  	v2 =	vadd.f32 v3, v2;
	v3 =	vmul.f32 v7, v11;
	v7 =	vld.idx.msk [tilespmem:v8+s13+$0x0], $0xffff;
	v8 =	vor.u32 $0x55, v1  }
0x2da: {  	v11 =	vld.idx.msk [tilespmem:v9+s12+$0x0], $0xffff  }
0x2db: {  	v2 =	vadd.f32 v3, v2;
	v3 =	vmul.f32 v4, v12;
	v4 =	vld.idx.msk [tilespmem:v9+s13+$0x0], $0xffff;
	v9 =	vor.u32 $0x56, v1  }
0x2dc: {  	v12 =	vld.idx.msk [tilespmem:v6+s12+$0x0], $0xffff  }
0x2dd: {  	v2 =	vadd.f32 v3, v2;
	v3 =	vmul.f32 v5, v13;
	v5 =	vld.idx.msk [tilespmem:v6+s13+$0x0], $0xffff;
	v6 =	vor.u32 $0x57, v1  }
0x2de: {  	v13 =	vld.idx.msk [tilespmem:v8+s12+$0x0], $0xffff  }
0x2df: {  	v2 =	vadd.f32 v3, v2;
	v3 =	vmul.f32 v7, v10;
	v7 =	vld.idx.msk [tilespmem:v8+s13+$0x0], $0xffff;
	v8 =	vor.u32 $0x58, v1  }
0x2e0: {  	v10 =	vld.idx.msk [tilespmem:v9+s12+$0x0], $0xffff  }
0x2e1: {  	v2 =	vadd.f32 v3, v2;
	v3 =	vmul.f32 v4, v11;
	v4 =	vld.idx.msk [tilespmem:v9+s13+$0x0], $0xffff;
	v9 =	vor.u32 $0x59, v1  }
0x2e2: {  	v11 =	vld.idx.msk [tilespmem:v6+s12+$0x0], $0xffff  }
0x2e3: {  	v2 =	vadd.f32 v3, v2;
	v3 =	vmul.f32 v5, v12;
	v5 =	vld.idx.msk [tilespmem:v6+s13+$0x0], $0xffff;
	v6 =	vor.u32 $0x5A, v1  }
0x2e4: {  	v12 =	vld.idx.msk [tilespmem:v8+s12+$0x0], $0xffff  }
0x2e5: {  	v2 =	vadd.f32 v3, v2;
	v3 =	vmul.f32 v7, v13;
	v7 =	vld.idx.msk [tilespmem:v8+s13+$0x0], $0xffff;
	v8 =	vor.u32 $0x5B, v1  }
0x2e6: {  	v13 =	vld.idx.msk [tilespmem:v9+s12+$0x0], $0xffff  }
0x2e7: {  	v2 =	vadd.f32 v3, v2;
	v3 =	vmul.f32 v4, v10;
	v4 =	vld.idx.msk [tilespmem:v9+s13+$0x0], $0xffff;
	v9 =	vor.u32 $0x5C, v1  }
0x2e8: {  	v10 =	vld.idx.msk [tilespmem:v6+s12+$0x0], $0xffff  }
0x2e9: {  	v2 =	vadd.f32 v3, v2;
	v3 =	vmul.f32 v5, v11;
	v5 =	vld.idx.msk [tilespmem:v6+s13+$0x0], $0xffff;
	v6 =	vor.u32 $0x5D, v1  }
0x2ea: {  	v11 =	vld.idx.msk [tilespmem:v8+s12+$0x0], $0xffff  }
0x2eb: {  	v2 =	vadd.f32 v3, v2;
	v3 =	vmul.f32 v7, v12;
	v7 =	vld.idx.msk [tilespmem:v8+s13+$0x0], $0xffff;
	v8 =	vor.u32 $0x5E, v1  }
0x2ec: {  	v12 =	vld.idx.msk [tilespmem:v9+s12+$0x0], $0xffff  }
0x2ed: {  	v2 =	vadd.f32 v3, v2;
	v3 =	vmul.f32 v4, v13;
	v4 =	vld.idx.msk [tilespmem:v9+s13+$0x0], $0xffff;
	v9 =	vor.u32 $0x5F, v1  }
0x2ee: {  	v13 =	vld.idx.msk [tilespmem:v6+s12+$0x0], $0xffff  }
0x2ef: {  	v2 =	vadd.f32 v3, v2;
	v3 =	vmul.f32 v5, v10;
	v5 =	vld.idx.msk [tilespmem:v6+s13+$0x0], $0xffff;
	v6 =	vor.u32 $0x60, v1  }
0x2f0: {  	v10 =	vld.idx.msk [tilespmem:v8+s12+$0x0], $0xffff  }
0x2f1: {  	v2 =	vadd.f32 v3, v2;
	v3 =	vmul.f32 v7, v11;
	v7 =	vld.idx.msk [tilespmem:v8+s13+$0x0], $0xffff;
	v8 =	vor.u32 $0x61, v1  }
0x2f2: {  	v11 =	vld.idx.msk [tilespmem:v9+s12+$0x0], $0xffff  }
0x2f3: {  	v2 =	vadd.f32 v3, v2;
	v3 =	vmul.f32 v4, v12;
	v4 =	vld.idx.msk [tilespmem:v9+s13+$0x0], $0xffff;
	v9 =	vor.u32 $0x62, v1  }
0x2f4: {  	v12 =	vld.idx.msk [tilespmem:v6+s12+$0x0], $0xffff  }
0x2f5: {  	v2 =	vadd.f32 v3, v2;
	v3 =	vmul.f32 v5, v13;
	v5 =	vld.idx.msk [tilespmem:v6+s13+$0x0], $0xffff;
	v6 =	vor.u32 $0x63, v1  }
0x2f6: {  	v13 =	vld.idx.msk [tilespmem:v8+s12+$0x0], $0xffff  }
0x2f7: {  	v2 =	vadd.f32 v3, v2;
	v3 =	vmul.f32 v7, v10;
	v7 =	vld.idx.msk [tilespmem:v8+s13+$0x0], $0xffff;
	v8 =	vor.u32 $0x64, v1  }
0x2f8: {  	v10 =	vld.idx.msk [tilespmem:v9+s12+$0x0], $0xffff  }
0x2f9: {  	v2 =	vadd.f32 v3, v2;
	v3 =	vmul.f32 v4, v11;
	v4 =	vld.idx.msk [tilespmem:v9+s13+$0x0], $0xffff;
	v9 =	vor.u32 $0x65, v1  }
0x2fa: {  	v11 =	vld.idx.msk [tilespmem:v6+s12+$0x0], $0xffff  }
0x2fb: {  	v2 =	vadd.f32 v3, v2;
	v3 =	vmul.f32 v5, v12;
	v5 =	vld.idx.msk [tilespmem:v6+s13+$0x0], $0xffff;
	v6 =	vor.u32 $0x66, v1  }
0x2fc: {  	v12 =	vld.idx.msk [tilespmem:v8+s12+$0x0], $0xffff  }
0x2fd: {  	v2 =	vadd.f32 v3, v2;
	v3 =	vmul.f32 v7, v13;
	v7 =	vld.idx.msk [tilespmem:v8+s13+$0x0], $0xffff;
	v8 =	vor.u32 $0x67, v1  }
0x2fe: {  	v13 =	vld.idx.msk [tilespmem:v9+s12+$0x0], $0xffff  }
0x2ff: {  	v2 =	vadd.f32 v3, v2;
	v3 =	vmul.f32 v4, v10;
	v4 =	vld.idx.msk [tilespmem:v9+s13+$0x0], $0xffff;
	v9 =	vor.u32 $0x68, v1  }
0x300: {  	v10 =	vld.idx.msk [tilespmem:v6+s12+$0x0], $0xffff  }
0x301: {  	v2 =	vadd.f32 v3, v2;
	v3 =	vmul.f32 v5, v11;
	v5 =	vld.idx.msk [tilespmem:v6+s13+$0x0], $0xffff;
	v6 =	vor.u32 $0x69, v1  }
0x302: {  	v11 =	vld.idx.msk [tilespmem:v8+s12+$0x0], $0xffff  }
0x303: {  	v2 =	vadd.f32 v3, v2;
	v3 =	vmul.f32 v7, v12;
	v7 =	vld.idx.msk [tilespmem:v8+s13+$0x0], $0xffff;
	v8 =	vor.u32 $0x6A, v1  }
0x304: {  	v12 =	vld.idx.msk [tilespmem:v9+s12+$0x0], $0xffff  }
0x305: {  	v2 =	vadd.f32 v3, v2;
	v3 =	vmul.f32 v4, v13;
	v4 =	vld.idx.msk [tilespmem:v9+s13+$0x0], $0xffff;
	v9 =	vor.u32 $0x6B, v1  }
0x306: {  	v13 =	vld.idx.msk [tilespmem:v6+s12+$0x0], $0xffff  }
0x307: {  	v2 =	vadd.f32 v3, v2;
	v3 =	vmul.f32 v5, v10;
	v5 =	vld.idx.msk [tilespmem:v6+s13+$0x0], $0xffff;
	v6 =	vor.u32 $0x6C, v1  }
0x308: {  	v10 =	vld.idx.msk [tilespmem:v8+s12+$0x0], $0xffff  }
0x309: {  	v2 =	vadd.f32 v3, v2;
	v3 =	vmul.f32 v7, v11;
	v7 =	vld.idx.msk [tilespmem:v8+s13+$0x0], $0xffff;
	v8 =	vor.u32 $0x6D, v1  }
0x30a: {  	v11 =	vld.idx.msk [tilespmem:v9+s12+$0x0], $0xffff  }
0x30b: {  	v2 =	vadd.f32 v3, v2;
	v3 =	vmul.f32 v4, v12;
	v4 =	vld.idx.msk [tilespmem:v9+s13+$0x0], $0xffff;
	v9 =	vor.u32 $0x6E, v1  }
0x30c: {  	v12 =	vld.idx.msk [tilespmem:v6+s12+$0x0], $0xffff  }
0x30d: {  	v2 =	vadd.f32 v3, v2;
	v3 =	vmul.f32 v5, v13;
	v5 =	vld.idx.msk [tilespmem:v6+s13+$0x0], $0xffff;
	v6 =	vor.u32 $0x6F, v1  }
0x30e: {  	v13 =	vld.idx.msk [tilespmem:v8+s12+$0x0], $0xffff  }
0x30f: {  	v2 =	vadd.f32 v3, v2;
	v3 =	vmul.f32 v7, v10;
	v7 =	vld.idx.msk [tilespmem:v8+s13+$0x0], $0xffff;
	v8 =	vor.u32 $0x70, v1  }
0x310: {  	v10 =	vld.idx.msk [tilespmem:v9+s12+$0x0], $0xffff  }
0x311: {  	v2 =	vadd.f32 v3, v2;
	v3 =	vmul.f32 v4, v11;
	v4 =	vld.idx.msk [tilespmem:v9+s13+$0x0], $0xffff;
	v9 =	vor.u32 $0x71, v1  }
0x312: {  	v11 =	vld.idx.msk [tilespmem:v6+s12+$0x0], $0xffff  }
0x313: {  	v2 =	vadd.f32 v3, v2;
	v3 =	vmul.f32 v5, v12;
	v5 =	vld.idx.msk [tilespmem:v6+s13+$0x0], $0xffff;
	v6 =	vor.u32 $0x72, v1  }
0x314: {  	v12 =	vld.idx.msk [tilespmem:v8+s12+$0x0], $0xffff  }
0x315: {  	v2 =	vadd.f32 v3, v2;
	v3 =	vmul.f32 v7, v13;
	v7 =	vld.idx.msk [tilespmem:v8+s13+$0x0], $0xffff;
	v8 =	vor.u32 $0x73, v1  }
0x316: {  	v13 =	vld.idx.msk [tilespmem:v9+s12+$0x0], $0xffff  }
0x317: {  	v2 =	vadd.f32 v3, v2;
	v3 =	vmul.f32 v4, v10;
	v4 =	vld.idx.msk [tilespmem:v9+s13+$0x0], $0xffff;
	v9 =	vor.u32 $0x74, v1  }
0x318: {  	v10 =	vld.idx.msk [tilespmem:v6+s12+$0x0], $0xffff  }
0x319: {  	v2 =	vadd.f32 v3, v2;
	v3 =	vmul.f32 v5, v11;
	v5 =	vld.idx.msk [tilespmem:v6+s13+$0x0], $0xffff;
	v6 =	vor.u32 $0x75, v1  }
0x31a: {  	v11 =	vld.idx.msk [tilespmem:v8+s12+$0x0], $0xffff  }
0x31b: {  	v2 =	vadd.f32 v3, v2;
	v3 =	vmul.f32 v7, v12;
	v7 =	vld.idx.msk [tilespmem:v8+s13+$0x0], $0xffff;
	v8 =	vor.u32 $0x76, v1  }
0x31c: {  	v12 =	vld.idx.msk [tilespmem:v9+s12+$0x0], $0xffff  }
0x31d: {  	v2 =	vadd.f32 v3, v2;
	v3 =	vmul.f32 v4, v13;
	v4 =	vld.idx.msk [tilespmem:v9+s13+$0x0], $0xffff;
	v9 =	vor.u32 $0x77, v1  }
0x31e: {  	v13 =	vld.idx.msk [tilespmem:v6+s12+$0x0], $0xffff  }
0x31f: {  	v2 =	vadd.f32 v3, v2;
	v3 =	vmul.f32 v5, v10;
	v5 =	vld.idx.msk [tilespmem:v6+s13+$0x0], $0xffff;
	v6 =	vor.u32 $0x78, v1  }
0x320: {  	v10 =	vld.idx.msk [tilespmem:v8+s12+$0x0], $0xffff  }
0x321: {  	v2 =	vadd.f32 v3, v2;
	v3 =	vmul.f32 v7, v11;
	v7 =	vld.idx.msk [tilespmem:v8+s13+$0x0], $0xffff;
	v8 =	vor.u32 $0x79, v1  }
0x322: {  	v11 =	vld.idx.msk [tilespmem:v9+s12+$0x0], $0xffff  }
0x323: {  	v2 =	vadd.f32 v3, v2;
	v3 =	vmul.f32 v4, v12;
	v4 =	vld.idx.msk [tilespmem:v9+s13+$0x0], $0xffff;
	v9 =	vor.u32 $0x7A, v1  }
0x324: {  	v12 =	vld.idx.msk [tilespmem:v6+s12+$0x0], $0xffff  }
0x325: {  	v2 =	vadd.f32 v3, v2;
	v3 =	vmul.f32 v5, v13;
	v5 =	vld.idx.msk [tilespmem:v6+s13+$0x0], $0xffff;
	v6 =	vor.u32 $0x7B, v1  }
0x326: {  	v13 =	vld.idx.msk [tilespmem:v8+s12+$0x0], $0xffff  }
0x327: {  	v2 =	vadd.f32 v3, v2;
	v3 =	vmul.f32 v7, v10;
	v7 =	vld.idx.msk [tilespmem:v8+s13+$0x0], $0xffff;
	v8 =	vor.u32 $0x7C, v1  }
0x328: {  	v10 =	vld.idx.msk [tilespmem:v9+s12+$0x0], $0xffff  }
0x329: {  	v2 =	vadd.f32 v3, v2;
	v3 =	vmul.f32 v4, v11;
	v4 =	vld.idx.msk [tilespmem:v9+s13+$0x0], $0xffff;
	v9 =	vor.u32 $0x7D, v1  }
0x32a: {  	v11 =	vld.idx.msk [tilespmem:v6+s12+$0x0], $0xffff  }
0x32b: {  	v2 =	vadd.f32 v3, v2;
	v3 =	vmul.f32 v5, v12;
	v5 =	vld.idx.msk [tilespmem:v6+s13+$0x0], $0xffff;
	v6 =	vor.u32 $0x7E, v1  }
0x32c: {  	v12 =	vld.idx.msk [tilespmem:v8+s12+$0x0], $0xffff  }
0x32d: {  	v1 =	vor.u32 $0x7F, v1;
	v2 =	vadd.f32 v3, v2;
	v3 =	vmul.f32 v7, v13;
	v7 =	vld.idx.msk [tilespmem:v8+s13+$0x0], $0xffff  }
0x32e: {  	v8 =	vld.idx.msk [tilespmem:v9+s12+$0x0], $0xffff  }
0x32f: {  	v2 =	vadd.f32 v3, v2;
	v3 =	vmul.f32 v4, v10;
	v4 =	vld.idx.msk [tilespmem:v9+s13+$0x0], $0xffff  }
0x330: {  	v9 =	vld.idx.msk [tilespmem:v6+s12+$0x0], $0xffff  }
0x331: {  	v3 =	vadd.f32 v3, v2;
	v5 =	vmul.f32 v5, v11;
	v6 =	vld.idx.msk [tilespmem:v6+s13+$0x0], $0xffff  }
0x332: {  	v2 =	vld.idx.msk [tilespmem:v1+s12+$0x0], $0xffff  }
0x333: {  	v5 =	vadd.f32 v5, v3;
	v7 =	vmul.f32 v7, v12;
	v3 =	vld.idx.msk [tilespmem:v1+s13+$0x0], $0xffff  }
.Ltmp0:
0x334: {  	(pc) =	sbr.rel @p0 .LBB2_3-.Ltmp0, $3  }
0x335: {  	v1 =	vadd.f32 v7, v5;
	v4 =	vmul.f32 v4, v8;
	_ =	sdelay $0x1  }
0x336: {  	v7 =	vmov s21;
	v4 =	vadd.f32 v4, v1;
	v5 =	vmul.f32 v6, v9  }
0x337: {  	s21 =	sadd.s32 $0x10, s21;
	v1 =	vshll.u32 v7, $0x7  }
0x338: {  	v1 =	vor.u32 v0, v1;
	v4 =	vadd.f32 v5, v4;
	v2 =	vmul.f32 v3, v2;
	_ =	sdelay $0x1  }
0x339: {  	v3 =	vor.u32 $0x1, v1;
	v2 =	vadd.f32 v2, v4  }
0x33a: {  	s20 =	sadd.s32 $0x10, s20  }
0x33b: {  	v31 =	vor.u32 $0x2, v1;
	[tilespmem:s20+$0x0] =	vst v2  }
0x33c: {  	v2 =	vld.idx.msk [tilespmem:v1+s13+$0x0], $0xffff  }
0x33d: {  	v6 =	vor.u32 $0x3, v1;
	v32 =	vld.idx.msk [tilespmem:v1+s12+$0x0], $0xffff  }
0x33e: {  	v7 =	vld.idx.msk [tilespmem:v3+s12+$0x0], $0xffff  }
0x33f: {  	v8 =	vor.u32 $0x4, v1;
	v3 =	vld.idx.msk [tilespmem:v3+s13+$0x0], $0xffff  }
0x340: {  	v9 =	vld.idx.msk [tilespmem:v31+s12+$0x0], $0xffff  }
0x341: {  	v10 =	vor.u32 $0x5, v1;
	v4 =	vld.idx.msk [tilespmem:v31+s13+$0x0], $0xffff  }
0x342: {  	v11 =	vld.idx.msk [tilespmem:v6+s12+$0x0], $0xffff;
	v2 =	vmul.f32 v2, v32  }
0x343: {  	v34 =	vor.u32 $0x6, v1;
	v33 =	vld.idx.msk [tilespmem:v6+s13+$0x0], $0xffff  }
0x344: {  	v12 =	vld.idx.msk [tilespmem:v8+s12+$0x0], $0xffff;
	v3 =	vmul.f32 v3, v7;
	v2 =	vadd.f32 $0.0e+00, v2  }
0x345: {  	v36 =	vor.u32 $0x7, v1;
	v35 =	vld.idx.msk [tilespmem:v8+s13+$0x0], $0xffff  }
0x346: {  	v13 =	vld.idx.msk [tilespmem:v10+s12+$0x0], $0xffff;
	v2 =	vadd.f32 v3, v2;
	v3 =	vmul.f32 v4, v9  }
0x347: {  	v38 =	vor.u32 $0x8, v1;
	v37 =	vld.idx.msk [tilespmem:v10+s13+$0x0], $0xffff  }
0x348: {  	v39 =	vld.idx.msk [tilespmem:v34+s12+$0x0], $0xffff;
	v2 =	vadd.f32 v3, v2;
	v3 =	vmul.f32 v33, v11  }
0x349: {  	v41 =	vor.u32 $0x9, v1;
	v40 =	vld.idx.msk [tilespmem:v34+s13+$0x0], $0xffff  }
0x34a: {  	v42 =	vld.idx.msk [tilespmem:v36+s12+$0x0], $0xffff;
	v2 =	vadd.f32 v3, v2;
	v3 =	vmul.f32 v35, v12  }
0x34b: {  	v44 =	vor.u32 $0xA, v1;
	v43 =	vld.idx.msk [tilespmem:v36+s13+$0x0], $0xffff  }
0x34c: {  	v45 =	vld.idx.msk [tilespmem:v38+s12+$0x0], $0xffff;
	v2 =	vadd.f32 v3, v2;
	v3 =	vmul.f32 v37, v13  }
0x34d: {  	v47 =	vor.u32 $0xB, v1;
	v46 =	vld.idx.msk [tilespmem:v38+s13+$0x0], $0xffff  }
0x34e: {  	v48 =	vld.idx.msk [tilespmem:v41+s12+$0x0], $0xffff;
	v2 =	vadd.f32 v3, v2;
	v3 =	vmul.f32 v40, v39  }
0x34f: {  	v50 =	vor.u32 $0xC, v1;
	v49 =	vld.idx.msk [tilespmem:v41+s13+$0x0], $0xffff  }
0x350: {  	v51 =	vld.idx.msk [tilespmem:v44+s12+$0x0], $0xffff;
	v2 =	vadd.f32 v3, v2;
	v3 =	vmul.f32 v43, v42  }
0x351: {  	v53 =	vor.u32 $0xD, v1;
	v52 =	vld.idx.msk [tilespmem:v44+s13+$0x0], $0xffff  }
0x352: {  	v54 =	vld.idx.msk [tilespmem:v47+s12+$0x0], $0xffff;
	v2 =	vadd.f32 v3, v2;
	v3 =	vmul.f32 v46, v45  }
0x353: {  	v56 =	vor.u32 $0xE, v1;
	v55 =	vld.idx.msk [tilespmem:v47+s13+$0x0], $0xffff  }
0x354: {  	v57 =	vld.idx.msk [tilespmem:v50+s12+$0x0], $0xffff;
	v2 =	vadd.f32 v3, v2;
	v3 =	vmul.f32 v49, v48  }
0x355: {  	v59 =	vor.u32 $0xF, v1;
	v58 =	vld.idx.msk [tilespmem:v50+s13+$0x0], $0xffff  }
0x356: {  	v60 =	vld.idx.msk [tilespmem:v53+s12+$0x0], $0xffff;
	v2 =	vadd.f32 v3, v2;
	v3 =	vmul.f32 v52, v51  }
0x357: {  	v62 =	vor.u32 $0x10, v1;
	v61 =	vld.idx.msk [tilespmem:v53+s13+$0x0], $0xffff  }
0x358: {  	v63 =	vld.idx.msk [tilespmem:v56+s12+$0x0], $0xffff;
	v2 =	vadd.f32 v3, v2;
	v3 =	vmul.f32 v55, v54  }
0x359: {  	v17 =	vor.u32 $0x11, v1;
	v16 =	vld.idx.msk [tilespmem:v56+s13+$0x0], $0xffff  }
0x35a: {  	v18 =	vld.idx.msk [tilespmem:v59+s12+$0x0], $0xffff;
	v2 =	vadd.f32 v3, v2;
	v3 =	vmul.f32 v58, v57  }
0x35b: {  	v20 =	vor.u32 $0x12, v1;
	v19 =	vld.idx.msk [tilespmem:v59+s13+$0x0], $0xffff  }
0x35c: {  	v21 =	vld.idx.msk [tilespmem:v62+s12+$0x0], $0xffff;
	v2 =	vadd.f32 v3, v2;
	v3 =	vmul.f32 v61, v60  }
0x35d: {  	v23 =	vor.u32 $0x13, v1;
	v22 =	vld.idx.msk [tilespmem:v62+s13+$0x0], $0xffff  }
0x35e: {  	v24 =	vld.idx.msk [tilespmem:v17+s12+$0x0], $0xffff;
	v2 =	vadd.f32 v3, v2;
	v3 =	vmul.f32 v16, v63  }
0x35f: {  	v26 =	vor.u32 $0x14, v1;
	v25 =	vld.idx.msk [tilespmem:v17+s13+$0x0], $0xffff  }
0x360: {  	v27 =	vld.idx.msk [tilespmem:v20+s12+$0x0], $0xffff;
	v2 =	vadd.f32 v3, v2;
	v3 =	vmul.f32 v19, v18  }
0x361: {  	v29 =	vor.u32 $0x15, v1;
	v28 =	vld.idx.msk [tilespmem:v20+s13+$0x0], $0xffff  }
0x362: {  	v30 =	vld.idx.msk [tilespmem:v23+s12+$0x0], $0xffff;
	v2 =	vadd.f32 v3, v2;
	v3 =	vmul.f32 v22, v21  }
0x363: {  	v31 =	vld.idx.msk [tilespmem:v23+s13+$0x0], $0xffff;
	v32 =	vor.u32 $0x16, v1  }
0x364: {  	v34 =	vld.idx.msk [tilespmem:v26+s13+$0x0], $0xffff;
	v2 =	vadd.f32 v3, v2;
	v3 =	vmul.f32 v25, v24  }
0x365: {  	v33 =	vld.idx.msk [tilespmem:v26+s12+$0x0], $0xffff;
	v35 =	vor.u32 $0x17, v1  }
0x366: {  	v36 =	vld.idx.msk [tilespmem:v29+s12+$0x0], $0xffff;
	v2 =	vadd.f32 v3, v2;
	v3 =	vmul.f32 v28, v27  }
0x367: {  	v38 =	vor.u32 $0x18, v1;
	v37 =	vld.idx.msk [tilespmem:v29+s13+$0x0], $0xffff  }
0x368: {  	v39 =	vld.idx.msk [tilespmem:v32+s12+$0x0], $0xffff;
	v2 =	vadd.f32 v3, v2;
	v3 =	vmul.f32 v31, v30  }
0x369: {  	v41 =	vor.u32 $0x19, v1;
	v40 =	vld.idx.msk [tilespmem:v32+s13+$0x0], $0xffff  }
0x36a: {  	v42 =	vld.idx.msk [tilespmem:v35+s12+$0x0], $0xffff;
	v2 =	vadd.f32 v3, v2;
	v3 =	vmul.f32 v34, v33  }
0x36b: {  	v44 =	vor.u32 $0x1A, v1;
	v43 =	vld.idx.msk [tilespmem:v35+s13+$0x0], $0xffff  }
0x36c: {  	v45 =	vld.idx.msk [tilespmem:v38+s12+$0x0], $0xffff;
	v2 =	vadd.f32 v3, v2;
	v3 =	vmul.f32 v37, v36  }
0x36d: {  	v47 =	vor.u32 $0x1B, v1;
	v46 =	vld.idx.msk [tilespmem:v38+s13+$0x0], $0xffff  }
0x36e: {  	v48 =	vld.idx.msk [tilespmem:v41+s12+$0x0], $0xffff;
	v2 =	vadd.f32 v3, v2;
	v3 =	vmul.f32 v40, v39  }
0x36f: {  	v50 =	vor.u32 $0x1C, v1;
	v49 =	vld.idx.msk [tilespmem:v41+s13+$0x0], $0xffff  }
0x370: {  	v51 =	vld.idx.msk [tilespmem:v44+s12+$0x0], $0xffff;
	v2 =	vadd.f32 v3, v2;
	v3 =	vmul.f32 v43, v42  }
0x371: {  	v53 =	vor.u32 $0x1D, v1;
	v52 =	vld.idx.msk [tilespmem:v44+s13+$0x0], $0xffff  }
0x372: {  	v54 =	vld.idx.msk [tilespmem:v47+s12+$0x0], $0xffff;
	v2 =	vadd.f32 v3, v2;
	v3 =	vmul.f32 v46, v45  }
0x373: {  	v56 =	vor.u32 $0x1E, v1;
	v55 =	vld.idx.msk [tilespmem:v47+s13+$0x0], $0xffff  }
0x374: {  	v57 =	vld.idx.msk [tilespmem:v50+s12+$0x0], $0xffff;
	v2 =	vadd.f32 v3, v2;
	v3 =	vmul.f32 v49, v48  }
0x375: {  	v59 =	vor.u32 $0x1F, v1;
	v58 =	vld.idx.msk [tilespmem:v50+s13+$0x0], $0xffff  }
0x376: {  	v60 =	vld.idx.msk [tilespmem:v53+s12+$0x0], $0xffff;
	v2 =	vadd.f32 v3, v2;
	v3 =	vmul.f32 v52, v51  }
0x377: {  	v62 =	vor.u32 $0x20, v1;
	v61 =	vld.idx.msk [tilespmem:v53+s13+$0x0], $0xffff  }
0x378: {  	v63 =	vld.idx.msk [tilespmem:v56+s12+$0x0], $0xffff;
	v2 =	vadd.f32 v3, v2;
	v3 =	vmul.f32 v55, v54  }
0x379: {  	v17 =	vor.u32 $0x21, v1;
	v16 =	vld.idx.msk [tilespmem:v56+s13+$0x0], $0xffff  }
0x37a: {  	v18 =	vld.idx.msk [tilespmem:v59+s12+$0x0], $0xffff;
	v2 =	vadd.f32 v3, v2;
	v3 =	vmul.f32 v58, v57  }
0x37b: {  	v20 =	vor.u32 $0x22, v1;
	v19 =	vld.idx.msk [tilespmem:v59+s13+$0x0], $0xffff  }
0x37c: {  	v21 =	vld.idx.msk [tilespmem:v62+s12+$0x0], $0xffff;
	v2 =	vadd.f32 v3, v2;
	v3 =	vmul.f32 v61, v60  }
0x37d: {  	v23 =	vor.u32 $0x23, v1;
	v22 =	vld.idx.msk [tilespmem:v62+s13+$0x0], $0xffff  }
0x37e: {  	v24 =	vld.idx.msk [tilespmem:v17+s12+$0x0], $0xffff;
	v2 =	vadd.f32 v3, v2;
	v3 =	vmul.f32 v16, v63  }
0x37f: {  	v26 =	vor.u32 $0x24, v1;
	v25 =	vld.idx.msk [tilespmem:v17+s13+$0x0], $0xffff  }
0x380: {  	v27 =	vld.idx.msk [tilespmem:v20+s12+$0x0], $0xffff;
	v2 =	vadd.f32 v3, v2;
	v3 =	vmul.f32 v19, v18  }
0x381: {  	v29 =	vor.u32 $0x25, v1;
	v28 =	vld.idx.msk [tilespmem:v20+s13+$0x0], $0xffff  }
0x382: {  	v30 =	vld.idx.msk [tilespmem:v23+s12+$0x0], $0xffff;
	v2 =	vadd.f32 v3, v2;
	v3 =	vmul.f32 v22, v21  }
0x383: {  	v32 =	vor.u32 $0x26, v1;
	v31 =	vld.idx.msk [tilespmem:v23+s13+$0x0], $0xffff  }
0x384: {  	v33 =	vld.idx.msk [tilespmem:v26+s12+$0x0], $0xffff;
	v2 =	vadd.f32 v3, v2;
	v3 =	vmul.f32 v25, v24  }
0x385: {  	v35 =	vor.u32 $0x27, v1;
	v34 =	vld.idx.msk [tilespmem:v26+s13+$0x0], $0xffff  }
0x386: {  	v36 =	vld.idx.msk [tilespmem:v29+s12+$0x0], $0xffff;
	v2 =	vadd.f32 v3, v2;
	v3 =	vmul.f32 v28, v27  }
0x387: {  	v38 =	vor.u32 $0x28, v1;
	v37 =	vld.idx.msk [tilespmem:v29+s13+$0x0], $0xffff  }
0x388: {  	v39 =	vld.idx.msk [tilespmem:v32+s12+$0x0], $0xffff;
	v2 =	vadd.f32 v3, v2;
	v3 =	vmul.f32 v31, v30  }
0x389: {  	v41 =	vor.u32 $0x29, v1;
	v40 =	vld.idx.msk [tilespmem:v32+s13+$0x0], $0xffff  }
0x38a: {  	v42 =	vld.idx.msk [tilespmem:v35+s12+$0x0], $0xffff;
	v2 =	vadd.f32 v3, v2;
	v3 =	vmul.f32 v34, v33  }
0x38b: {  	v44 =	vor.u32 $0x2A, v1;
	v43 =	vld.idx.msk [tilespmem:v35+s13+$0x0], $0xffff  }
0x38c: {  	v45 =	vld.idx.msk [tilespmem:v38+s12+$0x0], $0xffff;
	v2 =	vadd.f32 v3, v2;
	v3 =	vmul.f32 v37, v36  }
0x38d: {  	v47 =	vor.u32 $0x2B, v1;
	v46 =	vld.idx.msk [tilespmem:v38+s13+$0x0], $0xffff  }
0x38e: {  	v48 =	vld.idx.msk [tilespmem:v41+s12+$0x0], $0xffff;
	v2 =	vadd.f32 v3, v2;
	v3 =	vmul.f32 v40, v39  }
0x38f: {  	v50 =	vor.u32 $0x2C, v1;
	v49 =	vld.idx.msk [tilespmem:v41+s13+$0x0], $0xffff  }
0x390: {  	v51 =	vld.idx.msk [tilespmem:v44+s12+$0x0], $0xffff;
	v2 =	vadd.f32 v3, v2;
	v3 =	vmul.f32 v43, v42  }
0x391: {  	v53 =	vor.u32 $0x2D, v1;
	v52 =	vld.idx.msk [tilespmem:v44+s13+$0x0], $0xffff  }
0x392: {  	v54 =	vld.idx.msk [tilespmem:v47+s12+$0x0], $0xffff;
	v2 =	vadd.f32 v3, v2;
	v3 =	vmul.f32 v46, v45  }
0x393: {  	v56 =	vor.u32 $0x2E, v1;
	v55 =	vld.idx.msk [tilespmem:v47+s13+$0x0], $0xffff  }
0x394: {  	v57 =	vld.idx.msk [tilespmem:v50+s12+$0x0], $0xffff;
	v2 =	vadd.f32 v3, v2;
	v3 =	vmul.f32 v49, v48  }
0x395: {  	v59 =	vor.u32 $0x2F, v1;
	v58 =	vld.idx.msk [tilespmem:v50+s13+$0x0], $0xffff  }
0x396: {  	v60 =	vld.idx.msk [tilespmem:v53+s12+$0x0], $0xffff;
	v2 =	vadd.f32 v3, v2;
	v3 =	vmul.f32 v52, v51  }
0x397: {  	v62 =	vor.u32 $0x30, v1;
	v61 =	vld.idx.msk [tilespmem:v53+s13+$0x0], $0xffff  }
0x398: {  	v63 =	vld.idx.msk [tilespmem:v56+s12+$0x0], $0xffff;
	v2 =	vadd.f32 v3, v2;
	v3 =	vmul.f32 v55, v54  }
0x399: {  	v17 =	vor.u32 $0x31, v1;
	v16 =	vld.idx.msk [tilespmem:v56+s13+$0x0], $0xffff  }
0x39a: {  	v18 =	vld.idx.msk [tilespmem:v59+s12+$0x0], $0xffff;
	v2 =	vadd.f32 v3, v2;
	v3 =	vmul.f32 v58, v57  }
0x39b: {  	v20 =	vor.u32 $0x32, v1;
	v19 =	vld.idx.msk [tilespmem:v59+s13+$0x0], $0xffff  }
0x39c: {  	v21 =	vld.idx.msk [tilespmem:v62+s12+$0x0], $0xffff;
	v2 =	vadd.f32 v3, v2;
	v3 =	vmul.f32 v61, v60  }
0x39d: {  	v23 =	vor.u32 $0x33, v1;
	v22 =	vld.idx.msk [tilespmem:v62+s13+$0x0], $0xffff  }
0x39e: {  	v24 =	vld.idx.msk [tilespmem:v17+s12+$0x0], $0xffff;
	v2 =	vadd.f32 v3, v2;
	v3 =	vmul.f32 v16, v63  }
0x39f: {  	v26 =	vor.u32 $0x34, v1;
	v25 =	vld.idx.msk [tilespmem:v17+s13+$0x0], $0xffff  }
0x3a0: {  	v27 =	vld.idx.msk [tilespmem:v20+s12+$0x0], $0xffff;
	v2 =	vadd.f32 v3, v2;
	v3 =	vmul.f32 v19, v18  }
0x3a1: {  	v29 =	vor.u32 $0x35, v1;
	v28 =	vld.idx.msk [tilespmem:v20+s13+$0x0], $0xffff  }
0x3a2: {  	v30 =	vld.idx.msk [tilespmem:v23+s12+$0x0], $0xffff;
	v2 =	vadd.f32 v3, v2;
	v3 =	vmul.f32 v22, v21  }
0x3a3: {  	v32 =	vor.u32 $0x36, v1;
	v31 =	vld.idx.msk [tilespmem:v23+s13+$0x0], $0xffff  }
0x3a4: {  	v33 =	vld.idx.msk [tilespmem:v26+s12+$0x0], $0xffff;
	v2 =	vadd.f32 v3, v2;
	v3 =	vmul.f32 v25, v24  }
0x3a5: {  	v35 =	vor.u32 $0x37, v1;
	v34 =	vld.idx.msk [tilespmem:v26+s13+$0x0], $0xffff  }
0x3a6: {  	v36 =	vld.idx.msk [tilespmem:v29+s12+$0x0], $0xffff;
	v2 =	vadd.f32 v3, v2;
	v3 =	vmul.f32 v28, v27  }
0x3a7: {  	v38 =	vor.u32 $0x38, v1;
	v37 =	vld.idx.msk [tilespmem:v29+s13+$0x0], $0xffff  }
0x3a8: {  	v39 =	vld.idx.msk [tilespmem:v32+s12+$0x0], $0xffff;
	v2 =	vadd.f32 v3, v2;
	v3 =	vmul.f32 v31, v30  }
0x3a9: {  	v41 =	vor.u32 $0x39, v1;
	v40 =	vld.idx.msk [tilespmem:v32+s13+$0x0], $0xffff  }
0x3aa: {  	v42 =	vld.idx.msk [tilespmem:v35+s12+$0x0], $0xffff;
	v2 =	vadd.f32 v3, v2;
	v3 =	vmul.f32 v34, v33  }
0x3ab: {  	v44 =	vor.u32 $0x3A, v1;
	v43 =	vld.idx.msk [tilespmem:v35+s13+$0x0], $0xffff  }
0x3ac: {  	v45 =	vld.idx.msk [tilespmem:v38+s12+$0x0], $0xffff;
	v2 =	vadd.f32 v3, v2;
	v3 =	vmul.f32 v37, v36  }
0x3ad: {  	v47 =	vor.u32 $0x3B, v1;
	v46 =	vld.idx.msk [tilespmem:v38+s13+$0x0], $0xffff  }
0x3ae: {  	v48 =	vld.idx.msk [tilespmem:v41+s12+$0x0], $0xffff;
	v2 =	vadd.f32 v3, v2;
	v3 =	vmul.f32 v40, v39  }
0x3af: {  	v50 =	vor.u32 $0x3C, v1;
	v49 =	vld.idx.msk [tilespmem:v41+s13+$0x0], $0xffff  }
0x3b0: {  	v51 =	vld.idx.msk [tilespmem:v44+s12+$0x0], $0xffff;
	v2 =	vadd.f32 v3, v2;
	v3 =	vmul.f32 v43, v42  }
0x3b1: {  	v53 =	vor.u32 $0x3D, v1;
	v52 =	vld.idx.msk [tilespmem:v44+s13+$0x0], $0xffff  }
0x3b2: {  	v54 =	vld.idx.msk [tilespmem:v47+s12+$0x0], $0xffff;
	v2 =	vadd.f32 v3, v2;
	v3 =	vmul.f32 v46, v45  }
0x3b3: {  	v56 =	vor.u32 $0x3E, v1;
	v55 =	vld.idx.msk [tilespmem:v47+s13+$0x0], $0xffff  }
0x3b4: {  	v57 =	vld.idx.msk [tilespmem:v50+s12+$0x0], $0xffff;
	v2 =	vadd.f32 v3, v2;
	v3 =	vmul.f32 v49, v48  }
0x3b5: {  	v59 =	vor.u32 $0x3F, v1;
	v58 =	vld.idx.msk [tilespmem:v50+s13+$0x0], $0xffff  }
0x3b6: {  	v60 =	vld.idx.msk [tilespmem:v53+s12+$0x0], $0xffff;
	v2 =	vadd.f32 v3, v2;
	v3 =	vmul.f32 v52, v51  }
0x3b7: {  	v62 =	vor.u32 $0x40, v1;
	v61 =	vld.idx.msk [tilespmem:v53+s13+$0x0], $0xffff  }
0x3b8: {  	v63 =	vld.idx.msk [tilespmem:v56+s12+$0x0], $0xffff;
	v2 =	vadd.f32 v3, v2;
	v3 =	vmul.f32 v55, v54  }
0x3b9: {  	v17 =	vor.u32 $0x41, v1;
	v16 =	vld.idx.msk [tilespmem:v56+s13+$0x0], $0xffff  }
0x3ba: {  	v18 =	vld.idx.msk [tilespmem:v59+s12+$0x0], $0xffff;
	v2 =	vadd.f32 v3, v2;
	v3 =	vmul.f32 v58, v57  }
0x3bb: {  	v20 =	vor.u32 $0x42, v1;
	v19 =	vld.idx.msk [tilespmem:v59+s13+$0x0], $0xffff  }
0x3bc: {  	v21 =	vld.idx.msk [tilespmem:v62+s12+$0x0], $0xffff;
	v2 =	vadd.f32 v3, v2;
	v3 =	vmul.f32 v61, v60  }
0x3bd: {  	v23 =	vor.u32 $0x43, v1;
	v22 =	vld.idx.msk [tilespmem:v62+s13+$0x0], $0xffff  }
0x3be: {  	v24 =	vld.idx.msk [tilespmem:v17+s12+$0x0], $0xffff;
	v2 =	vadd.f32 v3, v2;
	v3 =	vmul.f32 v16, v63  }
0x3bf: {  	v26 =	vor.u32 $0x44, v1;
	v25 =	vld.idx.msk [tilespmem:v17+s13+$0x0], $0xffff  }
0x3c0: {  	v27 =	vld.idx.msk [tilespmem:v20+s12+$0x0], $0xffff;
	v2 =	vadd.f32 v3, v2;
	v3 =	vmul.f32 v19, v18  }
0x3c1: {  	v29 =	vor.u32 $0x45, v1;
	v28 =	vld.idx.msk [tilespmem:v20+s13+$0x0], $0xffff  }
0x3c2: {  	v30 =	vld.idx.msk [tilespmem:v23+s12+$0x0], $0xffff;
	v2 =	vadd.f32 v3, v2;
	v3 =	vmul.f32 v22, v21  }
0x3c3: {  	v32 =	vor.u32 $0x46, v1;
	v31 =	vld.idx.msk [tilespmem:v23+s13+$0x0], $0xffff  }
0x3c4: {  	v33 =	vld.idx.msk [tilespmem:v26+s12+$0x0], $0xffff;
	v2 =	vadd.f32 v3, v2;
	v3 =	vmul.f32 v25, v24  }
0x3c5: {  	v35 =	vor.u32 $0x47, v1;
	v34 =	vld.idx.msk [tilespmem:v26+s13+$0x0], $0xffff  }
0x3c6: {  	v36 =	vld.idx.msk [tilespmem:v29+s12+$0x0], $0xffff;
	v2 =	vadd.f32 v3, v2;
	v3 =	vmul.f32 v28, v27  }
0x3c7: {  	v38 =	vor.u32 $0x48, v1;
	v37 =	vld.idx.msk [tilespmem:v29+s13+$0x0], $0xffff  }
0x3c8: {  	v39 =	vld.idx.msk [tilespmem:v32+s12+$0x0], $0xffff;
	v2 =	vadd.f32 v3, v2;
	v3 =	vmul.f32 v31, v30  }
0x3c9: {  	v41 =	vor.u32 $0x49, v1;
	v40 =	vld.idx.msk [tilespmem:v32+s13+$0x0], $0xffff  }
0x3ca: {  	v42 =	vld.idx.msk [tilespmem:v35+s12+$0x0], $0xffff;
	v2 =	vadd.f32 v3, v2;
	v3 =	vmul.f32 v34, v33  }
0x3cb: {  	v44 =	vor.u32 $0x4A, v1;
	v43 =	vld.idx.msk [tilespmem:v35+s13+$0x0], $0xffff  }
0x3cc: {  	v45 =	vld.idx.msk [tilespmem:v38+s12+$0x0], $0xffff;
	v2 =	vadd.f32 v3, v2;
	v3 =	vmul.f32 v37, v36  }
0x3cd: {  	v47 =	vor.u32 $0x4B, v1;
	v46 =	vld.idx.msk [tilespmem:v38+s13+$0x0], $0xffff  }
0x3ce: {  	v48 =	vld.idx.msk [tilespmem:v41+s12+$0x0], $0xffff;
	v2 =	vadd.f32 v3, v2;
	v3 =	vmul.f32 v40, v39  }
0x3cf: {  	v50 =	vor.u32 $0x4C, v1;
	v49 =	vld.idx.msk [tilespmem:v41+s13+$0x0], $0xffff  }
0x3d0: {  	v51 =	vld.idx.msk [tilespmem:v44+s12+$0x0], $0xffff;
	v2 =	vadd.f32 v3, v2;
	v3 =	vmul.f32 v43, v42  }
0x3d1: {  	v53 =	vor.u32 $0x4D, v1;
	v52 =	vld.idx.msk [tilespmem:v44+s13+$0x0], $0xffff  }
0x3d2: {  	v54 =	vld.idx.msk [tilespmem:v47+s12+$0x0], $0xffff;
	v2 =	vadd.f32 v3, v2;
	v3 =	vmul.f32 v46, v45  }
0x3d3: {  	v56 =	vor.u32 $0x4E, v1;
	v55 =	vld.idx.msk [tilespmem:v47+s13+$0x0], $0xffff  }
0x3d4: {  	v57 =	vld.idx.msk [tilespmem:v50+s12+$0x0], $0xffff;
	v2 =	vadd.f32 v3, v2;
	v3 =	vmul.f32 v49, v48  }
0x3d5: {  	v59 =	vor.u32 $0x4F, v1;
	v58 =	vld.idx.msk [tilespmem:v50+s13+$0x0], $0xffff  }
0x3d6: {  	v60 =	vld.idx.msk [tilespmem:v53+s12+$0x0], $0xffff;
	v2 =	vadd.f32 v3, v2;
	v3 =	vmul.f32 v52, v51  }
0x3d7: {  	v62 =	vor.u32 $0x50, v1;
	v61 =	vld.idx.msk [tilespmem:v53+s13+$0x0], $0xffff  }
0x3d8: {  	v63 =	vld.idx.msk [tilespmem:v56+s12+$0x0], $0xffff;
	v2 =	vadd.f32 v3, v2;
	v3 =	vmul.f32 v55, v54  }
0x3d9: {  	v17 =	vor.u32 $0x51, v1;
	v16 =	vld.idx.msk [tilespmem:v56+s13+$0x0], $0xffff  }
0x3da: {  	v18 =	vld.idx.msk [tilespmem:v59+s12+$0x0], $0xffff;
	v2 =	vadd.f32 v3, v2;
	v3 =	vmul.f32 v58, v57  }
0x3db: {  	v20 =	vor.u32 $0x52, v1;
	v19 =	vld.idx.msk [tilespmem:v59+s13+$0x0], $0xffff  }
0x3dc: {  	v21 =	vld.idx.msk [tilespmem:v62+s12+$0x0], $0xffff;
	v2 =	vadd.f32 v3, v2;
	v3 =	vmul.f32 v61, v60  }
0x3dd: {  	v23 =	vor.u32 $0x53, v1;
	v22 =	vld.idx.msk [tilespmem:v62+s13+$0x0], $0xffff  }
0x3de: {  	v24 =	vld.idx.msk [tilespmem:v17+s12+$0x0], $0xffff;
	v2 =	vadd.f32 v3, v2;
	v3 =	vmul.f32 v16, v63  }
0x3df: {  	v26 =	vor.u32 $0x54, v1;
	v25 =	vld.idx.msk [tilespmem:v17+s13+$0x0], $0xffff  }
0x3e0: {  	v27 =	vld.idx.msk [tilespmem:v20+s12+$0x0], $0xffff;
	v2 =	vadd.f32 v3, v2;
	v3 =	vmul.f32 v19, v18  }
0x3e1: {  	v29 =	vor.u32 $0x55, v1;
	v28 =	vld.idx.msk [tilespmem:v20+s13+$0x0], $0xffff  }
0x3e2: {  	v30 =	vld.idx.msk [tilespmem:v23+s12+$0x0], $0xffff;
	v2 =	vadd.f32 v3, v2;
	v3 =	vmul.f32 v22, v21  }
0x3e3: {  	v32 =	vor.u32 $0x56, v1;
	v31 =	vld.idx.msk [tilespmem:v23+s13+$0x0], $0xffff  }
0x3e4: {  	v33 =	vld.idx.msk [tilespmem:v26+s12+$0x0], $0xffff;
	v2 =	vadd.f32 v3, v2;
	v3 =	vmul.f32 v25, v24  }
0x3e5: {  	v35 =	vor.u32 $0x57, v1;
	v34 =	vld.idx.msk [tilespmem:v26+s13+$0x0], $0xffff  }
0x3e6: {  	v36 =	vld.idx.msk [tilespmem:v29+s12+$0x0], $0xffff;
	v2 =	vadd.f32 v3, v2;
	v3 =	vmul.f32 v28, v27  }
0x3e7: {  	v38 =	vor.u32 $0x58, v1;
	v37 =	vld.idx.msk [tilespmem:v29+s13+$0x0], $0xffff  }
0x3e8: {  	v39 =	vld.idx.msk [tilespmem:v32+s12+$0x0], $0xffff;
	v2 =	vadd.f32 v3, v2;
	v3 =	vmul.f32 v31, v30  }
0x3e9: {  	v41 =	vor.u32 $0x59, v1;
	v40 =	vld.idx.msk [tilespmem:v32+s13+$0x0], $0xffff  }
0x3ea: {  	v42 =	vld.idx.msk [tilespmem:v35+s12+$0x0], $0xffff;
	v2 =	vadd.f32 v3, v2;
	v3 =	vmul.f32 v34, v33  }
0x3eb: {  	v44 =	vor.u32 $0x5A, v1;
	v43 =	vld.idx.msk [tilespmem:v35+s13+$0x0], $0xffff  }
0x3ec: {  	v45 =	vld.idx.msk [tilespmem:v38+s12+$0x0], $0xffff;
	v2 =	vadd.f32 v3, v2;
	v3 =	vmul.f32 v37, v36  }
0x3ed: {  	v47 =	vor.u32 $0x5B, v1;
	v46 =	vld.idx.msk [tilespmem:v38+s13+$0x0], $0xffff  }
0x3ee: {  	v48 =	vld.idx.msk [tilespmem:v41+s12+$0x0], $0xffff;
	v2 =	vadd.f32 v3, v2;
	v3 =	vmul.f32 v40, v39  }
0x3ef: {  	v50 =	vor.u32 $0x5C, v1;
	v49 =	vld.idx.msk [tilespmem:v41+s13+$0x0], $0xffff  }
0x3f0: {  	v51 =	vld.idx.msk [tilespmem:v44+s12+$0x0], $0xffff;
	v2 =	vadd.f32 v3, v2;
	v3 =	vmul.f32 v43, v42  }
0x3f1: {  	v53 =	vor.u32 $0x5D, v1;
	v52 =	vld.idx.msk [tilespmem:v44+s13+$0x0], $0xffff  }
0x3f2: {  	v54 =	vld.idx.msk [tilespmem:v47+s12+$0x0], $0xffff;
	v2 =	vadd.f32 v3, v2;
	v3 =	vmul.f32 v46, v45  }
0x3f3: {  	v56 =	vor.u32 $0x5E, v1;
	v55 =	vld.idx.msk [tilespmem:v47+s13+$0x0], $0xffff  }
0x3f4: {  	v57 =	vld.idx.msk [tilespmem:v50+s12+$0x0], $0xffff;
	v2 =	vadd.f32 v3, v2;
	v3 =	vmul.f32 v49, v48  }
0x3f5: {  	v59 =	vor.u32 $0x5F, v1;
	v58 =	vld.idx.msk [tilespmem:v50+s13+$0x0], $0xffff  }
0x3f6: {  	v60 =	vld.idx.msk [tilespmem:v53+s12+$0x0], $0xffff;
	v2 =	vadd.f32 v3, v2;
	v3 =	vmul.f32 v52, v51  }
0x3f7: {  	v62 =	vor.u32 $0x60, v1;
	v61 =	vld.idx.msk [tilespmem:v53+s13+$0x0], $0xffff  }
0x3f8: {  	v63 =	vld.idx.msk [tilespmem:v56+s12+$0x0], $0xffff;
	v2 =	vadd.f32 v3, v2;
	v3 =	vmul.f32 v55, v54  }
0x3f9: {  	v17 =	vor.u32 $0x61, v1;
	v16 =	vld.idx.msk [tilespmem:v56+s13+$0x0], $0xffff  }
0x3fa: {  	v18 =	vld.idx.msk [tilespmem:v59+s12+$0x0], $0xffff;
	v2 =	vadd.f32 v3, v2;
	v3 =	vmul.f32 v58, v57  }
0x3fb: {  	v20 =	vor.u32 $0x62, v1;
	v19 =	vld.idx.msk [tilespmem:v59+s13+$0x0], $0xffff  }
0x3fc: {  	v21 =	vld.idx.msk [tilespmem:v62+s12+$0x0], $0xffff;
	v2 =	vadd.f32 v3, v2;
	v3 =	vmul.f32 v61, v60  }
0x3fd: {  	v23 =	vor.u32 $0x63, v1;
	v22 =	vld.idx.msk [tilespmem:v62+s13+$0x0], $0xffff  }
0x3fe: {  	v24 =	vld.idx.msk [tilespmem:v17+s12+$0x0], $0xffff;
	v2 =	vadd.f32 v3, v2;
	v3 =	vmul.f32 v16, v63  }
0x3ff: {  	v26 =	vor.u32 $0x64, v1;
	v25 =	vld.idx.msk [tilespmem:v17+s13+$0x0], $0xffff  }
0x400: {  	v27 =	vld.idx.msk [tilespmem:v20+s12+$0x0], $0xffff;
	v2 =	vadd.f32 v3, v2;
	v3 =	vmul.f32 v19, v18  }
0x401: {  	v29 =	vor.u32 $0x65, v1;
	v28 =	vld.idx.msk [tilespmem:v20+s13+$0x0], $0xffff  }
0x402: {  	v30 =	vld.idx.msk [tilespmem:v23+s12+$0x0], $0xffff;
	v2 =	vadd.f32 v3, v2;
	v3 =	vmul.f32 v22, v21  }
0x403: {  	v32 =	vor.u32 $0x66, v1;
	v31 =	vld.idx.msk [tilespmem:v23+s13+$0x0], $0xffff  }
0x404: {  	v33 =	vld.idx.msk [tilespmem:v26+s12+$0x0], $0xffff;
	v2 =	vadd.f32 v3, v2;
	v3 =	vmul.f32 v25, v24  }
0x405: {  	v35 =	vor.u32 $0x67, v1;
	v34 =	vld.idx.msk [tilespmem:v26+s13+$0x0], $0xffff  }
0x406: {  	v36 =	vld.idx.msk [tilespmem:v29+s12+$0x0], $0xffff;
	v2 =	vadd.f32 v3, v2;
	v3 =	vmul.f32 v28, v27  }
0x407: {  	v38 =	vor.u32 $0x68, v1;
	v37 =	vld.idx.msk [tilespmem:v29+s13+$0x0], $0xffff  }
0x408: {  	v39 =	vld.idx.msk [tilespmem:v32+s12+$0x0], $0xffff;
	v2 =	vadd.f32 v3, v2;
	v3 =	vmul.f32 v31, v30  }
0x409: {  	v41 =	vor.u32 $0x69, v1;
	v40 =	vld.idx.msk [tilespmem:v32+s13+$0x0], $0xffff  }
0x40a: {  	v42 =	vld.idx.msk [tilespmem:v35+s12+$0x0], $0xffff;
	v2 =	vadd.f32 v3, v2;
	v3 =	vmul.f32 v34, v33  }
0x40b: {  	v44 =	vor.u32 $0x6A, v1;
	v43 =	vld.idx.msk [tilespmem:v35+s13+$0x0], $0xffff  }
0x40c: {  	v45 =	vld.idx.msk [tilespmem:v38+s12+$0x0], $0xffff;
	v2 =	vadd.f32 v3, v2;
	v3 =	vmul.f32 v37, v36  }
0x40d: {  	v47 =	vor.u32 $0x6B, v1;
	v46 =	vld.idx.msk [tilespmem:v38+s13+$0x0], $0xffff  }
0x40e: {  	v48 =	vld.idx.msk [tilespmem:v41+s12+$0x0], $0xffff;
	v2 =	vadd.f32 v3, v2;
	v3 =	vmul.f32 v40, v39  }
0x40f: {  	v50 =	vor.u32 $0x6C, v1;
	v49 =	vld.idx.msk [tilespmem:v41+s13+$0x0], $0xffff  }
0x410: {  	v51 =	vld.idx.msk [tilespmem:v44+s12+$0x0], $0xffff;
	v2 =	vadd.f32 v3, v2;
	v3 =	vmul.f32 v43, v42  }
0x411: {  	v53 =	vor.u32 $0x6D, v1;
	v52 =	vld.idx.msk [tilespmem:v44+s13+$0x0], $0xffff  }
0x412: {  	v54 =	vld.idx.msk [tilespmem:v47+s12+$0x0], $0xffff;
	v2 =	vadd.f32 v3, v2;
	v3 =	vmul.f32 v46, v45  }
0x413: {  	v56 =	vor.u32 $0x6E, v1;
	v55 =	vld.idx.msk [tilespmem:v47+s13+$0x0], $0xffff  }
0x414: {  	v57 =	vld.idx.msk [tilespmem:v50+s12+$0x0], $0xffff;
	v2 =	vadd.f32 v3, v2;
	v3 =	vmul.f32 v49, v48  }
0x415: {  	v59 =	vor.u32 $0x6F, v1;
	v58 =	vld.idx.msk [tilespmem:v50+s13+$0x0], $0xffff  }
0x416: {  	v60 =	vld.idx.msk [tilespmem:v53+s12+$0x0], $0xffff;
	v2 =	vadd.f32 v3, v2;
	v3 =	vmul.f32 v52, v51  }
0x417: {  	v62 =	vor.u32 $0x70, v1;
	v61 =	vld.idx.msk [tilespmem:v53+s13+$0x0], $0xffff  }
0x418: {  	v63 =	vld.idx.msk [tilespmem:v56+s12+$0x0], $0xffff;
	v2 =	vadd.f32 v3, v2;
	v3 =	vmul.f32 v55, v54  }
0x419: {  	v17 =	vor.u32 $0x71, v1;
	v16 =	vld.idx.msk [tilespmem:v56+s13+$0x0], $0xffff  }
0x41a: {  	v18 =	vld.idx.msk [tilespmem:v59+s12+$0x0], $0xffff;
	v2 =	vadd.f32 v3, v2;
	v3 =	vmul.f32 v58, v57  }
0x41b: {  	v20 =	vor.u32 $0x72, v1;
	v19 =	vld.idx.msk [tilespmem:v59+s13+$0x0], $0xffff  }
0x41c: {  	v21 =	vld.idx.msk [tilespmem:v62+s12+$0x0], $0xffff;
	v2 =	vadd.f32 v3, v2;
	v3 =	vmul.f32 v61, v60  }
0x41d: {  	v23 =	vor.u32 $0x73, v1;
	v22 =	vld.idx.msk [tilespmem:v62+s13+$0x0], $0xffff  }
0x41e: {  	v24 =	vld.idx.msk [tilespmem:v17+s12+$0x0], $0xffff;
	v2 =	vadd.f32 v3, v2;
	v3 =	vmul.f32 v16, v63  }
0x41f: {  	v26 =	vor.u32 $0x74, v1;
	v25 =	vld.idx.msk [tilespmem:v17+s13+$0x0], $0xffff  }
0x420: {  	v27 =	vld.idx.msk [tilespmem:v20+s12+$0x0], $0xffff;
	v2 =	vadd.f32 v3, v2;
	v3 =	vmul.f32 v19, v18  }
0x421: {  	v29 =	vor.u32 $0x75, v1;
	v28 =	vld.idx.msk [tilespmem:v20+s13+$0x0], $0xffff  }
0x422: {  	v30 =	vld.idx.msk [tilespmem:v23+s12+$0x0], $0xffff;
	v2 =	vadd.f32 v3, v2;
	v3 =	vmul.f32 v22, v21  }
0x423: {  	v32 =	vor.u32 $0x76, v1;
	v31 =	vld.idx.msk [tilespmem:v23+s13+$0x0], $0xffff  }
0x424: {  	v33 =	vld.idx.msk [tilespmem:v26+s12+$0x0], $0xffff;
	v2 =	vadd.f32 v3, v2;
	v3 =	vmul.f32 v25, v24  }
0x425: {  	v35 =	vor.u32 $0x77, v1;
	v34 =	vld.idx.msk [tilespmem:v26+s13+$0x0], $0xffff  }
0x426: {  	v36 =	vld.idx.msk [tilespmem:v29+s12+$0x0], $0xffff;
	v2 =	vadd.f32 v3, v2;
	v3 =	vmul.f32 v28, v27  }
0x427: {  	v38 =	vor.u32 $0x78, v1;
	v37 =	vld.idx.msk [tilespmem:v29+s13+$0x0], $0xffff  }
0x428: {  	v39 =	vld.idx.msk [tilespmem:v32+s12+$0x0], $0xffff;
	v2 =	vadd.f32 v3, v2;
	v3 =	vmul.f32 v31, v30  }
0x429: {  	v41 =	vor.u32 $0x79, v1;
	v40 =	vld.idx.msk [tilespmem:v32+s13+$0x0], $0xffff  }
0x42a: {  	v42 =	vld.idx.msk [tilespmem:v35+s12+$0x0], $0xffff;
	v2 =	vadd.f32 v3, v2;
	v3 =	vmul.f32 v34, v33  }
0x42b: {  	v44 =	vor.u32 $0x7A, v1;
	v43 =	vld.idx.msk [tilespmem:v35+s13+$0x0], $0xffff  }
0x42c: {  	v45 =	vld.idx.msk [tilespmem:v38+s12+$0x0], $0xffff;
	v2 =	vadd.f32 v3, v2;
	v3 =	vmul.f32 v37, v36  }
0x42d: {  	v47 =	vor.u32 $0x7B, v1;
	v46 =	vld.idx.msk [tilespmem:v38+s13+$0x0], $0xffff  }
0x42e: {  	v48 =	vld.idx.msk [tilespmem:v41+s12+$0x0], $0xffff;
	v2 =	vadd.f32 v3, v2;
	v3 =	vmul.f32 v40, v39  }
0x42f: {  	v50 =	vor.u32 $0x7C, v1;
	v49 =	vld.idx.msk [tilespmem:v41+s13+$0x0], $0xffff  }
0x430: {  	v51 =	vld.idx.msk [tilespmem:v44+s12+$0x0], $0xffff;
	v2 =	vadd.f32 v3, v2;
	v3 =	vmul.f32 v43, v42  }
0x431: {  	v53 =	vor.u32 $0x7D, v1;
	v52 =	vld.idx.msk [tilespmem:v44+s13+$0x0], $0xffff  }
0x432: {  	v54 =	vld.idx.msk [tilespmem:v47+s12+$0x0], $0xffff;
	v2 =	vadd.f32 v3, v2;
	v3 =	vmul.f32 v46, v45  }
0x433: {  	v56 =	vor.u32 $0x7E, v1;
	v55 =	vld.idx.msk [tilespmem:v47+s13+$0x0], $0xffff  }
0x434: {  	v57 =	vld.idx.msk [tilespmem:v50+s12+$0x0], $0xffff;
	v2 =	vadd.f32 v3, v2;
	v3 =	vmul.f32 v49, v48  }
0x435: {  	v1 =	vor.u32 $0x7F, v1;
	v58 =	vld.idx.msk [tilespmem:v50+s13+$0x0], $0xffff  }
0x436: {  	v59 =	vld.idx.msk [tilespmem:v53+s12+$0x0], $0xffff;
	v2 =	vadd.f32 v3, v2;
	v3 =	vmul.f32 v52, v51  }
0x437: {  	v60 =	vld.idx.msk [tilespmem:v53+s13+$0x0], $0xffff  }
0x438: {  	v62 =	vld.idx.msk [tilespmem:v56+s13+$0x0], $0xffff;
	v2 =	vadd.f32 v3, v2;
	v3 =	vmul.f32 v55, v54  }
0x439: {  	v61 =	vld.idx.msk [tilespmem:v56+s12+$0x0], $0xffff  }
0x43a: {  	v63 =	vld.idx.msk [tilespmem:v1+s12+$0x0], $0xffff;
	v2 =	vadd.f32 v3, v2;
	v3 =	vmul.f32 v58, v57  }
0x43b: {  	v1 =	vld.idx.msk [tilespmem:v1+s13+$0x0], $0xffff  }
0x43c: {  	v2 =	vadd.f32 v3, v2;
	v3 =	vmul.f32 v60, v59;
	_ =	sdelay $0x1  }
0x43d: {  	v2 =	vadd.f32 v3, v2;
	v3 =	vmul.f32 v62, v61;
	_ =	sdelay $0x1  }
0x43e: {  	v1 =	vmul.f32 v1, v63;
	v2 =	vadd.f32 v3, v2;
	_ =	sdelay $0x1  }
0x43f: {  	s18 =	sadd.s32 $0x1, s18;
	v1 =	vadd.f32 v1, v2  }
0x440: {  	p0 =	sne.s32 s18, $0x19;
	s20 =	sadd.s32 $0x10, s20  }
.Ltmp1:
0x441: {  	s19 =	sadd.s32 s3, s19;
	[tilespmem:s20+$0x0] =	vst v1;
	(pc) =	sbr.rel @p0 .LBB2_2-.Ltmp1, $4  }
0x442: {  	[hbm4b:s19+s5] =	stream.linear.scatter [tilespmem:s16], [sflag:$0x3], $0x190, $0x38;
	[tilespmem:$0x19600] =	vst v63  }
0x443: {  	_ =	swait.ge [sflag:s9], $0x190  }
0x444: {  	[sflag:s9] =	ssyncset.done $0x0  }
0x445: {  	[sflag:s9] =	ssyncadd.s32 $0xFFFFFE70  }
0x446: {  	s17 =	sadd.s32 $0x1, s17  }
0x447: {  	p0 =	sne.s32 s17, s8  }
.Ltmp2:
0x448: {  	_ = 	snop;
	(pc) =	sbr.rel @p0 .LBB2_1-.Ltmp2, $1  }
0x449: {  	_ =	sdelay $0x3  }
0x44a: {  	_ =	sfence.sel $0x180000  }
0x44b: {  	[bflag:$0x0] =	sbarrier.arrive $0xFFFF  }
0x44c: {  	p0 =	sne.s32 s4, $0x0;
	_ =	strace $0x90000047  }
0x44d: {  	s0 =	sadd.s32 @!p0 $0x100000, s0;
	[bflag:$0x2] =	sbarrier.arrive $0xFFFF  }
0x44e: {  	[sflag:s0] =	ssyncadd.tile.s32 @!p0 $0x1;
	_ =	shalt  }
.Lfunc_end2:
_tile_overlayer_lowered:
.L_overlay_start_2:
0x44f: {  	(tag) =	ssettag $0x2  }
0x450: {  	s0 =	rddreg [dreg:$0x0];
	s2 =	stileid.u32  }
0x451: {  	s1 =	rddreg [dreg:$0x1];
	p0 =	sne.s32 s2, $0x0  }
0x452: {  	s3 =	rddreg [dreg:$0x2];
	[bflag:$0x3] =	sbarrier.arrive $0xFFFF;
	s2 =	simm.s32 @!p0 $0x1C03  }
0x453: {  	[timem:s3], [sflag:s2] =	dma.local @!p0 [hbm:s0], s1  }
0x454: {  	s0 =	simm.s32 @!p0 $0x3  }
0x455: {  	_ =	swait.ge @!p0 [sflag:s0], s1  }
0x456: {  	s1 =	ssub.s32 @!p0 $0x0, s1;
	[sflag:s0] =	ssyncset.done @!p0 $0x0  }
0x457: {  	[sflag:s0] =	ssyncadd.s32 @!p0 s1  }
0x458: {  	[bflag:$0x3] =	sbarrier.arrive $0xFFFF  }
0x459: {  	_ =	shalt  }

</sc_bundles>
